<compile_context>
chip_gen: v7x
topology: tpu7x:2x2x1
jax: 0.10.2.dev20260603
libtpu: 0.0.44.dev20260713+nightly
codegen_flags: <defaults>
</compile_context>

<pallas_src>
import functools

import jax
import jax.numpy as jnp
from jax import lax
from jax.experimental import pallas as pl
from jax.experimental.pallas import tpu as pltpu
from jax.experimental.pallas import tpu_sc as plsc

N = 10000
E = 320000
D = 128
OUT = 40
OUTP = 128
NPAD = 10240
NW = 32
CHUNK = 128
EPT = 10240
NCH = EPT // CHUNK
EPAD = NW * EPT
TOTAL_CH = EPAD // CHUNK
RPT = NPAD // 16

@functools.cache
def _mesh():
    return plsc.VectorSubcoreMesh(core_axis_name="c", subcore_axis_name="s")



def _sc_degree(dst3, zerosD, onesD):
    K = 8

    def body(dst3_hbm, zeros_hbm, ones_hbm, out_hbm, dst_v, ones_v, acc_sh,
             semA, semB):
        sems = [semA, semB]
        c = lax.axis_index("c")
        s = lax.axis_index("s")
        w = c * 16 + s
        pltpu.sync_copy(zeros_hbm.at[pl.ds(s * RPT, RPT)],
                        acc_sh.at[pl.ds(s * RPT, RPT)])
        pltpu.sync_copy(ones_hbm, ones_v)
        pltpu.sync_copy(dst3_hbm.at[pl.ds(w * NCH, NCH)], dst_v)
        plsc.subcore_barrier()

        def sg(Gs, _):
            for par in range(2):
                Gr = Gs * 2 + par

                @pl.when(Gr >= 1)
                def _():
                    for _k in range(K):
                        pltpu.make_async_copy(ones_v, acc_sh.at[dst_v.at[0]],
                                              sems[1 - par]).wait()
                for k in range(K):
                    j = Gr * K + k
                    pltpu.async_copy(ones_v, acc_sh.at[dst_v.at[j]],
                                     sems[par], add=True)
            return 0
        lax.fori_loop(0, NCH // (2 * K), sg, 0)
        for _k in range(K):
            pltpu.make_async_copy(ones_v, acc_sh.at[dst_v.at[0]],
                                  sems[1]).wait()
        plsc.subcore_barrier()
        pltpu.sync_copy(acc_sh.at[pl.ds(s * RPT, RPT)],
                        out_hbm.at[c].at[pl.ds(s * RPT, RPT)])

    f = pl.kernel(
        body,
        out_type=jax.ShapeDtypeStruct((2, NPAD, D), jnp.float32),
        mesh=_mesh(),
        scratch_types=[
            pltpu.VMEM((NCH, CHUNK), jnp.int32),
            pltpu.VMEM((CHUNK, D), jnp.float32),
            pltpu.VMEM_SHARED((NPAD, D), jnp.float32),
            pltpu.SemaphoreType.DMA,
            pltpu.SemaphoreType.DMA,
        ],
    )
    return f(dst3, zerosD, onesD)


def _sc_edge_scatter(width):
    IDXC = 8

    def body(src3_hbm, dst3_hbm, g_hbm, zeros_hbm, out_hbm,
             src_v, dst_v, r0, r1, acc_sh, g0, g1, s0, s1):
        rows = [r0, r1]
        gsem = [g0, g1]
        ssem = [s0, s1]
        c = lax.axis_index("c")
        s = lax.axis_index("s")
        start = (c * 16 + s) * NCH
        pltpu.sync_copy(zeros_hbm.at[pl.ds(s * RPT, RPT)],
                        acc_sh.at[pl.ds(s * RPT, RPT)])
        plsc.subcore_barrier()

        def block(q, _):
            base = start + q * IDXC
            pltpu.sync_copy(src3_hbm.at[pl.ds(base, IDXC)], src_v)
            pltpu.sync_copy(dst3_hbm.at[pl.ds(base, IDXC)], dst_v)
            pltpu.async_copy(g_hbm.at[src_v.at[0]], rows[0], gsem[0])

            def pair(jj, _):
                for bi in range(2):
                    j = jj * 2 + bi

                    @pl.when(j >= 1)
                    def _():
                        pltpu.make_async_copy(rows[1 - bi],
                                              acc_sh.at[dst_v.at[0]],
                                              ssem[1 - bi]).wait()

                    @pl.when(j + 1 < IDXC)
                    def _():
                        pltpu.async_copy(g_hbm.at[src_v.at[j + 1]],
                                         rows[1 - bi], gsem[1 - bi])
                    pltpu.make_async_copy(g_hbm.at[src_v.at[j]], rows[bi],
                                          gsem[bi]).wait()
                    pltpu.async_copy(rows[bi], acc_sh.at[dst_v.at[j]],
                                     ssem[bi], add=True)
                return 0
            lax.fori_loop(0, IDXC // 2, pair, 0)
            pltpu.make_async_copy(rows[(IDXC - 1) % 2], acc_sh.at[dst_v.at[0]],
                                  ssem[(IDXC - 1) % 2]).wait()
            return 0
        lax.fori_loop(0, NCH // IDXC, block, 0)
        plsc.subcore_barrier()
        pltpu.sync_copy(acc_sh.at[pl.ds(s * RPT, RPT)],
                        out_hbm.at[c].at[pl.ds(s * RPT, RPT)])

    return pl.kernel(
        body,
        out_type=jax.ShapeDtypeStruct((2, NPAD, width), jnp.float32),
        mesh=_mesh(),
        scratch_types=[
            pltpu.VMEM((IDXC, CHUNK), jnp.int32),
            pltpu.VMEM((IDXC, CHUNK), jnp.int32),
            pltpu.VMEM((CHUNK, width), jnp.float32),
            pltpu.VMEM((CHUNK, width), jnp.float32),
            pltpu.VMEM_SHARED((NPAD, width), jnp.float32),
        ] + [pltpu.SemaphoreType.DMA] * 4,
    )



BR = 1024
NB = NPAD // BR


def _tc_prep_body(x_ref, w1_ref, wsk_ref, bsk_ref, degp_ref,
                  g1_ref, hsk_ref, dis_ref):
    i = pl.program_id(0)
    deg = degp_ref[0, :, 0] + degp_ref[1, :, 0] + 1.0
    dis = lax.rsqrt(deg)[:, None]
    rows = lax.broadcasted_iota(jnp.int32, (BR, 1), 0) + i * BR
    dis = jnp.where(rows < N, dis, 0.0)
    h1 = jnp.dot(x_ref[...], w1_ref[...], preferred_element_type=jnp.float32)
    g1_ref[...] = dis * h1
    hsk_ref[...] = (
        jnp.dot(x_ref[...], wsk_ref[...], preferred_element_type=jnp.float32)
        + bsk_ref[...])
    dis_ref[...] = jnp.broadcast_to(dis, (BR, 8))


def _tc_prep(xp, W1, Wskip, bskip, degp):
    return pl.pallas_call(
        _tc_prep_body,
        grid=(NB,),
        in_specs=[
            pl.BlockSpec((BR, D), lambda i: (i, 0)),
            pl.BlockSpec((D, D), lambda i: (0, 0)),
            pl.BlockSpec((D, D), lambda i: (0, 0)),
            pl.BlockSpec((1, D), lambda i: (0, 0)),
            pl.BlockSpec((2, BR, D), lambda i: (0, i, 0)),
        ],
        out_specs=[
            pl.BlockSpec((BR, D), lambda i: (i, 0)),
            pl.BlockSpec((BR, D), lambda i: (i, 0)),
            pl.BlockSpec((BR, 8), lambda i: (i, 0)),
        ],
        out_shape=[
            jax.ShapeDtypeStruct((NPAD, D), jnp.float32),
            jax.ShapeDtypeStruct((NPAD, D), jnp.float32),
            jax.ShapeDtypeStruct((NPAD, 8), jnp.float32),
        ],
    )(xp, W1, Wskip, bskip, degp)


def _tc_conv1_body(accp_ref, g1_ref, dis_ref, b1_ref, out1_ref, stats_ref):
    i = pl.program_id(0)
    s1 = accp_ref[0] + accp_ref[1] + g1_ref[...]
    out1 = dis_ref[:, 0:1] * s1 + b1_ref[...]
    out1_ref[...] = out1
    rows = lax.broadcasted_iota(jnp.int32, (BR, 1), 0) + i * BR
    v = jnp.where(rows < N, out1, 0.0)

    @pl.when(i == 0)
    def _():
        stats_ref[...] = jnp.zeros_like(stats_ref)
    stats_ref[0, :] += jnp.sum(v, axis=0)
    stats_ref[1, :] += jnp.sum(v * v, axis=0)


def _tc_conv1(accp, g1, dis8, b1):
    return pl.pallas_call(
        _tc_conv1_body,
        grid=(NB,),
        in_specs=[
            pl.BlockSpec((2, BR, D), lambda i: (0, i, 0)),
            pl.BlockSpec((BR, D), lambda i: (i, 0)),
            pl.BlockSpec((BR, 8), lambda i: (i, 0)),
            pl.BlockSpec((1, D), lambda i: (0, 0)),
        ],
        out_specs=[
            pl.BlockSpec((BR, D), lambda i: (i, 0)),
            pl.BlockSpec((2, D), lambda i: (0, 0)),
        ],
        out_shape=[
            jax.ShapeDtypeStruct((NPAD, D), jnp.float32),
            jax.ShapeDtypeStruct((2, D), jnp.float32),
        ],
    )(accp, g1, dis8, b1)


def _tc_mid_body(out1_ref, stats_ref, gam_ref, bet_ref, hsk_ref, w2_ref,
                 dis_ref, g2_ref):
    mean = stats_ref[0, :] / N
    var = stats_ref[1, :] / N - mean * mean
    inv = gam_ref[0, :] * lax.rsqrt(var + 1e-5)
    bn = (out1_ref[...] - mean[None, :]) * inv[None, :] + bet_ref[...]
    h = jnp.maximum(bn, 0.0) + hsk_ref[...]
    z2 = jnp.dot(h, w2_ref[...], preferred_element_type=jnp.float32)
    g2_ref[...] = dis_ref[:, 0:1] * z2


def _tc_mid(out1, stats, gamma1, beta1, hsk, W2p, dis8):
    return pl.pallas_call(
        _tc_mid_body,
        grid=(NB,),
        in_specs=[
            pl.BlockSpec((BR, D), lambda i: (i, 0)),
            pl.BlockSpec((2, D), lambda i: (0, 0)),
            pl.BlockSpec((1, D), lambda i: (0, 0)),
            pl.BlockSpec((1, D), lambda i: (0, 0)),
            pl.BlockSpec((BR, D), lambda i: (i, 0)),
            pl.BlockSpec((D, OUTP), lambda i: (0, 0)),
            pl.BlockSpec((BR, 8), lambda i: (i, 0)),
        ],
        out_specs=pl.BlockSpec((BR, OUTP), lambda i: (i, 0)),
        out_shape=jax.ShapeDtypeStruct((NPAD, OUTP), jnp.float32),
    )(out1, stats, gamma1, beta1, hsk, W2p, dis8)


def _tc_final_body(acc2_ref, g2_ref, dis_ref, b2_ref, o_ref):
    s2 = acc2_ref[0] + acc2_ref[1] + g2_ref[...]
    o = dis_ref[:, 0:1] * s2 + b2_ref[...]
    col = lax.broadcasted_iota(jnp.int32, (BR, OUTP), 1)
    valid = col < OUT
    om = jnp.where(valid, o, -1e30)
    mx = jnp.max(om, axis=1, keepdims=True)
    e = jnp.where(valid, jnp.exp(om - mx), 0.0)
    lse = jnp.log(jnp.sum(e, axis=1, keepdims=True))
    o_ref[...] = om - mx - lse


def _tc_final(acc2, g2, dis8, b2p):
    return pl.pallas_call(
        _tc_final_body,
        grid=(NB,),
        in_specs=[
            pl.BlockSpec((2, BR, OUTP), lambda i: (0, i, 0)),
            pl.BlockSpec((BR, OUTP), lambda i: (i, 0)),
            pl.BlockSpec((BR, 8), lambda i: (i, 0)),
            pl.BlockSpec((1, OUTP), lambda i: (0, 0)),
        ],
        out_specs=pl.BlockSpec((BR, OUTP), lambda i: (i, 0)),
        out_shape=jax.ShapeDtypeStruct((NPAD, OUTP), jnp.float32),
    )(acc2, g2, dis8, b2p)



def kernel(x, edge_index, W1, b1, gamma1, beta1, Wskip, bskip, W2, b2):
    xp = jnp.zeros((NPAD, D), jnp.float32).at[:N].set(x)
    src = edge_index[0]
    dst = edge_index[1]
    pad = N + (jnp.arange(EPAD - E, dtype=jnp.int32) % (NPAD - N))
    src3 = jnp.concatenate([src, pad]).reshape(TOTAL_CH, CHUNK)
    dst3 = jnp.concatenate([dst, pad]).reshape(TOTAL_CH, CHUNK)

    onesD = jnp.ones((CHUNK, D), jnp.float32)
    zerosD = jnp.zeros((NPAD, D), jnp.float32)
    zerosP = jnp.zeros((NPAD, OUTP), jnp.float32)
    W2p = jnp.zeros((D, OUTP), jnp.float32).at[:, :OUT].set(W2)
    b2p = jnp.zeros((1, OUTP), jnp.float32).at[0, :OUT].set(b2)

    degp = _sc_degree(dst3, zerosD, onesD)
    g1, hsk, dis8 = _tc_prep(xp, W1, Wskip, bskip.reshape(1, D), degp)
    accp = _sc_edge_scatter(D)(src3, dst3, g1, zerosD)
    out1, stats = _tc_conv1(accp, g1, dis8, b1.reshape(1, D))
    g2 = _tc_mid(out1, stats, gamma1.reshape(1, D), beta1.reshape(1, D),
                 hsk, W2p, dis8)
    acc2 = _sc_edge_scatter(OUTP)(src3, dst3, g2, zerosP)
    o = _tc_final(acc2, g2, dis8, b2p)
    return o[:N, :OUT]

# --- scband reference (transcript-rebuilt; emitter-appended) ---
"""Pipeline reference for scband-improved-gcn-4939212391158 (READ-ONLY COPY).

The authoritative reference and input builder live on the scoring server;
editing this copy changes nothing except your own understanding.
"""

import jax, jax.numpy as jnp
import numpy as np

N = 10000
E = 320000
IN_DIM = 128
HID = 128
OUT = 40


def setup_inputs(seed: int = 0) -> dict:
    key = jax.random.key(seed)
    ks = jax.random.split(key, 12)
    x = jax.random.normal(ks[0], (N, IN_DIM), dtype=jnp.float32)
    edge_index = jax.random.randint(ks[1], (2, E), 0, N, dtype=jnp.int32)
    # GCNConv 1: in_dim -> hidden_dim
    W1 = jax.random.normal(ks[2], (IN_DIM, HID), dtype=jnp.float32) / np.sqrt(IN_DIM)
    b1 = jnp.zeros((HID,), dtype=jnp.float32)
    # BatchNorm1d(hidden_dim)
    gamma1 = jnp.ones((HID,), dtype=jnp.float32)
    beta1 = jnp.zeros((HID,), dtype=jnp.float32)
    # skip projection Linear(in_dim, hidden_dim)
    Wskip = jax.random.normal(ks[3], (IN_DIM, HID), dtype=jnp.float32) / np.sqrt(IN_DIM)
    bskip = jnp.zeros((HID,), dtype=jnp.float32)
    # GCNConv 2: hidden_dim -> out_dim
    W2 = jax.random.normal(ks[4], (HID, OUT), dtype=jnp.float32) / np.sqrt(HID)
    b2 = jnp.zeros((OUT,), dtype=jnp.float32)
    return {"x": x, "edge_index": edge_index, "W1": W1, "b1": b1,
            "gamma1": gamma1, "beta1": beta1, "Wskip": Wskip, "bskip": bskip,
            "W2": W2, "b2": b2}


def _gcn_conv(x, src, dst, W, b, num_nodes):
    # GCNConv with added self-loops and symmetric normalization:
    # out = D^{-1/2} (A + I) D^{-1/2} X W + b
    loop = jnp.arange(num_nodes, dtype=src.dtype)
    s = jnp.concatenate([src, loop])
    d = jnp.concatenate([dst, loop])
    ones = jnp.ones(s.shape[0], dtype=x.dtype)
    deg = jax.ops.segment_sum(ones, d, num_segments=num_nodes)
    deg_inv_sqrt = jnp.where(deg > 0, 1.0 / jnp.sqrt(deg), 0.0)
    norm = deg_inv_sqrt[s] * deg_inv_sqrt[d]
    h = x @ W
    msg = h[s] * norm[:, None]
    out = jax.ops.segment_sum(msg, d, num_segments=num_nodes)
    return out + b


def _batchnorm(x, gamma, beta, eps=1e-5):
    mean = jnp.mean(x, axis=0)
    var = jnp.var(x, axis=0)
    return (x - mean) / jnp.sqrt(var + eps) * gamma + beta


def reference(x, edge_index, W1, b1, gamma1, beta1, Wskip, bskip, W2, b2):
    src = edge_index[0]
    dst = edge_index[1]
    identity = x
    h = _gcn_conv(x, src, dst, W1, b1, N)
    h = _batchnorm(h, gamma1, beta1)
    h = jax.nn.relu(h)
    # dropout is identity in eval mode
    h = h + (identity @ Wskip + bskip)
    out = _gcn_conv(h, src, dst, W2, b2, N)
    return jax.nn.log_softmax(out, axis=1)

if __name__ == "__main__":
    import jax
    _d = setup_inputs()
    print(jax.jit(kernel)(*tuple(_d.values())))

</pallas_src>

<mosaic_0001>
#map = affine_map<(d0, d1) -> (0, 0)>
#map1 = affine_map<(d0, d1) -> (0, 0, 0)>
module attributes {stable_mosaic.version = 14 : i64} {
  func.func @body(%arg0: i32, %arg1: i32, %arg2: memref<2560x128xi32, #tpu.memory_space<hbm>>, %arg3: memref<10240x128xf32, #tpu.memory_space<hbm>>, %arg4: memref<128x128xf32, #tpu.memory_space<hbm>>, %arg5: memref<2x10240x128xf32, #tpu.memory_space<hbm>>, %arg6: memref<80x128xi32, #tpu.memory_space<vmem>>, %arg7: memref<128x128xf32, #tpu.memory_space<vmem>>, %arg8: memref<10240x128xf32, #tpu.memory_space<vmem_shared>>, %arg9: memref<!tpu.dma_semaphore, #tpu.memory_space<semaphore_mem>>, %arg10: memref<!tpu.dma_semaphore, #tpu.memory_space<semaphore_mem>>) attributes {dimension_semantics = [#tpu.dimension_semantics<core_parallel>, #tpu.dimension_semantics<subcore_parallel>], iteration_bounds = array<i64: 2, 16>, scalar_prefetch = 0 : i64, scratch_operands = 5 : i64, tpu.core_type = #tpu.core_type<sc_vector_subcore>, window_params = [{transform_indices = #map}, {transform_indices = #map}, {transform_indices = #map}, {transform_indices = #map1}]} {
    %mul3A = arith.constant 16 : i32
    %mul3A_0 = arith.muli %arg0, %mul3A : i32
    %add3A = arith.addi %mul3A_0, %arg1 : i32
    %mul3A_1 = arith.constant 640 : i32
    %mul3A_2 = arith.muli %arg1, %mul3A_1 : i32
    %mul3A_3 = arith.constant 640 : i32
    %mul3A_4 = arith.muli %arg1, %mul3A_3 : i32
    "tpu.region"() ({
      %run_scoped3A = tpu.sem_alloc : memref<!tpu.dma_semaphore, #tpu.memory_space<semaphore_mem>>
      %dma_start3A = arith.constant 0 : i32
      %dma_start3A_73 = tpu.memref_slice %arg8[%mul3A_4, %dma_start3A] : memref<10240x128xf32, #tpu.memory_space<vmem_shared>> -> memref<640x128xf32, #tpu.memory_space<vmem_shared>>
      %dma_start3A_74 = arith.constant 0 : i32
      %dma_start3A_75 = tpu.memref_slice %arg3[%mul3A_2, %dma_start3A_74] : memref<10240x128xf32, #tpu.memory_space<hbm>> -> memref<640x128xf32, #tpu.memory_space<hbm>>
      tpu.enqueue_dma source(%dma_start3A_75 : memref<640x128xf32, #tpu.memory_space<hbm>>) target(%dma_start3A_73 : memref<640x128xf32, #tpu.memory_space<vmem_shared>>) target_semaphore(%run_scoped3A : memref<!tpu.dma_semaphore, #tpu.memory_space<semaphore_mem>>)
      %dma_wait3A_76 = arith.constant 0 : i32
      %dma_wait3A_77 = tpu.memref_slice %arg8[%mul3A_4, %dma_wait3A_76] : memref<10240x128xf32, #tpu.memory_space<vmem_shared>> -> memref<640x128xf32, #tpu.memory_space<vmem_shared>>
      %dma_wait3A_78 = arith.constant 0 : i32
      %dma_wait3A_79 = tpu.memref_slice %arg3[%mul3A_2, %dma_wait3A_78] : memref<10240x128xf32, #tpu.memory_space<hbm>> -> memref<640x128xf32, #tpu.memory_space<hbm>>
      tpu.wait_dma2 semaphore(%run_scoped3A : memref<!tpu.dma_semaphore, #tpu.memory_space<semaphore_mem>>) src(%dma_wait3A_79 : memref<640x128xf32, #tpu.memory_space<hbm>>) dst(%dma_wait3A_77 : memref<640x128xf32, #tpu.memory_space<vmem_shared>>)
      tpu.yield
    }) : () -> ()
    "tpu.region"() ({
      %run_scoped3A = tpu.sem_alloc : memref<!tpu.dma_semaphore, #tpu.memory_space<semaphore_mem>>
      tpu.enqueue_dma source(%arg4 : memref<128x128xf32, #tpu.memory_space<hbm>>) target(%arg7 : memref<128x128xf32, #tpu.memory_space<vmem>>) target_semaphore(%run_scoped3A : memref<!tpu.dma_semaphore, #tpu.memory_space<semaphore_mem>>)
      tpu.wait_dma2 semaphore(%run_scoped3A : memref<!tpu.dma_semaphore, #tpu.memory_space<semaphore_mem>>) src(%arg4 : memref<128x128xf32, #tpu.memory_space<hbm>>) dst(%arg7 : memref<128x128xf32, #tpu.memory_space<vmem>>)
      tpu.yield
    }) : () -> ()
    %mul3A_5 = arith.constant 80 : i32
    %mul3A_6 = arith.muli %add3A, %mul3A_5 : i32
    "tpu.region"() ({
      %run_scoped3A = tpu.sem_alloc : memref<!tpu.dma_semaphore, #tpu.memory_space<semaphore_mem>>
      %dma_start3A = arith.constant 0 : i32
      %dma_start3A_73 = tpu.memref_slice %arg2[%mul3A_6, %dma_start3A] : memref<2560x128xi32, #tpu.memory_space<hbm>> -> memref<80x128xi32, #tpu.memory_space<hbm>>
      %dma_start3A_74 = arith.constant 0 : i32
      %dma_start3A_75 = tpu.memref_slice %arg2[%mul3A_6, %dma_start3A_74] : memref<2560x128xi32, #tpu.memory_space<hbm>> -> memref<80x128xi32, #tpu.memory_space<hbm>>
      tpu.enqueue_dma source(%dma_start3A_75 : memref<80x128xi32, #tpu.memory_space<hbm>>) target(%arg6 : memref<80x128xi32, #tpu.memory_space<vmem>>) target_semaphore(%run_scoped3A : memref<!tpu.dma_semaphore, #tpu.memory_space<semaphore_mem>>)
      %dma_wait3A_76 = arith.constant 0 : i32
      %dma_wait3A_77 = tpu.memref_slice %arg2[%mul3A_6, %dma_wait3A_76] : memref<2560x128xi32, #tpu.memory_space<hbm>> -> memref<80x128xi32, #tpu.memory_space<hbm>>
      %dma_wait3A_78 = arith.constant 0 : i32
      %dma_wait3A_79 = tpu.memref_slice %arg2[%mul3A_6, %dma_wait3A_78] : memref<2560x128xi32, #tpu.memory_space<hbm>> -> memref<80x128xi32, #tpu.memory_space<hbm>>
      tpu.wait_dma2 semaphore(%run_scoped3A : memref<!tpu.dma_semaphore, #tpu.memory_space<semaphore_mem>>) src(%dma_wait3A_79 : memref<80x128xi32, #tpu.memory_space<hbm>>) dst(%arg6 : memref<80x128xi32, #tpu.memory_space<vmem>>)
      tpu.yield
    }) : () -> ()
    %barrier3A = arith.constant 0 : index
    tpu.barrier barrier_id(%barrier3A)
    %scan3A = arith.constant 0 : i32
    %scan3A_7 = arith.constant 0 : i32
    %scan3A_8 = arith.constant 5 : i32
    %scan3A_9 = arith.addi %scan3A_7, %scan3A_8 : i32
    %scan3A_10 = arith.constant 1 : i32
    %scan3A_11 = scf.for %scan3A_73 = %scan3A_7 to %scan3A_9 step %scan3A_10 iter_args(%scan3A_74 = %scan3A) -> (i32)  : i32 {
      %mul3A_75 = arith.constant 2 : i32
      %mul3A_76 = arith.muli %scan3A_73, %mul3A_75 : i32
      %add3A_77 = arith.constant 0 : i32
      %add3A_78 = arith.addi %mul3A_76, %add3A_77 : i32
      %ge3A = arith.constant 1 : i32
      %ge3A_79 = arith.cmpi sge, %add3A_78, %ge3A : i32
      %convert_element_type3A = arith.extui %ge3A_79 : i1 to i32
      %cond3A = arith.constant 0 : i32
      %cond3A_80 = arith.cmpi ne, %convert_element_type3A, %cond3A : i32
      scf.if %cond3A_80 {
        %dma_wait3A_250 = arith.constant 0 : i32
        %dma_wait3A_251 = arith.constant 0 : i32
        %dma_wait3A_252 = tpu.memref_slice %arg6[%dma_wait3A_250, %dma_wait3A_251] : memref<80x128xi32, #tpu.memory_space<vmem>> -> memref<1x128xi32, #tpu.memory_space<vmem>>
        %dma_wait3A_253 = tpu.memref_squeeze %dma_wait3A_252 : memref<1x128xi32, #tpu.memory_space<vmem>> -> memref<128xi32, #tpu.memory_space<vmem>>
        %dma_wait3A_254 = arith.constant 0 : i32
        %dma_wait3A_255 = arith.constant 0 : i32
        %dma_wait3A_256 = tpu.memref_slice %arg8[%dma_wait3A_254, %dma_wait3A_255] : memref<10240x128xf32, #tpu.memory_space<vmem_shared>> -> memref<10240x128xf32, #tpu.memory_space<vmem_shared>>
        tpu.wait_indirect_dma semaphore(%arg10 : memref<!tpu.dma_semaphore, #tpu.memory_space<semaphore_mem>>) src(%arg7 : memref<128x128xf32, #tpu.memory_space<vmem>>) dst(%dma_wait3A_256 : memref<10240x128xf32, #tpu.memory_space<vmem_shared>>)
        %dma_wait3A_257 = arith.constant 0 : i32
        %dma_wait3A_258 = arith.constant 0 : i32
        %dma_wait3A_259 = tpu.memref_slice %arg6[%dma_wait3A_257, %dma_wait3A_258] : memref<80x128xi32, #tpu.memory_space<vmem>> -> memref<1x128xi32, #tpu.memory_space<vmem>>
        %dma_wait3A_260 = tpu.memref_squeeze %dma_wait3A_259 : memref<1x128xi32, #tpu.memory_space<vmem>> -> memref<128xi32, #tpu.memory_space<vmem>>
        %dma_wait3A_261 = arith.constant 0 : i32
        %dma_wait3A_262 = arith.constant 0 : i32
        %dma_wait3A_263 = tpu.memref_slice %arg8[%dma_wait3A_261, %dma_wait3A_262] : memref<10240x128xf32, #tpu.memory_space<vmem_shared>> -> memref<10240x128xf32, #tpu.memory_space<vmem_shared>>
        tpu.wait_indirect_dma semaphore(%arg10 : memref<!tpu.dma_semaphore, #tpu.memory_space<semaphore_mem>>) src(%arg7 : memref<128x128xf32, #tpu.memory_space<vmem>>) dst(%dma_wait3A_263 : memref<10240x128xf32, #tpu.memory_space<vmem_shared>>)
        %dma_wait3A_264 = arith.constant 0 : i32
        %dma_wait3A_265 = arith.constant 0 : i32
        %dma_wait3A_266 = tpu.memref_slice %arg6[%dma_wait3A_264, %dma_wait3A_265] : memref<80x128xi32, #tpu.memory_space<vmem>> -> memref<1x128xi32, #tpu.memory_space<vmem>>
        %dma_wait3A_267 = tpu.memref_squeeze %dma_wait3A_266 : memref<1x128xi32, #tpu.memory_space<vmem>> -> memref<128xi32, #tpu.memory_space<vmem>>
        %dma_wait3A_268 = arith.constant 0 : i32
        %dma_wait3A_269 = arith.constant 0 : i32
        %dma_wait3A_270 = tpu.memref_slice %arg8[%dma_wait3A_268, %dma_wait3A_269] : memref<10240x128xf32, #tpu.memory_space<vmem_shared>> -> memref<10240x128xf32, #tpu.memory_space<vmem_shared>>
        tpu.wait_indirect_dma semaphore(%arg10 : memref<!tpu.dma_semaphore, #tpu.memory_space<semaphore_mem>>) src(%arg7 : memref<128x128xf32, #tpu.memory_space<vmem>>) dst(%dma_wait3A_270 : memref<10240x128xf32, #tpu.memory_space<vmem_shared>>)
        %dma_wait3A_271 = arith.constant 0 : i32
        %dma_wait3A_272 = arith.constant 0 : i32
        %dma_wait3A_273 = tpu.memref_slice %arg6[%dma_wait3A_271, %dma_wait3A_272] : memref<80x128xi32, #tpu.memory_space<vmem>> -> memref<1x128xi32, #tpu.memory_space<vmem>>
        %dma_wait3A_274 = tpu.memref_squeeze %dma_wait3A_273 : memref<1x128xi32, #tpu.memory_space<vmem>> -> memref<128xi32, #tpu.memory_space<vmem>>
        %dma_wait3A_275 = arith.constant 0 : i32
        %dma_wait3A_276 = arith.constant 0 : i32
        %dma_wait3A_277 = tpu.memref_slice %arg8[%dma_wait3A_275, %dma_wait3A_276] : memref<10240x128xf32, #tpu.memory_space<vmem_shared>> -> memref<10240x128xf32, #tpu.memory_space<vmem_shared>>
        tpu.wait_indirect_dma semaphore(%arg10 : memref<!tpu.dma_semaphore, #tpu.memory_space<semaphore_mem>>) src(%arg7 : memref<128x128xf32, #tpu.memory_space<vmem>>) dst(%dma_wait3A_277 : memref<10240x128xf32, #tpu.memory_space<vmem_shared>>)
        %dma_wait3A_278 = arith.constant 0 : i32
        %dma_wait3A_279 = arith.constant 0 : i32
        %dma_wait3A_280 = tpu.memref_slice %arg6[%dma_wait3A_278, %dma_wait3A_279] : memref<80x128xi32, #tpu.memory_space<vmem>> -> memref<1x128xi32, #tpu.memory_space<vmem>>
        %dma_wait3A_281 = tpu.memref_squeeze %dma_wait3A_280 : memref<1x128xi32, #tpu.memory_space<vmem>> -> memref<128xi32, #tpu.memory_space<vmem>>
        %dma_wait3A_282 = arith.constant 0 : i32
        %dma_wait3A_283 = arith.constant 0 : i32
        %dma_wait3A_284 = tpu.memref_slice %arg8[%dma_wait3A_282, %dma_wait3A_283] : memref<10240x128xf32, #tpu.memory_space<vmem_shared>> -> memref<10240x128xf32, #tpu.memory_space<vmem_shared>>
        tpu.wait_indirect_dma semaphore(%arg10 : memref<!tpu.dma_semaphore, #tpu.memory_space<semaphore_mem>>) src(%arg7 : memref<128x128xf32, #tpu.memory_space<vmem>>) dst(%dma_wait3A_284 : memref<10240x128xf32, #tpu.memory_space<vmem_shared>>)
        %dma_wait3A_285 = arith.constant 0 : i32
        %dma_wait3A_286 = arith.constant 0 : i32
        %dma_wait3A_287 = tpu.memref_slice %arg6[%dma_wait3A_285, %dma_wait3A_286] : memref<80x128xi32, #tpu.memory_space<vmem>> -> memref<1x128xi32, #tpu.memory_space<vmem>>
        %dma_wait3A_288 = tpu.memref_squeeze %dma_wait3A_287 : memref<1x128xi32, #tpu.memory_space<vmem>> -> memref<128xi32, #tpu.memory_space<vmem>>
        %dma_wait3A_289 = arith.constant 0 : i32
        %dma_wait3A_290 = arith.constant 0 : i32
        %dma_wait3A_291 = tpu.memref_slice %arg8[%dma_wait3A_289, %dma_wait3A_290] : memref<10240x128xf32, #tpu.memory_space<vmem_shared>> -> memref<10240x128xf32, #tpu.memory_space<vmem_shared>>
        tpu.wait_indirect_dma semaphore(%arg10 : memref<!tpu.dma_semaphore, #tpu.memory_space<semaphore_mem>>) src(%arg7 : memref<128x128xf32, #tpu.memory_space<vmem>>) dst(%dma_wait3A_291 : memref<10240x128xf32, #tpu.memory_space<vmem_shared>>)
        %dma_wait3A_292 = arith.constant 0 : i32
        %dma_wait3A_293 = arith.constant 0 : i32
        %dma_wait3A_294 = tpu.memref_slice %arg6[%dma_wait3A_292, %dma_wait3A_293] : memref<80x128xi32, #tpu.memory_space<vmem>> -> memref<1x128xi32, #tpu.memory_space<vmem>>
        %dma_wait3A_295 = tpu.memref_squeeze %dma_wait3A_294 : memref<1x128xi32, #tpu.memory_space<vmem>> -> memref<128xi32, #tpu.memory_space<vmem>>
        %dma_wait3A_296 = arith.constant 0 : i32
        %dma_wait3A_297 = arith.constant 0 : i32
        %dma_wait3A_298 = tpu.memref_slice %arg8[%dma_wait3A_296, %dma_wait3A_297] : memref<10240x128xf32, #tpu.memory_space<vmem_shared>> -> memref<10240x128xf32, #tpu.memory_space<vmem_shared>>
        tpu.wait_indirect_dma semaphore(%arg10 : memref<!tpu.dma_semaphore, #tpu.memory_space<semaphore_mem>>) src(%arg7 : memref<128x128xf32, #tpu.memory_space<vmem>>) dst(%dma_wait3A_298 : memref<10240x128xf32, #tpu.memory_space<vmem_shared>>)
        %dma_wait3A_299 = arith.constant 0 : i32
        %dma_wait3A_300 = arith.constant 0 : i32
        %dma_wait3A_301 = tpu.memref_slice %arg6[%dma_wait3A_299, %dma_wait3A_300] : memref<80x128xi32, #tpu.memory_space<vmem>> -> memref<1x128xi32, #tpu.memory_space<vmem>>
        %dma_wait3A_302 = tpu.memref_squeeze %dma_wait3A_301 : memref<1x128xi32, #tpu.memory_space<vmem>> -> memref<128xi32, #tpu.memory_space<vmem>>
        %dma_wait3A_303 = arith.constant 0 : i32
        %dma_wait3A_304 = arith.constant 0 : i32
        %dma_wait3A_305 = tpu.memref_slice %arg8[%dma_wait3A_303, %dma_wait3A_304] : memref<10240x128xf32, #tpu.memory_space<vmem_shared>> -> memref<10240x128xf32, #tpu.memory_space<vmem_shared>>
        tpu.wait_indirect_dma semaphore(%arg10 : memref<!tpu.dma_semaphore, #tpu.memory_space<semaphore_mem>>) src(%arg7 : memref<128x128xf32, #tpu.memory_space<vmem>>) dst(%dma_wait3A_305 : memref<10240x128xf32, #tpu.memory_space<vmem_shared>>)
      } else {
      }
      %mul3A_81 = arith.constant 8 : i32
      %mul3A_82 = arith.muli %add3A_78, %mul3A_81 : i32
      %add3A_83 = arith.constant 0 : i32
      %add3A_84 = arith.addi %mul3A_82, %add3A_83 : i32
      %dma_start3A = arith.constant 0 : i32
      %dma_start3A_85 = tpu.memref_slice %arg6[%add3A_84, %dma_start3A] : memref<80x128xi32, #tpu.memory_space<vmem>> -> memref<1x128xi32, #tpu.memory_space<vmem>>
      %dma_start3A_86 = tpu.memref_squeeze %dma_start3A_85 : memref<1x128xi32, #tpu.memory_space<vmem>> -> memref<128xi32, #tpu.memory_space<vmem>>
      %dma_start3A_87 = arith.constant 0 : i32
      %dma_start3A_88 = arith.constant 0 : i32
      %dma_start3A_89 = tpu.memref_slice %arg8[%dma_start3A_87, %dma_start3A_88] : memref<10240x128xf32, #tpu.memory_space<vmem_shared>> -> memref<10240x128xf32, #tpu.memory_space<vmem_shared>>
      tpu.enqueue_indirect_dma source(%arg7 : memref<128x128xf32, #tpu.memory_space<vmem>>) target(%dma_start3A_89 : memref<10240x128xf32, #tpu.memory_space<vmem_shared>>) offsets(%dma_start3A_86 : memref<128xi32, #tpu.memory_space<vmem>>) semaphore(%arg9 : memref<!tpu.dma_semaphore, #tpu.memory_space<semaphore_mem>>) {add = true}
      %mul3A_90 = arith.constant 8 : i32
      %mul3A_91 = arith.muli %add3A_78, %mul3A_90 : i32
      %add3A_92 = arith.constant 1 : i32
      %add3A_93 = arith.addi %mul3A_91, %add3A_92 : i32
      %dma_start3A_94 = arith.constant 0 : i32
      %dma_start3A_95 = tpu.memref_slice %arg6[%add3A_93, %dma_start3A_94] : memref<80x128xi32, #tpu.memory_space<vmem>> -> memref<1x128xi32, #tpu.memory_space<vmem>>
      %dma_start3A_96 = tpu.memref_squeeze %dma_start3A_95 : memref<1x128xi32, #tpu.memory_space<vmem>> -> memref<128xi32, #tpu.memory_space<vmem>>
      %dma_start3A_97 = arith.constant 0 : i32
      %dma_start3A_98 = arith.constant 0 : i32
      %dma_start3A_99 = tpu.memref_slice %arg8[%dma_start3A_97, %dma_start3A_98] : memref<10240x128xf32, #tpu.memory_space<vmem_shared>> -> memref<10240x128xf32, #tpu.memory_space<vmem_shared>>
      tpu.enqueue_indirect_dma source(%arg7 : memref<128x128xf32, #tpu.memory_space<vmem>>) target(%dma_start3A_99 : memref<10240x128xf32, #tpu.memory_space<vmem_shared>>) offsets(%dma_start3A_96 : memref<128xi32, #tpu.memory_space<vmem>>) semaphore(%arg9 : memref<!tpu.dma_semaphore, #tpu.memory_space<semaphore_mem>>) {add = true}
      %mul3A_100 = arith.constant 8 : i32
      %mul3A_101 = arith.muli %add3A_78, %mul3A_100 : i32
      %add3A_102 = arith.constant 2 : i32
      %add3A_103 = arith.addi %mul3A_101, %add3A_102 : i32
      %dma_start3A_104 = arith.constant 0 : i32
      %dma_start3A_105 = tpu.memref_slice %arg6[%add3A_103, %dma_start3A_104] : memref<80x128xi32, #tpu.memory_space<vmem>> -> memref<1x128xi32, #tpu.memory_space<vmem>>
      %dma_start3A_106 = tpu.memref_squeeze %dma_start3A_105 : memref<1x128xi32, #tpu.memory_space<vmem>> -> memref<128xi32, #tpu.memory_space<vmem>>
      %dma_start3A_107 = arith.constant 0 : i32
      %dma_start3A_108 = arith.constant 0 : i32
      %dma_start3A_109 = tpu.memref_slice %arg8[%dma_start3A_107, %dma_start3A_108] : memref<10240x128xf32, #tpu.memory_space<vmem_shared>> -> memref<10240x128xf32, #tpu.memory_space<vmem_shared>>
      tpu.enqueue_indirect_dma source(%arg7 : memref<128x128xf32, #tpu.memory_space<vmem>>) target(%dma_start3A_109 : memref<10240x128xf32, #tpu.memory_space<vmem_shared>>) offsets(%dma_start3A_106 : memref<128xi32, #tpu.memory_space<vmem>>) semaphore(%arg9 : memref<!tpu.dma_semaphore, #tpu.memory_space<semaphore_mem>>) {add = true}
      %mul3A_110 = arith.constant 8 : i32
      %mul3A_111 = arith.muli %add3A_78, %mul3A_110 : i32
      %add3A_112 = arith.constant 3 : i32
      %add3A_113 = arith.addi %mul3A_111, %add3A_112 : i32
      %dma_start3A_114 = arith.constant 0 : i32
      %dma_start3A_115 = tpu.memref_slice %arg6[%add3A_113, %dma_start3A_114] : memref<80x128xi32, #tpu.memory_space<vmem>> -> memref<1x128xi32, #tpu.memory_space<vmem>>
      %dma_start3A_116 = tpu.memref_squeeze %dma_start3A_115 : memref<1x128xi32, #tpu.memory_space<vmem>> -> memref<128xi32, #tpu.memory_space<vmem>>
      %dma_start3A_117 = arith.constant 0 : i32
      %dma_start3A_118 = arith.constant 0 : i32
      %dma_start3A_119 = tpu.memref_slice %arg8[%dma_start3A_117, %dma_start3A_118] : memref<10240x128xf32, #tpu.memory_space<vmem_shared>> -> memref<10240x128xf32, #tpu.memory_space<vmem_shared>>
      tpu.enqueue_indirect_dma source(%arg7 : memref<128x128xf32, #tpu.memory_space<vmem>>) target(%dma_start3A_119 : memref<10240x128xf32, #tpu.memory_space<vmem_shared>>) offsets(%dma_start3A_116 : memref<128xi32, #tpu.memory_space<vmem>>) semaphore(%arg9 : memref<!tpu.dma_semaphore, #tpu.memory_space<semaphore_mem>>) {add = true}
      %mul3A_120 = arith.constant 8 : i32
      %mul3A_121 = arith.muli %add3A_78, %mul3A_120 : i32
      %add3A_122 = arith.constant 4 : i32
      %add3A_123 = arith.addi %mul3A_121, %add3A_122 : i32
      %dma_start3A_124 = arith.constant 0 : i32
      %dma_start3A_125 = tpu.memref_slice %arg6[%add3A_123, %dma_start3A_124] : memref<80x128xi32, #tpu.memory_space<vmem>> -> memref<1x128xi32, #tpu.memory_space<vmem>>
      %dma_start3A_126 = tpu.memref_squeeze %dma_start3A_125 : memref<1x128xi32, #tpu.memory_space<vmem>> -> memref<128xi32, #tpu.memory_space<vmem>>
      %dma_start3A_127 = arith.constant 0 : i32
      %dma_start3A_128 = arith.constant 0 : i32
      %dma_start3A_129 = tpu.memref_slice %arg8[%dma_start3A_127, %dma_start3A_128] : memref<10240x128xf32, #tpu.memory_space<vmem_shared>> -> memref<10240x128xf32, #tpu.memory_space<vmem_shared>>
      tpu.enqueue_indirect_dma source(%arg7 : memref<128x128xf32, #tpu.memory_space<vmem>>) target(%dma_start3A_129 : memref<10240x128xf32, #tpu.memory_space<vmem_shared>>) offsets(%dma_start3A_126 : memref<128xi32, #tpu.memory_space<vmem>>) semaphore(%arg9 : memref<!tpu.dma_semaphore, #tpu.memory_space<semaphore_mem>>) {add = true}
      %mul3A_130 = arith.constant 8 : i32
      %mul3A_131 = arith.muli %add3A_78, %mul3A_130 : i32
      %add3A_132 = arith.constant 5 : i32
      %add3A_133 = arith.addi %mul3A_131, %add3A_132 : i32
      %dma_start3A_134 = arith.constant 0 : i32
      %dma_start3A_135 = tpu.memref_slice %arg6[%add3A_133, %dma_start3A_134] : memref<80x128xi32, #tpu.memory_space<vmem>> -> memref<1x128xi32, #tpu.memory_space<vmem>>
      %dma_start3A_136 = tpu.memref_squeeze %dma_start3A_135 : memref<1x128xi32, #tpu.memory_space<vmem>> -> memref<128xi32, #tpu.memory_space<vmem>>
      %dma_start3A_137 = arith.constant 0 : i32
      %dma_start3A_138 = arith.constant 0 : i32
      %dma_start3A_139 = tpu.memref_slice %arg8[%dma_start3A_137, %dma_start3A_138] : memref<10240x128xf32, #tpu.memory_space<vmem_shared>> -> memref<10240x128xf32, #tpu.memory_space<vmem_shared>>
      tpu.enqueue_indirect_dma source(%arg7 : memref<128x128xf32, #tpu.memory_space<vmem>>) target(%dma_start3A_139 : memref<10240x128xf32, #tpu.memory_space<vmem_shared>>) offsets(%dma_start3A_136 : memref<128xi32, #tpu.memory_space<vmem>>) semaphore(%arg9 : memref<!tpu.dma_semaphore, #tpu.memory_space<semaphore_mem>>) {add = true}
      %mul3A_140 = arith.constant 8 : i32
      %mul3A_141 = arith.muli %add3A_78, %mul3A_140 : i32
      %add3A_142 = arith.constant 6 : i32
      %add3A_143 = arith.addi %mul3A_141, %add3A_142 : i32
      %dma_start3A_144 = arith.constant 0 : i32
      %dma_start3A_145 = tpu.memref_slice %arg6[%add3A_143, %dma_start3A_144] : memref<80x128xi32, #tpu.memory_space<vmem>> -> memref<1x128xi32, #tpu.memory_space<vmem>>
      %dma_start3A_146 = tpu.memref_squeeze %dma_start3A_145 : memref<1x128xi32, #tpu.memory_space<vmem>> -> memref<128xi32, #tpu.memory_space<vmem>>
      %dma_start3A_147 = arith.constant 0 : i32
      %dma_start3A_148 = arith.constant 0 : i32
      %dma_start3A_149 = tpu.memref_slice %arg8[%dma_start3A_147, %dma_start3A_148] : memref<10240x128xf32, #tpu.memory_space<vmem_shared>> -> memref<10240x128xf32, #tpu.memory_space<vmem_shared>>
      tpu.enqueue_indirect_dma source(%arg7 : memref<128x128xf32, #tpu.memory_space<vmem>>) target(%dma_start3A_149 : memref<10240x128xf32, #tpu.memory_space<vmem_shared>>) offsets(%dma_start3A_146 : memref<128xi32, #tpu.memory_space<vmem>>) semaphore(%arg9 : memref<!tpu.dma_semaphore, #tpu.memory_space<semaphore_mem>>) {add = true}
      %mul3A_150 = arith.constant 8 : i32
      %mul3A_151 = arith.muli %add3A_78, %mul3A_150 : i32
      %add3A_152 = arith.constant 7 : i32
      %add3A_153 = arith.addi %mul3A_151, %add3A_152 : i32
      %dma_start3A_154 = arith.constant 0 : i32
      %dma_start3A_155 = tpu.memref_slice %arg6[%add3A_153, %dma_start3A_154] : memref<80x128xi32, #tpu.memory_space<vmem>> -> memref<1x128xi32, #tpu.memory_space<vmem>>
      %dma_start3A_156 = tpu.memref_squeeze %dma_start3A_155 : memref<1x128xi32, #tpu.memory_space<vmem>> -> memref<128xi32, #tpu.memory_space<vmem>>
      %dma_start3A_157 = arith.constant 0 : i32
      %dma_start3A_158 = arith.constant 0 : i32
      %dma_start3A_159 = tpu.memref_slice %arg8[%dma_start3A_157, %dma_start3A_158] : memref<10240x128xf32, #tpu.memory_space<vmem_shared>> -> memref<10240x128xf32, #tpu.memory_space<vmem_shared>>
      tpu.enqueue_indirect_dma source(%arg7 : memref<128x128xf32, #tpu.memory_space<vmem>>) target(%dma_start3A_159 : memref<10240x128xf32, #tpu.memory_space<vmem_shared>>) offsets(%dma_start3A_156 : memref<128xi32, #tpu.memory_space<vmem>>) semaphore(%arg9 : memref<!tpu.dma_semaphore, #tpu.memory_space<semaphore_mem>>) {add = true}
      %mul3A_160 = arith.constant 2 : i32
      %mul3A_161 = arith.muli %scan3A_73, %mul3A_160 : i32
      %add3A_162 = arith.constant 1 : i32
      %add3A_163 = arith.addi %mul3A_161, %add3A_162 : i32
      %ge3A_164 = arith.constant 1 : i32
      %ge3A_165 = arith.cmpi sge, %add3A_163, %ge3A_164 : i32
      %convert_element_type3A_166 = arith.extui %ge3A_165 : i1 to i32
      %cond3A_167 = arith.constant 0 : i32
      %cond3A_168 = arith.cmpi ne, %convert_element_type3A_166, %cond3A_167 : i32
      scf.if %cond3A_168 {
        %dma_wait3A_250 = arith.constant 0 : i32
        %dma_wait3A_251 = arith.constant 0 : i32
        %dma_wait3A_252 = tpu.memref_slice %arg6[%dma_wait3A_250, %dma_wait3A_251] : memref<80x128xi32, #tpu.memory_space<vmem>> -> memref<1x128xi32, #tpu.memory_space<vmem>>
        %dma_wait3A_253 = tpu.memref_squeeze %dma_wait3A_252 : memref<1x128xi32, #tpu.memory_space<vmem>> -> memref<128xi32, #tpu.memory_space<vmem>>
        %dma_wait3A_254 = arith.constant 0 : i32
        %dma_wait3A_255 = arith.constant 0 : i32
        %dma_wait3A_256 = tpu.memref_slice %arg8[%dma_wait3A_254, %dma_wait3A_255] : memref<10240x128xf32, #tpu.memory_space<vmem_shared>> -> memref<10240x128xf32, #tpu.memory_space<vmem_shared>>
        tpu.wait_indirect_dma semaphore(%arg9 : memref<!tpu.dma_semaphore, #tpu.memory_space<semaphore_mem>>) src(%arg7 : memref<128x128xf32, #tpu.memory_space<vmem>>) dst(%dma_wait3A_256 : memref<10240x128xf32, #tpu.memory_space<vmem_shared>>)
        %dma_wait3A_257 = arith.constant 0 : i32
        %dma_wait3A_258 = arith.constant 0 : i32
        %dma_wait3A_259 = tpu.memref_slice %arg6[%dma_wait3A_257, %dma_wait3A_258] : memref<80x128xi32, #tpu.memory_space<vmem>> -> memref<1x128xi32, #tpu.memory_space<vmem>>
        %dma_wait3A_260 = tpu.memref_squeeze %dma_wait3A_259 : memref<1x128xi32, #tpu.memory_space<vmem>> -> memref<128xi32, #tpu.memory_space<vmem>>
        %dma_wait3A_261 = arith.constant 0 : i32
        %dma_wait3A_262 = arith.constant 0 : i32
        %dma_wait3A_263 = tpu.memref_slice %arg8[%dma_wait3A_261, %dma_wait3A_262] : memref<10240x128xf32, #tpu.memory_space<vmem_shared>> -> memref<10240x128xf32, #tpu.memory_space<vmem_shared>>
        tpu.wait_indirect_dma semaphore(%arg9 : memref<!tpu.dma_semaphore, #tpu.memory_space<semaphore_mem>>) src(%arg7 : memref<128x128xf32, #tpu.memory_space<vmem>>) dst(%dma_wait3A_263 : memref<10240x128xf32, #tpu.memory_space<vmem_shared>>)
        %dma_wait3A_264 = arith.constant 0 : i32
        %dma_wait3A_265 = arith.constant 0 : i32
        %dma_wait3A_266 = tpu.memref_slice %arg6[%dma_wait3A_264, %dma_wait3A_265] : memref<80x128xi32, #tpu.memory_space<vmem>> -> memref<1x128xi32, #tpu.memory_space<vmem>>
        %dma_wait3A_267 = tpu.memref_squeeze %dma_wait3A_266 : memref<1x128xi32, #tpu.memory_space<vmem>> -> memref<128xi32, #tpu.memory_space<vmem>>
        %dma_wait3A_268 = arith.constant 0 : i32
        %dma_wait3A_269 = arith.constant 0 : i32
        %dma_wait3A_270 = tpu.memref_slice %arg8[%dma_wait3A_268, %dma_wait3A_269] : memref<10240x128xf32, #tpu.memory_space<vmem_shared>> -> memref<10240x128xf32, #tpu.memory_space<vmem_shared>>
        tpu.wait_indirect_dma semaphore(%arg9 : memref<!tpu.dma_semaphore, #tpu.memory_space<semaphore_mem>>) src(%arg7 : memref<128x128xf32, #tpu.memory_space<vmem>>) dst(%dma_wait3A_270 : memref<10240x128xf32, #tpu.memory_space<vmem_shared>>)
        %dma_wait3A_271 = arith.constant 0 : i32
        %dma_wait3A_272 = arith.constant 0 : i32
        %dma_wait3A_273 = tpu.memref_slice %arg6[%dma_wait3A_271, %dma_wait3A_272] : memref<80x128xi32, #tpu.memory_space<vmem>> -> memref<1x128xi32, #tpu.memory_space<vmem>>
        %dma_wait3A_274 = tpu.memref_squeeze %dma_wait3A_273 : memref<1x128xi32, #tpu.memory_space<vmem>> -> memref<128xi32, #tpu.memory_space<vmem>>
        %dma_wait3A_275 = arith.constant 0 : i32
        %dma_wait3A_276 = arith.constant 0 : i32
        %dma_wait3A_277 = tpu.memref_slice %arg8[%dma_wait3A_275, %dma_wait3A_276] : memref<10240x128xf32, #tpu.memory_space<vmem_shared>> -> memref<10240x128xf32, #tpu.memory_space<vmem_shared>>
        tpu.wait_indirect_dma semaphore(%arg9 : memref<!tpu.dma_semaphore, #tpu.memory_space<semaphore_mem>>) src(%arg7 : memref<128x128xf32, #tpu.memory_space<vmem>>) dst(%dma_wait3A_277 : memref<10240x128xf32, #tpu.memory_space<vmem_shared>>)
        %dma_wait3A_278 = arith.constant 0 : i32
        %dma_wait3A_279 = arith.constant 0 : i32
        %dma_wait3A_280 = tpu.memref_slice %arg6[%dma_wait3A_278, %dma_wait3A_279] : memref<80x128xi32, #tpu.memory_space<vmem>> -> memref<1x128xi32, #tpu.memory_space<vmem>>
        %dma_wait3A_281 = tpu.memref_squeeze %dma_wait3A_280 : memref<1x128xi32, #tpu.memory_space<vmem>> -> memref<128xi32, #tpu.memory_space<vmem>>
        %dma_wait3A_282 = arith.constant 0 : i32
        %dma_wait3A_283 = arith.constant 0 : i32
        %dma_wait3A_284 = tpu.memref_slice %arg8[%dma_wait3A_282, %dma_wait3A_283] : memref<10240x128xf32, #tpu.memory_space<vmem_shared>> -> memref<10240x128xf32, #tpu.memory_space<vmem_shared>>
        tpu.wait_indirect_dma semaphore(%arg9 : memref<!tpu.dma_semaphore, #tpu.memory_space<semaphore_mem>>) src(%arg7 : memref<128x128xf32, #tpu.memory_space<vmem>>) dst(%dma_wait3A_284 : memref<10240x128xf32, #tpu.memory_space<vmem_shared>>)
        %dma_wait3A_285 = arith.constant 0 : i32
        %dma_wait3A_286 = arith.constant 0 : i32
        %dma_wait3A_287 = tpu.memref_slice %arg6[%dma_wait3A_285, %dma_wait3A_286] : memref<80x128xi32, #tpu.memory_space<vmem>> -> memref<1x128xi32, #tpu.memory_space<vmem>>
        %dma_wait3A_288 = tpu.memref_squeeze %dma_wait3A_287 : memref<1x128xi32, #tpu.memory_space<vmem>> -> memref<128xi32, #tpu.memory_space<vmem>>
        %dma_wait3A_289 = arith.constant 0 : i32
        %dma_wait3A_290 = arith.constant 0 : i32
        %dma_wait3A_291 = tpu.memref_slice %arg8[%dma_wait3A_289, %dma_wait3A_290] : memref<10240x128xf32, #tpu.memory_space<vmem_shared>> -> memref<10240x128xf32, #tpu.memory_space<vmem_shared>>
        tpu.wait_indirect_dma semaphore(%arg9 : memref<!tpu.dma_semaphore, #tpu.memory_space<semaphore_mem>>) src(%arg7 : memref<128x128xf32, #tpu.memory_space<vmem>>) dst(%dma_wait3A_291 : memref<10240x128xf32, #tpu.memory_space<vmem_shared>>)
        %dma_wait3A_292 = arith.constant 0 : i32
        %dma_wait3A_293 = arith.constant 0 : i32
        %dma_wait3A_294 = tpu.memref_slice %arg6[%dma_wait3A_292, %dma_wait3A_293] : memref<80x128xi32, #tpu.memory_space<vmem>> -> memref<1x128xi32, #tpu.memory_space<vmem>>
        %dma_wait3A_295 = tpu.memref_squeeze %dma_wait3A_294 : memref<1x128xi32, #tpu.memory_space<vmem>> -> memref<128xi32, #tpu.memory_space<vmem>>
        %dma_wait3A_296 = arith.constant 0 : i32
        %dma_wait3A_297 = arith.constant 0 : i32
        %dma_wait3A_298 = tpu.memref_slice %arg8[%dma_wait3A_296, %dma_wait3A_297] : memref<10240x128xf32, #tpu.memory_space<vmem_shared>> -> memref<10240x128xf32, #tpu.memory_space<vmem_shared>>
        tpu.wait_indirect_dma semaphore(%arg9 : memref<!tpu.dma_semaphore, #tpu.memory_space<semaphore_mem>>) src(%arg7 : memref<128x128xf32, #tpu.memory_space<vmem>>) dst(%dma_wait3A_298 : memref<10240x128xf32, #tpu.memory_space<vmem_shared>>)
        %dma_wait3A_299 = arith.constant 0 : i32
        %dma_wait3A_300 = arith.constant 0 : i32
        %dma_wait3A_301 = tpu.memref_slice %arg6[%dma_wait3A_299, %dma_wait3A_300] : memref<80x128xi32, #tpu.memory_space<vmem>> -> memref<1x128xi32, #tpu.memory_space<vmem>>
        %dma_wait3A_302 = tpu.memref_squeeze %dma_wait3A_301 : memref<1x128xi32, #tpu.memory_space<vmem>> -> memref<128xi32, #tpu.memory_space<vmem>>
        %dma_wait3A_303 = arith.constant 0 : i32
        %dma_wait3A_304 = arith.constant 0 : i32
        %dma_wait3A_305 = tpu.memref_slice %arg8[%dma_wait3A_303, %dma_wait3A_304] : memref<10240x128xf32, #tpu.memory_space<vmem_shared>> -> memref<10240x128xf32, #tpu.memory_space<vmem_shared>>
        tpu.wait_indirect_dma semaphore(%arg9 : memref<!tpu.dma_semaphore, #tpu.memory_space<semaphore_mem>>) src(%arg7 : memref<128x128xf32, #tpu.memory_space<vmem>>) dst(%dma_wait3A_305 : memref<10240x128xf32, #tpu.memory_space<vmem_shared>>)
      } else {
      }
      %mul3A_169 = arith.constant 8 : i32
      %mul3A_170 = arith.muli %add3A_163, %mul3A_169 : i32
      %add3A_171 = arith.constant 0 : i32
      %add3A_172 = arith.addi %mul3A_170, %add3A_171 : i32
      %dma_start3A_173 = arith.constant 0 : i32
      %dma_start3A_174 = tpu.memref_slice %arg6[%add3A_172, %dma_start3A_173] : memref<80x128xi32, #tpu.memory_space<vmem>> -> memref<1x128xi32, #tpu.memory_space<vmem>>
      %dma_start3A_175 = tpu.memref_squeeze %dma_start3A_174 : memref<1x128xi32, #tpu.memory_space<vmem>> -> memref<128xi32, #tpu.memory_space<vmem>>
      %dma_start3A_176 = arith.constant 0 : i32
      %dma_start3A_177 = arith.constant 0 : i32
      %dma_start3A_178 = tpu.memref_slice %arg8[%dma_start3A_176, %dma_start3A_177] : memref<10240x128xf32, #tpu.memory_space<vmem_shared>> -> memref<10240x128xf32, #tpu.memory_space<vmem_shared>>
      tpu.enqueue_indirect_dma source(%arg7 : memref<128x128xf32, #tpu.memory_space<vmem>>) target(%dma_start3A_178 : memref<10240x128xf32, #tpu.memory_space<vmem_shared>>) offsets(%dma_start3A_175 : memref<128xi32, #tpu.memory_space<vmem>>) semaphore(%arg10 : memref<!tpu.dma_semaphore, #tpu.memory_space<semaphore_mem>>) {add = true}
      %mul3A_179 = arith.constant 8 : i32
      %mul3A_180 = arith.muli %add3A_163, %mul3A_179 : i32
      %add3A_181 = arith.constant 1 : i32
      %add3A_182 = arith.addi %mul3A_180, %add3A_181 : i32
      %dma_start3A_183 = arith.constant 0 : i32
      %dma_start3A_184 = tpu.memref_slice %arg6[%add3A_182, %dma_start3A_183] : memref<80x128xi32, #tpu.memory_space<vmem>> -> memref<1x128xi32, #tpu.memory_space<vmem>>
      %dma_start3A_185 = tpu.memref_squeeze %dma_start3A_184 : memref<1x128xi32, #tpu.memory_space<vmem>> -> memref<128xi32, #tpu.memory_space<vmem>>
      %dma_start3A_186 = arith.constant 0 : i32
      %dma_start3A_187 = arith.constant 0 : i32
      %dma_start3A_188 = tpu.memref_slice %arg8[%dma_start3A_186, %dma_start3A_187] : memref<10240x128xf32, #tpu.memory_space<vmem_shared>> -> memref<10240x128xf32, #tpu.memory_space<vmem_shared>>
      tpu.enqueue_indirect_dma source(%arg7 : memref<128x128xf32, #tpu.memory_space<vmem>>) target(%dma_start3A_188 : memref<10240x128xf32, #tpu.memory_space<vmem_shared>>) offsets(%dma_start3A_185 : memref<128xi32, #tpu.memory_space<vmem>>) semaphore(%arg10 : memref<!tpu.dma_semaphore, #tpu.memory_space<semaphore_mem>>) {add = true}
      %mul3A_189 = arith.constant 8 : i32
      %mul3A_190 = arith.muli %add3A_163, %mul3A_189 : i32
      %add3A_191 = arith.constant 2 : i32
      %add3A_192 = arith.addi %mul3A_190, %add3A_191 : i32
      %dma_start3A_193 = arith.constant 0 : i32
      %dma_start3A_194 = tpu.memref_slice %arg6[%add3A_192, %dma_start3A_193] : memref<80x128xi32, #tpu.memory_space<vmem>> -> memref<1x128xi32, #tpu.memory_space<vmem>>
      %dma_start3A_195 = tpu.memref_squeeze %dma_start3A_194 : memref<1x128xi32, #tpu.memory_space<vmem>> -> memref<128xi32, #tpu.memory_space<vmem>>
      %dma_start3A_196 = arith.constant 0 : i32
      %dma_start3A_197 = arith.constant 0 : i32
      %dma_start3A_198 = tpu.memref_slice %arg8[%dma_start3A_196, %dma_start3A_197] : memref<10240x128xf32, #tpu.memory_space<vmem_shared>> -> memref<10240x128xf32, #tpu.memory_space<vmem_shared>>
      tpu.enqueue_indirect_dma source(%arg7 : memref<128x128xf32, #tpu.memory_space<vmem>>) target(%dma_start3A_198 : memref<10240x128xf32, #tpu.memory_space<vmem_shared>>) offsets(%dma_start3A_195 : memref<128xi32, #tpu.memory_space<vmem>>) semaphore(%arg10 : memref<!tpu.dma_semaphore, #tpu.memory_space<semaphore_mem>>) {add = true}
      %mul3A_199 = arith.constant 8 : i32
      %mul3A_200 = arith.muli %add3A_163, %mul3A_199 : i32
      %add3A_201 = arith.constant 3 : i32
      %add3A_202 = arith.addi %mul3A_200, %add3A_201 : i32
      %dma_start3A_203 = arith.constant 0 : i32
      %dma_start3A_204 = tpu.memref_slice %arg6[%add3A_202, %dma_start3A_203] : memref<80x128xi32, #tpu.memory_space<vmem>> -> memref<1x128xi32, #tpu.memory_space<vmem>>
      %dma_start3A_205 = tpu.memref_squeeze %dma_start3A_204 : memref<1x128xi32, #tpu.memory_space<vmem>> -> memref<128xi32, #tpu.memory_space<vmem>>
      %dma_start3A_206 = arith.constant 0 : i32
      %dma_start3A_207 = arith.constant 0 : i32
      %dma_start3A_208 = tpu.memref_slice %arg8[%dma_start3A_206, %dma_start3A_207] : memref<10240x128xf32, #tpu.memory_space<vmem_shared>> -> memref<10240x128xf32, #tpu.memory_space<vmem_shared>>
      tpu.enqueue_indirect_dma source(%arg7 : memref<128x128xf32, #tpu.memory_space<vmem>>) target(%dma_start3A_208 : memref<10240x128xf32, #tpu.memory_space<vmem_shared>>) offsets(%dma_start3A_205 : memref<128xi32, #tpu.memory_space<vmem>>) semaphore(%arg10 : memref<!tpu.dma_semaphore, #tpu.memory_space<semaphore_mem>>) {add = true}
      %mul3A_209 = arith.constant 8 : i32
      %mul3A_210 = arith.muli %add3A_163, %mul3A_209 : i32
      %add3A_211 = arith.constant 4 : i32
      %add3A_212 = arith.addi %mul3A_210, %add3A_211 : i32
      %dma_start3A_213 = arith.constant 0 : i32
      %dma_start3A_214 = tpu.memref_slice %arg6[%add3A_212, %dma_start3A_213] : memref<80x128xi32, #tpu.memory_space<vmem>> -> memref<1x128xi32, #tpu.memory_space<vmem>>
      %dma_start3A_215 = tpu.memref_squeeze %dma_start3A_214 : memref<1x128xi32, #tpu.memory_space<vmem>> -> memref<128xi32, #tpu.memory_space<vmem>>
      %dma_start3A_216 = arith.constant 0 : i32
      %dma_start3A_217 = arith.constant 0 : i32
      %dma_start3A_218 = tpu.memref_slice %arg8[%dma_start3A_216, %dma_start3A_217] : memref<10240x128xf32, #tpu.memory_space<vmem_shared>> -> memref<10240x128xf32, #tpu.memory_space<vmem_shared>>
      tpu.enqueue_indirect_dma source(%arg7 : memref<128x128xf32, #tpu.memory_space<vmem>>) target(%dma_start3A_218 : memref<10240x128xf32, #tpu.memory_space<vmem_shared>>) offsets(%dma_start3A_215 : memref<128xi32, #tpu.memory_space<vmem>>) semaphore(%arg10 : memref<!tpu.dma_semaphore, #tpu.memory_space<semaphore_mem>>) {add = true}
      %mul3A_219 = arith.constant 8 : i32
      %mul3A_220 = arith.muli %add3A_163, %mul3A_219 : i32
      %add3A_221 = arith.constant 5 : i32
      %add3A_222 = arith.addi %mul3A_220, %add3A_221 : i32
      %dma_start3A_223 = arith.constant 0 : i32
      %dma_start3A_224 = tpu.memref_slice %arg6[%add3A_222, %dma_start3A_223] : memref<80x128xi32, #tpu.memory_space<vmem>> -> memref<1x128xi32, #tpu.memory_space<vmem>>
      %dma_start3A_225 = tpu.memref_squeeze %dma_start3A_224 : memref<1x128xi32, #tpu.memory_space<vmem>> -> memref<128xi32, #tpu.memory_space<vmem>>
      %dma_start3A_226 = arith.constant 0 : i32
      %dma_start3A_227 = arith.constant 0 : i32
      %dma_start3A_228 = tpu.memref_slice %arg8[%dma_start3A_226, %dma_start3A_227] : memref<10240x128xf32, #tpu.memory_space<vmem_shared>> -> memref<10240x128xf32, #tpu.memory_space<vmem_shared>>
      tpu.enqueue_indirect_dma source(%arg7 : memref<128x128xf32, #tpu.memory_space<vmem>>) target(%dma_start3A_228 : memref<10240x128xf32, #tpu.memory_space<vmem_shared>>) offsets(%dma_start3A_225 : memref<128xi32, #tpu.memory_space<vmem>>) semaphore(%arg10 : memref<!tpu.dma_semaphore, #tpu.memory_space<semaphore_mem>>) {add = true}
      %mul3A_229 = arith.constant 8 : i32
      %mul3A_230 = arith.muli %add3A_163, %mul3A_229 : i32
      %add3A_231 = arith.constant 6 : i32
      %add3A_232 = arith.addi %mul3A_230, %add3A_231 : i32
      %dma_start3A_233 = arith.constant 0 : i32
      %dma_start3A_234 = tpu.memref_slice %arg6[%add3A_232, %dma_start3A_233] : memref<80x128xi32, #tpu.memory_space<vmem>> -> memref<1x128xi32, #tpu.memory_space<vmem>>
      %dma_start3A_235 = tpu.memref_squeeze %dma_start3A_234 : memref<1x128xi32, #tpu.memory_space<vmem>> -> memref<128xi32, #tpu.memory_space<vmem>>
      %dma_start3A_236 = arith.constant 0 : i32
      %dma_start3A_237 = arith.constant 0 : i32
      %dma_start3A_238 = tpu.memref_slice %arg8[%dma_start3A_236, %dma_start3A_237] : memref<10240x128xf32, #tpu.memory_space<vmem_shared>> -> memref<10240x128xf32, #tpu.memory_space<vmem_shared>>
      tpu.enqueue_indirect_dma source(%arg7 : memref<128x128xf32, #tpu.memory_space<vmem>>) target(%dma_start3A_238 : memref<10240x128xf32, #tpu.memory_space<vmem_shared>>) offsets(%dma_start3A_235 : memref<128xi32, #tpu.memory_space<vmem>>) semaphore(%arg10 : memref<!tpu.dma_semaphore, #tpu.memory_space<semaphore_mem>>) {add = true}
      %mul3A_239 = arith.constant 8 : i32
      %mul3A_240 = arith.muli %add3A_163, %mul3A_239 : i32
      %add3A_241 = arith.constant 7 : i32
      %add3A_242 = arith.addi %mul3A_240, %add3A_241 : i32
      %dma_start3A_243 = arith.constant 0 : i32
      %dma_start3A_244 = tpu.memref_slice %arg6[%add3A_242, %dma_start3A_243] : memref<80x128xi32, #tpu.memory_space<vmem>> -> memref<1x128xi32, #tpu.memory_space<vmem>>
      %dma_start3A_245 = tpu.memref_squeeze %dma_start3A_244 : memref<1x128xi32, #tpu.memory_space<vmem>> -> memref<128xi32, #tpu.memory_space<vmem>>
      %dma_start3A_246 = arith.constant 0 : i32
      %dma_start3A_247 = arith.constant 0 : i32
      %dma_start3A_248 = tpu.memref_slice %arg8[%dma_start3A_246, %dma_start3A_247] : memref<10240x128xf32, #tpu.memory_space<vmem_shared>> -> memref<10240x128xf32, #tpu.memory_space<vmem_shared>>
      tpu.enqueue_indirect_dma source(%arg7 : memref<128x128xf32, #tpu.memory_space<vmem>>) target(%dma_start3A_248 : memref<10240x128xf32, #tpu.memory_space<vmem_shared>>) offsets(%dma_start3A_245 : memref<128xi32, #tpu.memory_space<vmem>>) semaphore(%arg10 : memref<!tpu.dma_semaphore, #tpu.memory_space<semaphore_mem>>) {add = true}
      %scan3A_249 = arith.constant 0 : i32
      scf.yield %scan3A_249 : i32
    }
    %scan3A_12 = arith.constant 5 : i32
    %dma_wait3A = arith.constant 0 : i32
    %dma_wait3A_13 = arith.constant 0 : i32
    %dma_wait3A_14 = tpu.memref_slice %arg6[%dma_wait3A, %dma_wait3A_13] : memref<80x128xi32, #tpu.memory_space<vmem>> -> memref<1x128xi32, #tpu.memory_space<vmem>>
    %dma_wait3A_15 = tpu.memref_squeeze %dma_wait3A_14 : memref<1x128xi32, #tpu.memory_space<vmem>> -> memref<128xi32, #tpu.memory_space<vmem>>
    %dma_wait3A_16 = arith.constant 0 : i32
    %dma_wait3A_17 = arith.constant 0 : i32
    %dma_wait3A_18 = tpu.memref_slice %arg8[%dma_wait3A_16, %dma_wait3A_17] : memref<10240x128xf32, #tpu.memory_space<vmem_shared>> -> memref<10240x128xf32, #tpu.memory_space<vmem_shared>>
    tpu.wait_indirect_dma semaphore(%arg10 : memref<!tpu.dma_semaphore, #tpu.memory_space<semaphore_mem>>) src(%arg7 : memref<128x128xf32, #tpu.memory_space<vmem>>) dst(%dma_wait3A_18 : memref<10240x128xf32, #tpu.memory_space<vmem_shared>>)
    %dma_wait3A_19 = arith.constant 0 : i32
    %dma_wait3A_20 = arith.constant 0 : i32
    %dma_wait3A_21 = tpu.memref_slice %arg6[%dma_wait3A_19, %dma_wait3A_20] : memref<80x128xi32, #tpu.memory_space<vmem>> -> memref<1x128xi32, #tpu.memory_space<vmem>>
    %dma_wait3A_22 = tpu.memref_squeeze %dma_wait3A_21 : memref<1x128xi32, #tpu.memory_space<vmem>> -> memref<128xi32, #tpu.memory_space<vmem>>
    %dma_wait3A_23 = arith.constant 0 : i32
    %dma_wait3A_24 = arith.constant 0 : i32
    %dma_wait3A_25 = tpu.memref_slice %arg8[%dma_wait3A_23, %dma_wait3A_24] : memref<10240x128xf32, #tpu.memory_space<vmem_shared>> -> memref<10240x128xf32, #tpu.memory_space<vmem_shared>>
    tpu.wait_indirect_dma semaphore(%arg10 : memref<!tpu.dma_semaphore, #tpu.memory_space<semaphore_mem>>) src(%arg7 : memref<128x128xf32, #tpu.memory_space<vmem>>) dst(%dma_wait3A_25 : memref<10240x128xf32, #tpu.memory_space<vmem_shared>>)
    %dma_wait3A_26 = arith.constant 0 : i32
    %dma_wait3A_27 = arith.constant 0 : i32
    %dma_wait3A_28 = tpu.memref_slice %arg6[%dma_wait3A_26, %dma_wait3A_27] : memref<80x128xi32, #tpu.memory_space<vmem>> -> memref<1x128xi32, #tpu.memory_space<vmem>>
    %dma_wait3A_29 = tpu.memref_squeeze %dma_wait3A_28 : memref<1x128xi32, #tpu.memory_space<vmem>> -> memref<128xi32, #tpu.memory_space<vmem>>
    %dma_wait3A_30 = arith.constant 0 : i32
    %dma_wait3A_31 = arith.constant 0 : i32
    %dma_wait3A_32 = tpu.memref_slice %arg8[%dma_wait3A_30, %dma_wait3A_31] : memref<10240x128xf32, #tpu.memory_space<vmem_shared>> -> memref<10240x128xf32, #tpu.memory_space<vmem_shared>>
    tpu.wait_indirect_dma semaphore(%arg10 : memref<!tpu.dma_semaphore, #tpu.memory_space<semaphore_mem>>) src(%arg7 : memref<128x128xf32, #tpu.memory_space<vmem>>) dst(%dma_wait3A_32 : memref<10240x128xf32, #tpu.memory_space<vmem_shared>>)
    %dma_wait3A_33 = arith.constant 0 : i32
    %dma_wait3A_34 = arith.constant 0 : i32
    %dma_wait3A_35 = tpu.memref_slice %arg6[%dma_wait3A_33, %dma_wait3A_34] : memref<80x128xi32, #tpu.memory_space<vmem>> -> memref<1x128xi32, #tpu.memory_space<vmem>>
    %dma_wait3A_36 = tpu.memref_squeeze %dma_wait3A_35 : memref<1x128xi32, #tpu.memory_space<vmem>> -> memref<128xi32, #tpu.memory_space<vmem>>
    %dma_wait3A_37 = arith.constant 0 : i32
    %dma_wait3A_38 = arith.constant 0 : i32
    %dma_wait3A_39 = tpu.memref_slice %arg8[%dma_wait3A_37, %dma_wait3A_38] : memref<10240x128xf32, #tpu.memory_space<vmem_shared>> -> memref<10240x128xf32, #tpu.memory_space<vmem_shared>>
    tpu.wait_indirect_dma semaphore(%arg10 : memref<!tpu.dma_semaphore, #tpu.memory_space<semaphore_mem>>) src(%arg7 : memref<128x128xf32, #tpu.memory_space<vmem>>) dst(%dma_wait3A_39 : memref<10240x128xf32, #tpu.memory_space<vmem_shared>>)
    %dma_wait3A_40 = arith.constant 0 : i32
    %dma_wait3A_41 = arith.constant 0 : i32
    %dma_wait3A_42 = tpu.memref_slice %arg6[%dma_wait3A_40, %dma_wait3A_41] : memref<80x128xi32, #tpu.memory_space<vmem>> -> memref<1x128xi32, #tpu.memory_space<vmem>>
    %dma_wait3A_43 = tpu.memref_squeeze %dma_wait3A_42 : memref<1x128xi32, #tpu.memory_space<vmem>> -> memref<128xi32, #tpu.memory_space<vmem>>
    %dma_wait3A_44 = arith.constant 0 : i32
    %dma_wait3A_45 = arith.constant 0 : i32
    %dma_wait3A_46 = tpu.memref_slice %arg8[%dma_wait3A_44, %dma_wait3A_45] : memref<10240x128xf32, #tpu.memory_space<vmem_shared>> -> memref<10240x128xf32, #tpu.memory_space<vmem_shared>>
    tpu.wait_indirect_dma semaphore(%arg10 : memref<!tpu.dma_semaphore, #tpu.memory_space<semaphore_mem>>) src(%arg7 : memref<128x128xf32, #tpu.memory_space<vmem>>) dst(%dma_wait3A_46 : memref<10240x128xf32, #tpu.memory_space<vmem_shared>>)
    %dma_wait3A_47 = arith.constant 0 : i32
    %dma_wait3A_48 = arith.constant 0 : i32
    %dma_wait3A_49 = tpu.memref_slice %arg6[%dma_wait3A_47, %dma_wait3A_48] : memref<80x128xi32, #tpu.memory_space<vmem>> -> memref<1x128xi32, #tpu.memory_space<vmem>>
    %dma_wait3A_50 = tpu.memref_squeeze %dma_wait3A_49 : memref<1x128xi32, #tpu.memory_space<vmem>> -> memref<128xi32, #tpu.memory_space<vmem>>
    %dma_wait3A_51 = arith.constant 0 : i32
    %dma_wait3A_52 = arith.constant 0 : i32
    %dma_wait3A_53 = tpu.memref_slice %arg8[%dma_wait3A_51, %dma_wait3A_52] : memref<10240x128xf32, #tpu.memory_space<vmem_shared>> -> memref<10240x128xf32, #tpu.memory_space<vmem_shared>>
    tpu.wait_indirect_dma semaphore(%arg10 : memref<!tpu.dma_semaphore, #tpu.memory_space<semaphore_mem>>) src(%arg7 : memref<128x128xf32, #tpu.memory_space<vmem>>) dst(%dma_wait3A_53 : memref<10240x128xf32, #tpu.memory_space<vmem_shared>>)
    %dma_wait3A_54 = arith.constant 0 : i32
    %dma_wait3A_55 = arith.constant 0 : i32
    %dma_wait3A_56 = tpu.memref_slice %arg6[%dma_wait3A_54, %dma_wait3A_55] : memref<80x128xi32, #tpu.memory_space<vmem>> -> memref<1x128xi32, #tpu.memory_space<vmem>>
    %dma_wait3A_57 = tpu.memref_squeeze %dma_wait3A_56 : memref<1x128xi32, #tpu.memory_space<vmem>> -> memref<128xi32, #tpu.memory_space<vmem>>
    %dma_wait3A_58 = arith.constant 0 : i32
    %dma_wait3A_59 = arith.constant 0 : i32
    %dma_wait3A_60 = tpu.memref_slice %arg8[%dma_wait3A_58, %dma_wait3A_59] : memref<10240x128xf32, #tpu.memory_space<vmem_shared>> -> memref<10240x128xf32, #tpu.memory_space<vmem_shared>>
    tpu.wait_indirect_dma semaphore(%arg10 : memref<!tpu.dma_semaphore, #tpu.memory_space<semaphore_mem>>) src(%arg7 : memref<128x128xf32, #tpu.memory_space<vmem>>) dst(%dma_wait3A_60 : memref<10240x128xf32, #tpu.memory_space<vmem_shared>>)
    %dma_wait3A_61 = arith.constant 0 : i32
    %dma_wait3A_62 = arith.constant 0 : i32
    %dma_wait3A_63 = tpu.memref_slice %arg6[%dma_wait3A_61, %dma_wait3A_62] : memref<80x128xi32, #tpu.memory_space<vmem>> -> memref<1x128xi32, #tpu.memory_space<vmem>>
    %dma_wait3A_64 = tpu.memref_squeeze %dma_wait3A_63 : memref<1x128xi32, #tpu.memory_space<vmem>> -> memref<128xi32, #tpu.memory_space<vmem>>
    %dma_wait3A_65 = arith.constant 0 : i32
    %dma_wait3A_66 = arith.constant 0 : i32
    %dma_wait3A_67 = tpu.memref_slice %arg8[%dma_wait3A_65, %dma_wait3A_66] : memref<10240x128xf32, #tpu.memory_space<vmem_shared>> -> memref<10240x128xf32, #tpu.memory_space<vmem_shared>>
    tpu.wait_indirect_dma semaphore(%arg10 : memref<!tpu.dma_semaphore, #tpu.memory_space<semaphore_mem>>) src(%arg7 : memref<128x128xf32, #tpu.memory_space<vmem>>) dst(%dma_wait3A_67 : memref<10240x128xf32, #tpu.memory_space<vmem_shared>>)
    %barrier3A_68 = arith.constant 0 : index
    tpu.barrier barrier_id(%barrier3A_68)
    %mul3A_69 = arith.constant 640 : i32
    %mul3A_70 = arith.muli %arg1, %mul3A_69 : i32
    %mul3A_71 = arith.constant 640 : i32
    %mul3A_72 = arith.muli %arg1, %mul3A_71 : i32
    "tpu.region"() ({
      %run_scoped3A = tpu.sem_alloc : memref<!tpu.dma_semaphore, #tpu.memory_space<semaphore_mem>>
      %dma_start3A = arith.constant 0 : i32
      %dma_start3A_73 = arith.constant 0 : i32
      %dma_start3A_74 = tpu.memref_slice %arg5[%arg0, %dma_start3A, %dma_start3A_73] : memref<2x10240x128xf32, #tpu.memory_space<hbm>> -> memref<1x10240x128xf32, #tpu.memory_space<hbm>>
      %dma_start3A_75 = tpu.memref_squeeze %dma_start3A_74 : memref<1x10240x128xf32, #tpu.memory_space<hbm>> -> memref<10240x128xf32, #tpu.memory_space<hbm>>
      %dma_start3A_76 = arith.constant 0 : i32
      %dma_start3A_77 = tpu.memref_slice %dma_start3A_75[%mul3A_72, %dma_start3A_76] : memref<10240x128xf32, #tpu.memory_space<hbm>> -> memref<640x128xf32, #tpu.memory_space<hbm>>
      %dma_start3A_78 = arith.constant 0 : i32
      %dma_start3A_79 = tpu.memref_slice %arg8[%mul3A_70, %dma_start3A_78] : memref<10240x128xf32, #tpu.memory_space<vmem_shared>> -> memref<640x128xf32, #tpu.memory_space<vmem_shared>>
      tpu.enqueue_dma source(%dma_start3A_79 : memref<640x128xf32, #tpu.memory_space<vmem_shared>>) target(%dma_start3A_77 : memref<640x128xf32, #tpu.memory_space<hbm>>) target_semaphore(%run_scoped3A : memref<!tpu.dma_semaphore, #tpu.memory_space<semaphore_mem>>)
      %dma_wait3A_80 = arith.constant 0 : i32
      %dma_wait3A_81 = arith.constant 0 : i32
      %dma_wait3A_82 = tpu.memref_slice %arg5[%arg0, %dma_wait3A_80, %dma_wait3A_81] : memref<2x10240x128xf32, #tpu.memory_space<hbm>> -> memref<1x10240x128xf32, #tpu.memory_space<hbm>>
      %dma_wait3A_83 = tpu.memref_squeeze %dma_wait3A_82 : memref<1x10240x128xf32, #tpu.memory_space<hbm>> -> memref<10240x128xf32, #tpu.memory_space<hbm>>
      %dma_wait3A_84 = arith.constant 0 : i32
      %dma_wait3A_85 = tpu.memref_slice %dma_wait3A_83[%mul3A_72, %dma_wait3A_84] : memref<10240x128xf32, #tpu.memory_space<hbm>> -> memref<640x128xf32, #tpu.memory_space<hbm>>
      %dma_wait3A_86 = arith.constant 0 : i32
      %dma_wait3A_87 = tpu.memref_slice %arg8[%mul3A_70, %dma_wait3A_86] : memref<10240x128xf32, #tpu.memory_space<vmem_shared>> -> memref<640x128xf32, #tpu.memory_space<vmem_shared>>
      tpu.wait_dma2 semaphore(%run_scoped3A : memref<!tpu.dma_semaphore, #tpu.memory_space<semaphore_mem>>) src(%dma_wait3A_87 : memref<640x128xf32, #tpu.memory_space<vmem_shared>>) dst(%dma_wait3A_85 : memref<640x128xf32, #tpu.memory_space<hbm>>)
      tpu.yield
    }) : () -> ()
    return
  }
}

#map = affine_map<(d0, d1) -> (0, 0)>
#map1 = affine_map<(d0, d1) -> (0, 0, 0)>
module attributes {stable_mosaic.version = 14 : i64} {
  func.func @body(%arg0: i32, %arg1: i32, %arg2: memref<2560x128xi32, #tpu.memory_space<hbm>>, %arg3: memref<2560x128xi32, #tpu.memory_space<hbm>>, %arg4: memref<10240x128xf32, #tpu.memory_space<hbm>>, %arg5: memref<10240x128xf32, #tpu.memory_space<hbm>>, %arg6: memref<2x10240x128xf32, #tpu.memory_space<hbm>>, %arg7: memref<8x128xi32, #tpu.memory_space<vmem>>, %arg8: memref<8x128xi32, #tpu.memory_space<vmem>>, %arg9: memref<128x128xf32, #tpu.memory_space<vmem>>, %arg10: memref<128x128xf32, #tpu.memory_space<vmem>>, %arg11: memref<10240x128xf32, #tpu.memory_space<vmem_shared>>, %arg12: memref<!tpu.dma_semaphore, #tpu.memory_space<semaphore_mem>>, %arg13: memref<!tpu.dma_semaphore, #tpu.memory_space<semaphore_mem>>, %arg14: memref<!tpu.dma_semaphore, #tpu.memory_space<semaphore_mem>>, %arg15: memref<!tpu.dma_semaphore, #tpu.memory_space<semaphore_mem>>) attributes {dimension_semantics = [#tpu.dimension_semantics<core_parallel>, #tpu.dimension_semantics<subcore_parallel>], iteration_bounds = array<i64: 2, 16>, scalar_prefetch = 0 : i64, scratch_operands = 9 : i64, tpu.core_type = #tpu.core_type<sc_vector_subcore>, window_params = [{transform_indices = #map}, {transform_indices = #map}, {transform_indices = #map}, {transform_indices = #map}, {transform_indices = #map1}]} {
    %mul3A = arith.constant 16 : i32
    %mul3A_0 = arith.muli %arg0, %mul3A : i32
    %add3A = arith.addi %mul3A_0, %arg1 : i32
    %mul3A_1 = arith.constant 80 : i32
    %mul3A_2 = arith.muli %add3A, %mul3A_1 : i32
    %mul3A_3 = arith.constant 640 : i32
    %mul3A_4 = arith.muli %arg1, %mul3A_3 : i32
    %mul3A_5 = arith.constant 640 : i32
    %mul3A_6 = arith.muli %arg1, %mul3A_5 : i32
    "tpu.region"() ({
      %run_scoped3A = tpu.sem_alloc : memref<!tpu.dma_semaphore, #tpu.memory_space<semaphore_mem>>
      %dma_start3A = arith.constant 0 : i32
      %dma_start3A_18 = tpu.memref_slice %arg11[%mul3A_6, %dma_start3A] : memref<10240x128xf32, #tpu.memory_space<vmem_shared>> -> memref<640x128xf32, #tpu.memory_space<vmem_shared>>
      %dma_start3A_19 = arith.constant 0 : i32
      %dma_start3A_20 = tpu.memref_slice %arg5[%mul3A_4, %dma_start3A_19] : memref<10240x128xf32, #tpu.memory_space<hbm>> -> memref<640x128xf32, #tpu.memory_space<hbm>>
      tpu.enqueue_dma source(%dma_start3A_20 : memref<640x128xf32, #tpu.memory_space<hbm>>) target(%dma_start3A_18 : memref<640x128xf32, #tpu.memory_space<vmem_shared>>) target_semaphore(%run_scoped3A : memref<!tpu.dma_semaphore, #tpu.memory_space<semaphore_mem>>)
      %dma_wait3A = arith.constant 0 : i32
      %dma_wait3A_21 = tpu.memref_slice %arg11[%mul3A_6, %dma_wait3A] : memref<10240x128xf32, #tpu.memory_space<vmem_shared>> -> memref<640x128xf32, #tpu.memory_space<vmem_shared>>
      %dma_wait3A_22 = arith.constant 0 : i32
      %dma_wait3A_23 = tpu.memref_slice %arg5[%mul3A_4, %dma_wait3A_22] : memref<10240x128xf32, #tpu.memory_space<hbm>> -> memref<640x128xf32, #tpu.memory_space<hbm>>
      tpu.wait_dma2 semaphore(%run_scoped3A : memref<!tpu.dma_semaphore, #tpu.memory_space<semaphore_mem>>) src(%dma_wait3A_23 : memref<640x128xf32, #tpu.memory_space<hbm>>) dst(%dma_wait3A_21 : memref<640x128xf32, #tpu.memory_space<vmem_shared>>)
      tpu.yield
    }) : () -> ()
    %barrier3A = arith.constant 0 : index
    tpu.barrier barrier_id(%barrier3A)
    %scan3A = arith.constant 0 : i32
    %scan3A_7 = arith.constant 0 : i32
    %scan3A_8 = arith.constant 10 : i32
    %scan3A_9 = arith.addi %scan3A_7, %scan3A_8 : i32
    %scan3A_10 = arith.constant 1 : i32
    %scan3A_11 = scf.for %scan3A_18 = %scan3A_7 to %scan3A_9 step %scan3A_10 iter_args(%scan3A_19 = %scan3A) -> (i32)  : i32 {
      %mul3A_20 = arith.constant 8 : i32
      %mul3A_21 = arith.muli %scan3A_18, %mul3A_20 : i32
      %add3A_22 = arith.addi %mul3A_2, %mul3A_21 : i32
      "tpu.region"() ({
        %run_scoped3A = tpu.sem_alloc : memref<!tpu.dma_semaphore, #tpu.memory_space<semaphore_mem>>
        %dma_start3A_43 = arith.constant 0 : i32
        %dma_start3A_44 = tpu.memref_slice %arg2[%add3A_22, %dma_start3A_43] : memref<2560x128xi32, #tpu.memory_space<hbm>> -> memref<8x128xi32, #tpu.memory_space<hbm>>
        %dma_start3A_45 = arith.constant 0 : i32
        %dma_start3A_46 = tpu.memref_slice %arg2[%add3A_22, %dma_start3A_45] : memref<2560x128xi32, #tpu.memory_space<hbm>> -> memref<8x128xi32, #tpu.memory_space<hbm>>
        tpu.enqueue_dma source(%dma_start3A_46 : memref<8x128xi32, #tpu.memory_space<hbm>>) target(%arg7 : memref<8x128xi32, #tpu.memory_space<vmem>>) target_semaphore(%run_scoped3A : memref<!tpu.dma_semaphore, #tpu.memory_space<semaphore_mem>>)
        %dma_wait3A_47 = arith.constant 0 : i32
        %dma_wait3A_48 = tpu.memref_slice %arg2[%add3A_22, %dma_wait3A_47] : memref<2560x128xi32, #tpu.memory_space<hbm>> -> memref<8x128xi32, #tpu.memory_space<hbm>>
        %dma_wait3A_49 = arith.constant 0 : i32
        %dma_wait3A_50 = tpu.memref_slice %arg2[%add3A_22, %dma_wait3A_49] : memref<2560x128xi32, #tpu.memory_space<hbm>> -> memref<8x128xi32, #tpu.memory_space<hbm>>
        tpu.wait_dma2 semaphore(%run_scoped3A : memref<!tpu.dma_semaphore, #tpu.memory_space<semaphore_mem>>) src(%dma_wait3A_50 : memref<8x128xi32, #tpu.memory_space<hbm>>) dst(%arg7 : memref<8x128xi32, #tpu.memory_space<vmem>>)
        tpu.yield
      }) : () -> ()
      "tpu.region"() ({
        %run_scoped3A = tpu.sem_alloc : memref<!tpu.dma_semaphore, #tpu.memory_space<semaphore_mem>>
        %dma_start3A_43 = arith.constant 0 : i32
        %dma_start3A_44 = tpu.memref_slice %arg3[%add3A_22, %dma_start3A_43] : memref<2560x128xi32, #tpu.memory_space<hbm>> -> memref<8x128xi32, #tpu.memory_space<hbm>>
        %dma_start3A_45 = arith.constant 0 : i32
        %dma_start3A_46 = tpu.memref_slice %arg3[%add3A_22, %dma_start3A_45] : memref<2560x128xi32, #tpu.memory_space<hbm>> -> memref<8x128xi32, #tpu.memory_space<hbm>>
        tpu.enqueue_dma source(%dma_start3A_46 : memref<8x128xi32, #tpu.memory_space<hbm>>) target(%arg8 : memref<8x128xi32, #tpu.memory_space<vmem>>) target_semaphore(%run_scoped3A : memref<!tpu.dma_semaphore, #tpu.memory_space<semaphore_mem>>)
        %dma_wait3A_47 = arith.constant 0 : i32
        %dma_wait3A_48 = tpu.memref_slice %arg3[%add3A_22, %dma_wait3A_47] : memref<2560x128xi32, #tpu.memory_space<hbm>> -> memref<8x128xi32, #tpu.memory_space<hbm>>
        %dma_wait3A_49 = arith.constant 0 : i32
        %dma_wait3A_50 = tpu.memref_slice %arg3[%add3A_22, %dma_wait3A_49] : memref<2560x128xi32, #tpu.memory_space<hbm>> -> memref<8x128xi32, #tpu.memory_space<hbm>>
        tpu.wait_dma2 semaphore(%run_scoped3A : memref<!tpu.dma_semaphore, #tpu.memory_space<semaphore_mem>>) src(%dma_wait3A_50 : memref<8x128xi32, #tpu.memory_space<hbm>>) dst(%arg8 : memref<8x128xi32, #tpu.memory_space<vmem>>)
        tpu.yield
      }) : () -> ()
      %dma_start3A = arith.constant 0 : i32
      %dma_start3A_23 = arith.constant 0 : i32
      %dma_start3A_24 = tpu.memref_slice %arg7[%dma_start3A, %dma_start3A_23] : memref<8x128xi32, #tpu.memory_space<vmem>> -> memref<1x128xi32, #tpu.memory_space<vmem>>
      %dma_start3A_25 = tpu.memref_squeeze %dma_start3A_24 : memref<1x128xi32, #tpu.memory_space<vmem>> -> memref<128xi32, #tpu.memory_space<vmem>>
      %dma_start3A_26 = arith.constant 0 : i32
      %dma_start3A_27 = arith.constant 0 : i32
      %dma_start3A_28 = tpu.memref_slice %arg4[%dma_start3A_26, %dma_start3A_27] : memref<10240x128xf32, #tpu.memory_space<hbm>> -> memref<10240x128xf32, #tpu.memory_space<hbm>>
      tpu.enqueue_indirect_dma source(%dma_start3A_28 : memref<10240x128xf32, #tpu.memory_space<hbm>>) target(%arg9 : memref<128x128xf32, #tpu.memory_space<vmem>>) offsets(%dma_start3A_25 : memref<128xi32, #tpu.memory_space<vmem>>) semaphore(%arg12 : memref<!tpu.dma_semaphore, #tpu.memory_space<semaphore_mem>>)
      %scan3A_29 = arith.constant 0 : i32
      %scan3A_30 = arith.constant 0 : i32
      %scan3A_31 = arith.constant 4 : i32
      %scan3A_32 = arith.addi %scan3A_30, %scan3A_31 : i32
      %scan3A_33 = arith.constant 1 : i32
      %scan3A_34 = scf.for %scan3A_43 = %scan3A_30 to %scan3A_32 step %scan3A_33 iter_args(%scan3A_44 = %scan3A_29) -> (i32)  : i32 {
        %mul3A_45 = arith.constant 2 : i32
        %mul3A_46 = arith.muli %scan3A_43, %mul3A_45 : i32
        %add3A_47 = arith.constant 0 : i32
        %add3A_48 = arith.addi %mul3A_46, %add3A_47 : i32
        %ge3A = arith.constant 1 : i32
        %ge3A_49 = arith.cmpi sge, %add3A_48, %ge3A : i32
        %convert_element_type3A = arith.extui %ge3A_49 : i1 to i32
        %cond3A = arith.constant 0 : i32
        %cond3A_50 = arith.cmpi ne, %convert_element_type3A, %cond3A : i32
        scf.if %cond3A_50 {
          %dma_wait3A_98 = arith.constant 0 : i32
          %dma_wait3A_99 = arith.constant 0 : i32
          %dma_wait3A_100 = tpu.memref_slice %arg8[%dma_wait3A_98, %dma_wait3A_99] : memref<8x128xi32, #tpu.memory_space<vmem>> -> memref<1x128xi32, #tpu.memory_space<vmem>>
          %dma_wait3A_101 = tpu.memref_squeeze %dma_wait3A_100 : memref<1x128xi32, #tpu.memory_space<vmem>> -> memref<128xi32, #tpu.memory_space<vmem>>
          %dma_wait3A_102 = arith.constant 0 : i32
          %dma_wait3A_103 = arith.constant 0 : i32
          %dma_wait3A_104 = tpu.memref_slice %arg11[%dma_wait3A_102, %dma_wait3A_103] : memref<10240x128xf32, #tpu.memory_space<vmem_shared>> -> memref<10240x128xf32, #tpu.memory_space<vmem_shared>>
          tpu.wait_indirect_dma semaphore(%arg15 : memref<!tpu.dma_semaphore, #tpu.memory_space<semaphore_mem>>) src(%arg10 : memref<128x128xf32, #tpu.memory_space<vmem>>) dst(%dma_wait3A_104 : memref<10240x128xf32, #tpu.memory_space<vmem_shared>>)
        } else {
        }
        %add3A_51 = arith.constant 1 : i32
        %add3A_52 = arith.addi %add3A_48, %add3A_51 : i32
        %lt3A = arith.constant 8 : i32
        %lt3A_53 = arith.cmpi slt, %add3A_52, %lt3A : i32
        %convert_element_type3A_54 = arith.extui %lt3A_53 : i1 to i32
        %cond3A_55 = arith.constant 0 : i32
        %cond3A_56 = arith.cmpi ne, %convert_element_type3A_54, %cond3A_55 : i32
        scf.if %cond3A_56 {
          %add3A_98 = arith.constant 1 : i32
          %add3A_99 = arith.addi %add3A_48, %add3A_98 : i32
          %dma_start3A_100 = arith.constant 0 : i32
          %dma_start3A_101 = tpu.memref_slice %arg7[%add3A_99, %dma_start3A_100] : memref<8x128xi32, #tpu.memory_space<vmem>> -> memref<1x128xi32, #tpu.memory_space<vmem>>
          %dma_start3A_102 = tpu.memref_squeeze %dma_start3A_101 : memref<1x128xi32, #tpu.memory_space<vmem>> -> memref<128xi32, #tpu.memory_space<vmem>>
          %dma_start3A_103 = arith.constant 0 : i32
          %dma_start3A_104 = arith.constant 0 : i32
          %dma_start3A_105 = tpu.memref_slice %arg4[%dma_start3A_103, %dma_start3A_104] : memref<10240x128xf32, #tpu.memory_space<hbm>> -> memref<10240x128xf32, #tpu.memory_space<hbm>>
          tpu.enqueue_indirect_dma source(%dma_start3A_105 : memref<10240x128xf32, #tpu.memory_space<hbm>>) target(%arg10 : memref<128x128xf32, #tpu.memory_space<vmem>>) offsets(%dma_start3A_102 : memref<128xi32, #tpu.memory_space<vmem>>) semaphore(%arg13 : memref<!tpu.dma_semaphore, #tpu.memory_space<semaphore_mem>>)
        } else {
        }
        %dma_wait3A_57 = arith.constant 0 : i32
        %dma_wait3A_58 = tpu.memref_slice %arg7[%add3A_48, %dma_wait3A_57] : memref<8x128xi32, #tpu.memory_space<vmem>> -> memref<1x128xi32, #tpu.memory_space<vmem>>
        %dma_wait3A_59 = tpu.memref_squeeze %dma_wait3A_58 : memref<1x128xi32, #tpu.memory_space<vmem>> -> memref<128xi32, #tpu.memory_space<vmem>>
        %dma_wait3A_60 = arith.constant 0 : i32
        %dma_wait3A_61 = arith.constant 0 : i32
        %dma_wait3A_62 = tpu.memref_slice %arg4[%dma_wait3A_60, %dma_wait3A_61] : memref<10240x128xf32, #tpu.memory_space<hbm>> -> memref<10240x128xf32, #tpu.memory_space<hbm>>
        tpu.wait_indirect_dma semaphore(%arg12 : memref<!tpu.dma_semaphore, #tpu.memory_space<semaphore_mem>>) src(%dma_wait3A_62 : memref<10240x128xf32, #tpu.memory_space<hbm>>) dst(%arg9 : memref<128x128xf32, #tpu.memory_space<vmem>>)
        %dma_start3A_63 = arith.constant 0 : i32
        %dma_start3A_64 = tpu.memref_slice %arg8[%add3A_48, %dma_start3A_63] : memref<8x128xi32, #tpu.memory_space<vmem>> -> memref<1x128xi32, #tpu.memory_space<vmem>>
        %dma_start3A_65 = tpu.memref_squeeze %dma_start3A_64 : memref<1x128xi32, #tpu.memory_space<vmem>> -> memref<128xi32, #tpu.memory_space<vmem>>
        %dma_start3A_66 = arith.constant 0 : i32
        %dma_start3A_67 = arith.constant 0 : i32
        %dma_start3A_68 = tpu.memref_slice %arg11[%dma_start3A_66, %dma_start3A_67] : memref<10240x128xf32, #tpu.memory_space<vmem_shared>> -> memref<10240x128xf32, #tpu.memory_space<vmem_shared>>
        tpu.enqueue_indirect_dma source(%arg9 : memref<128x128xf32, #tpu.memory_space<vmem>>) target(%dma_start3A_68 : memref<10240x128xf32, #tpu.memory_space<vmem_shared>>) offsets(%dma_start3A_65 : memref<128xi32, #tpu.memory_space<vmem>>) semaphore(%arg14 : memref<!tpu.dma_semaphore, #tpu.memory_space<semaphore_mem>>) {add = true}
        %mul3A_69 = arith.constant 2 : i32
        %mul3A_70 = arith.muli %scan3A_43, %mul3A_69 : i32
        %add3A_71 = arith.constant 1 : i32
        %add3A_72 = arith.addi %mul3A_70, %add3A_71 : i32
        %ge3A_73 = arith.constant 1 : i32
        %ge3A_74 = arith.cmpi sge, %add3A_72, %ge3A_73 : i32
        %convert_element_type3A_75 = arith.extui %ge3A_74 : i1 to i32
        %cond3A_76 = arith.constant 0 : i32
        %cond3A_77 = arith.cmpi ne, %convert_element_type3A_75, %cond3A_76 : i32
        scf.if %cond3A_77 {
          %dma_wait3A_98 = arith.constant 0 : i32
          %dma_wait3A_99 = arith.constant 0 : i32
          %dma_wait3A_100 = tpu.memref_slice %arg8[%dma_wait3A_98, %dma_wait3A_99] : memref<8x128xi32, #tpu.memory_space<vmem>> -> memref<1x128xi32, #tpu.memory_space<vmem>>
          %dma_wait3A_101 = tpu.memref_squeeze %dma_wait3A_100 : memref<1x128xi32, #tpu.memory_space<vmem>> -> memref<128xi32, #tpu.memory_space<vmem>>
          %dma_wait3A_102 = arith.constant 0 : i32
          %dma_wait3A_103 = arith.constant 0 : i32
          %dma_wait3A_104 = tpu.memref_slice %arg11[%dma_wait3A_102, %dma_wait3A_103] : memref<10240x128xf32, #tpu.memory_space<vmem_shared>> -> memref<10240x128xf32, #tpu.memory_space<vmem_shared>>
          tpu.wait_indirect_dma semaphore(%arg14 : memref<!tpu.dma_semaphore, #tpu.memory_space<semaphore_mem>>) src(%arg9 : memref<128x128xf32, #tpu.memory_space<vmem>>) dst(%dma_wait3A_104 : memref<10240x128xf32, #tpu.memory_space<vmem_shared>>)
        } else {
        }
        %add3A_78 = arith.constant 1 : i32
        %add3A_79 = arith.addi %add3A_72, %add3A_78 : i32
        %lt3A_80 = arith.constant 8 : i32
        %lt3A_81 = arith.cmpi slt, %add3A_79, %lt3A_80 : i32
        %convert_element_type3A_82 = arith.extui %lt3A_81 : i1 to i32
        %cond3A_83 = arith.constant 0 : i32
        %cond3A_84 = arith.cmpi ne, %convert_element_type3A_82, %cond3A_83 : i32
        scf.if %cond3A_84 {
          %add3A_98 = arith.constant 1 : i32
          %add3A_99 = arith.addi %add3A_72, %add3A_98 : i32
          %dma_start3A_100 = arith.constant 0 : i32
          %dma_start3A_101 = tpu.memref_slice %arg7[%add3A_99, %dma_start3A_100] : memref<8x128xi32, #tpu.memory_space<vmem>> -> memref<1x128xi32, #tpu.memory_space<vmem>>
          %dma_start3A_102 = tpu.memref_squeeze %dma_start3A_101 : memref<1x128xi32, #tpu.memory_space<vmem>> -> memref<128xi32, #tpu.memory_space<vmem>>
          %dma_start3A_103 = arith.constant 0 : i32
          %dma_start3A_104 = arith.constant 0 : i32
          %dma_start3A_105 = tpu.memref_slice %arg4[%dma_start3A_103, %dma_start3A_104] : memref<10240x128xf32, #tpu.memory_space<hbm>> -> memref<10240x128xf32, #tpu.memory_space<hbm>>
          tpu.enqueue_indirect_dma source(%dma_start3A_105 : memref<10240x128xf32, #tpu.memory_space<hbm>>) target(%arg9 : memref<128x128xf32, #tpu.memory_space<vmem>>) offsets(%dma_start3A_102 : memref<128xi32, #tpu.memory_space<vmem>>) semaphore(%arg12 : memref<!tpu.dma_semaphore, #tpu.memory_space<semaphore_mem>>)
        } else {
        }
        %dma_wait3A_85 = arith.constant 0 : i32
        %dma_wait3A_86 = tpu.memref_slice %arg7[%add3A_72, %dma_wait3A_85] : memref<8x128xi32, #tpu.memory_space<vmem>> -> memref<1x128xi32, #tpu.memory_space<vmem>>
        %dma_wait3A_87 = tpu.memref_squeeze %dma_wait3A_86 : memref<1x128xi32, #tpu.memory_space<vmem>> -> memref<128xi32, #tpu.memory_space<vmem>>
        %dma_wait3A_88 = arith.constant 0 : i32
        %dma_wait3A_89 = arith.constant 0 : i32
        %dma_wait3A_90 = tpu.memref_slice %arg4[%dma_wait3A_88, %dma_wait3A_89] : memref<10240x128xf32, #tpu.memory_space<hbm>> -> memref<10240x128xf32, #tpu.memory_space<hbm>>
        tpu.wait_indirect_dma semaphore(%arg13 : memref<!tpu.dma_semaphore, #tpu.memory_space<semaphore_mem>>) src(%dma_wait3A_90 : memref<10240x128xf32, #tpu.memory_space<hbm>>) dst(%arg10 : memref<128x128xf32, #tpu.memory_space<vmem>>)
        %dma_start3A_91 = arith.constant 0 : i32
        %dma_start3A_92 = tpu.memref_slice %arg8[%add3A_72, %dma_start3A_91] : memref<8x128xi32, #tpu.memory_space<vmem>> -> memref<1x128xi32, #tpu.memory_space<vmem>>
        %dma_start3A_93 = tpu.memref_squeeze %dma_start3A_92 : memref<1x128xi32, #tpu.memory_space<vmem>> -> memref<128xi32, #tpu.memory_space<vmem>>
        %dma_start3A_94 = arith.constant 0 : i32
        %dma_start3A_95 = arith.constant 0 : i32
        %dma_start3A_96 = tpu.memref_slice %arg11[%dma_start3A_94, %dma_start3A_95] : memref<10240x128xf32, #tpu.memory_space<vmem_shared>> -> memref<10240x128xf32, #tpu.memory_space<vmem_shared>>
        tpu.enqueue_indirect_dma source(%arg10 : memref<128x128xf32, #tpu.memory_space<vmem>>) target(%dma_start3A_96 : memref<10240x128xf32, #tpu.memory_space<vmem_shared>>) offsets(%dma_start3A_93 : memref<128xi32, #tpu.memory_space<vmem>>) semaphore(%arg15 : memref<!tpu.dma_semaphore, #tpu.memory_space<semaphore_mem>>) {add = true}
        %scan3A_97 = arith.constant 0 : i32
        scf.yield %scan3A_97 : i32
      }
      %scan3A_35 = arith.constant 4 : i32
      %dma_wait3A = arith.constant 0 : i32
      %dma_wait3A_36 = arith.constant 0 : i32
      %dma_wait3A_37 = tpu.memref_slice %arg8[%dma_wait3A, %dma_wait3A_36] : memref<8x128xi32, #tpu.memory_space<vmem>> -> memref<1x128xi32, #tpu.memory_space<vmem>>
      %dma_wait3A_38 = tpu.memref_squeeze %dma_wait3A_37 : memref<1x128xi32, #tpu.memory_space<vmem>> -> memref<128xi32, #tpu.memory_space<vmem>>
      %dma_wait3A_39 = arith.constant 0 : i32
      %dma_wait3A_40 = arith.constant 0 : i32
      %dma_wait3A_41 = tpu.memref_slice %arg11[%dma_wait3A_39, %dma_wait3A_40] : memref<10240x128xf32, #tpu.memory_space<vmem_shared>> -> memref<10240x128xf32, #tpu.memory_space<vmem_shared>>
      tpu.wait_indirect_dma semaphore(%arg15 : memref<!tpu.dma_semaphore, #tpu.memory_space<semaphore_mem>>) src(%arg10 : memref<128x128xf32, #tpu.memory_space<vmem>>) dst(%dma_wait3A_41 : memref<10240x128xf32, #tpu.memory_space<vmem_shared>>)
      %scan3A_42 = arith.constant 0 : i32
      scf.yield %scan3A_42 : i32
    }
    %scan3A_12 = arith.constant 10 : i32
    %barrier3A_13 = arith.constant 0 : index
    tpu.barrier barrier_id(%barrier3A_13)
    %mul3A_14 = arith.constant 640 : i32
    %mul3A_15 = arith.muli %arg1, %mul3A_14 : i32
    %mul3A_16 = arith.constant 640 : i32
    %mul3A_17 = arith.muli %arg1, %mul3A_16 : i32
    "tpu.region"() ({
      %run_scoped3A = tpu.sem_alloc : memref<!tpu.dma_semaphore, #tpu.memory_space<semaphore_mem>>
      %dma_start3A = arith.constant 0 : i32
      %dma_start3A_18 = arith.constant 0 : i32
      %dma_start3A_19 = tpu.memref_slice %arg6[%arg0, %dma_start3A, %dma_start3A_18] : memref<2x10240x128xf32, #tpu.memory_space<hbm>> -> memref<1x10240x128xf32, #tpu.memory_space<hbm>>
      %dma_start3A_20 = tpu.memref_squeeze %dma_start3A_19 : memref<1x10240x128xf32, #tpu.memory_space<hbm>> -> memref<10240x128xf32, #tpu.memory_space<hbm>>
      %dma_start3A_21 = arith.constant 0 : i32
      %dma_start3A_22 = tpu.memref_slice %dma_start3A_20[%mul3A_17, %dma_start3A_21] : memref<10240x128xf32, #tpu.memory_space<hbm>> -> memref<640x128xf32, #tpu.memory_space<hbm>>
      %dma_start3A_23 = arith.constant 0 : i32
      %dma_start3A_24 = tpu.memref_slice %arg11[%mul3A_15, %dma_start3A_23] : memref<10240x128xf32, #tpu.memory_space<vmem_shared>> -> memref<640x128xf32, #tpu.memory_space<vmem_shared>>
      tpu.enqueue_dma source(%dma_start3A_24 : memref<640x128xf32, #tpu.memory_space<vmem_shared>>) target(%dma_start3A_22 : memref<640x128xf32, #tpu.memory_space<hbm>>) target_semaphore(%run_scoped3A : memref<!tpu.dma_semaphore, #tpu.memory_space<semaphore_mem>>)
      %dma_wait3A = arith.constant 0 : i32
      %dma_wait3A_25 = arith.constant 0 : i32
      %dma_wait3A_26 = tpu.memref_slice %arg6[%arg0, %dma_wait3A, %dma_wait3A_25] : memref<2x10240x128xf32, #tpu.memory_space<hbm>> -> memref<1x10240x128xf32, #tpu.memory_space<hbm>>
      %dma_wait3A_27 = tpu.memref_squeeze %dma_wait3A_26 : memref<1x10240x128xf32, #tpu.memory_space<hbm>> -> memref<10240x128xf32, #tpu.memory_space<hbm>>
      %dma_wait3A_28 = arith.constant 0 : i32
      %dma_wait3A_29 = tpu.memref_slice %dma_wait3A_27[%mul3A_17, %dma_wait3A_28] : memref<10240x128xf32, #tpu.memory_space<hbm>> -> memref<640x128xf32, #tpu.memory_space<hbm>>
      %dma_wait3A_30 = arith.constant 0 : i32
      %dma_wait3A_31 = tpu.memref_slice %arg11[%mul3A_15, %dma_wait3A_30] : memref<10240x128xf32, #tpu.memory_space<vmem_shared>> -> memref<640x128xf32, #tpu.memory_space<vmem_shared>>
      tpu.wait_dma2 semaphore(%run_scoped3A : memref<!tpu.dma_semaphore, #tpu.memory_space<semaphore_mem>>) src(%dma_wait3A_31 : memref<640x128xf32, #tpu.memory_space<vmem_shared>>) dst(%dma_wait3A_29 : memref<640x128xf32, #tpu.memory_space<hbm>>)
      tpu.yield
    }) : () -> ()
    return
  }
}

#map = affine_map<(d0, d1) -> (0, 0)>
#map1 = affine_map<(d0, d1) -> (0, 0, 0)>
module attributes {stable_mosaic.version = 14 : i64} {
  func.func @body(%arg0: i32, %arg1: i32, %arg2: memref<2560x128xi32, #tpu.memory_space<hbm>>, %arg3: memref<2560x128xi32, #tpu.memory_space<hbm>>, %arg4: memref<10240x128xf32, #tpu.memory_space<hbm>>, %arg5: memref<10240x128xf32, #tpu.memory_space<hbm>>, %arg6: memref<2x10240x128xf32, #tpu.memory_space<hbm>>, %arg7: memref<8x128xi32, #tpu.memory_space<vmem>>, %arg8: memref<8x128xi32, #tpu.memory_space<vmem>>, %arg9: memref<128x128xf32, #tpu.memory_space<vmem>>, %arg10: memref<128x128xf32, #tpu.memory_space<vmem>>, %arg11: memref<10240x128xf32, #tpu.memory_space<vmem_shared>>, %arg12: memref<!tpu.dma_semaphore, #tpu.memory_space<semaphore_mem>>, %arg13: memref<!tpu.dma_semaphore, #tpu.memory_space<semaphore_mem>>, %arg14: memref<!tpu.dma_semaphore, #tpu.memory_space<semaphore_mem>>, %arg15: memref<!tpu.dma_semaphore, #tpu.memory_space<semaphore_mem>>) attributes {dimension_semantics = [#tpu.dimension_semantics<core_parallel>, #tpu.dimension_semantics<subcore_parallel>], iteration_bounds = array<i64: 2, 16>, scalar_prefetch = 0 : i64, scratch_operands = 9 : i64, tpu.core_type = #tpu.core_type<sc_vector_subcore>, window_params = [{transform_indices = #map}, {transform_indices = #map}, {transform_indices = #map}, {transform_indices = #map}, {transform_indices = #map1}]} {
    %mul3A = arith.constant 16 : i32
    %mul3A_0 = arith.muli %arg0, %mul3A : i32
    %add3A = arith.addi %mul3A_0, %arg1 : i32
    %mul3A_1 = arith.constant 80 : i32
    %mul3A_2 = arith.muli %add3A, %mul3A_1 : i32
    %mul3A_3 = arith.constant 640 : i32
    %mul3A_4 = arith.muli %arg1, %mul3A_3 : i32
    %mul3A_5 = arith.constant 640 : i32
    %mul3A_6 = arith.muli %arg1, %mul3A_5 : i32
    "tpu.region"() ({
      %run_scoped3A = tpu.sem_alloc : memref<!tpu.dma_semaphore, #tpu.memory_space<semaphore_mem>>
      %dma_start3A = arith.constant 0 : i32
      %dma_start3A_18 = tpu.memref_slice %arg11[%mul3A_6, %dma_start3A] : memref<10240x128xf32, #tpu.memory_space<vmem_shared>> -> memref<640x128xf32, #tpu.memory_space<vmem_shared>>
      %dma_start3A_19 = arith.constant 0 : i32
      %dma_start3A_20 = tpu.memref_slice %arg5[%mul3A_4, %dma_start3A_19] : memref<10240x128xf32, #tpu.memory_space<hbm>> -> memref<640x128xf32, #tpu.memory_space<hbm>>
      tpu.enqueue_dma source(%dma_start3A_20 : memref<640x128xf32, #tpu.memory_space<hbm>>) target(%dma_start3A_18 : memref<640x128xf32, #tpu.memory_space<vmem_shared>>) target_semaphore(%run_scoped3A : memref<!tpu.dma_semaphore, #tpu.memory_space<semaphore_mem>>)
      %dma_wait3A = arith.constant 0 : i32
      %dma_wait3A_21 = tpu.memref_slice %arg11[%mul3A_6, %dma_wait3A] : memref<10240x128xf32, #tpu.memory_space<vmem_shared>> -> memref<640x128xf32, #tpu.memory_space<vmem_shared>>
      %dma_wait3A_22 = arith.constant 0 : i32
      %dma_wait3A_23 = tpu.memref_slice %arg5[%mul3A_4, %dma_wait3A_22] : memref<10240x128xf32, #tpu.memory_space<hbm>> -> memref<640x128xf32, #tpu.memory_space<hbm>>
      tpu.wait_dma2 semaphore(%run_scoped3A : memref<!tpu.dma_semaphore, #tpu.memory_space<semaphore_mem>>) src(%dma_wait3A_23 : memref<640x128xf32, #tpu.memory_space<hbm>>) dst(%dma_wait3A_21 : memref<640x128xf32, #tpu.memory_space<vmem_shared>>)
      tpu.yield
    }) : () -> ()
    %barrier3A = arith.constant 0 : index
    tpu.barrier barrier_id(%barrier3A)
    %scan3A = arith.constant 0 : i32
    %scan3A_7 = arith.constant 0 : i32
    %scan3A_8 = arith.constant 10 : i32
    %scan3A_9 = arith.addi %scan3A_7, %scan3A_8 : i32
    %scan3A_10 = arith.constant 1 : i32
    %scan3A_11 = scf.for %scan3A_18 = %scan3A_7 to %scan3A_9 step %scan3A_10 iter_args(%scan3A_19 = %scan3A) -> (i32)  : i32 {
      %mul3A_20 = arith.constant 8 : i32
      %mul3A_21 = arith.muli %scan3A_18, %mul3A_20 : i32
      %add3A_22 = arith.addi %mul3A_2, %mul3A_21 : i32
      "tpu.region"() ({
        %run_scoped3A = tpu.sem_alloc : memref<!tpu.dma_semaphore, #tpu.memory_space<semaphore_mem>>
        %dma_start3A_43 = arith.constant 0 : i32
        %dma_start3A_44 = tpu.memref_slice %arg2[%add3A_22, %dma_start3A_43] : memref<2560x128xi32, #tpu.memory_space<hbm>> -> memref<8x128xi32, #tpu.memory_space<hbm>>
        %dma_start3A_45 = arith.constant 0 : i32
        %dma_start3A_46 = tpu.memref_slice %arg2[%add3A_22, %dma_start3A_45] : memref<2560x128xi32, #tpu.memory_space<hbm>> -> memref<8x128xi32, #tpu.memory_space<hbm>>
        tpu.enqueue_dma source(%dma_start3A_46 : memref<8x128xi32, #tpu.memory_space<hbm>>) target(%arg7 : memref<8x128xi32, #tpu.memory_space<vmem>>) target_semaphore(%run_scoped3A : memref<!tpu.dma_semaphore, #tpu.memory_space<semaphore_mem>>)
        %dma_wait3A_47 = arith.constant 0 : i32
        %dma_wait3A_48 = tpu.memref_slice %arg2[%add3A_22, %dma_wait3A_47] : memref<2560x128xi32, #tpu.memory_space<hbm>> -> memref<8x128xi32, #tpu.memory_space<hbm>>
        %dma_wait3A_49 = arith.constant 0 : i32
        %dma_wait3A_50 = tpu.memref_slice %arg2[%add3A_22, %dma_wait3A_49] : memref<2560x128xi32, #tpu.memory_space<hbm>> -> memref<8x128xi32, #tpu.memory_space<hbm>>
        tpu.wait_dma2 semaphore(%run_scoped3A : memref<!tpu.dma_semaphore, #tpu.memory_space<semaphore_mem>>) src(%dma_wait3A_50 : memref<8x128xi32, #tpu.memory_space<hbm>>) dst(%arg7 : memref<8x128xi32, #tpu.memory_space<vmem>>)
        tpu.yield
      }) : () -> ()
      "tpu.region"() ({
        %run_scoped3A = tpu.sem_alloc : memref<!tpu.dma_semaphore, #tpu.memory_space<semaphore_mem>>
        %dma_start3A_43 = arith.constant 0 : i32
        %dma_start3A_44 = tpu.memref_slice %arg3[%add3A_22, %dma_start3A_43] : memref<2560x128xi32, #tpu.memory_space<hbm>> -> memref<8x128xi32, #tpu.memory_space<hbm>>
        %dma_start3A_45 = arith.constant 0 : i32
        %dma_start3A_46 = tpu.memref_slice %arg3[%add3A_22, %dma_start3A_45] : memref<2560x128xi32, #tpu.memory_space<hbm>> -> memref<8x128xi32, #tpu.memory_space<hbm>>
        tpu.enqueue_dma source(%dma_start3A_46 : memref<8x128xi32, #tpu.memory_space<hbm>>) target(%arg8 : memref<8x128xi32, #tpu.memory_space<vmem>>) target_semaphore(%run_scoped3A : memref<!tpu.dma_semaphore, #tpu.memory_space<semaphore_mem>>)
        %dma_wait3A_47 = arith.constant 0 : i32
        %dma_wait3A_48 = tpu.memref_slice %arg3[%add3A_22, %dma_wait3A_47] : memref<2560x128xi32, #tpu.memory_space<hbm>> -> memref<8x128xi32, #tpu.memory_space<hbm>>
        %dma_wait3A_49 = arith.constant 0 : i32
        %dma_wait3A_50 = tpu.memref_slice %arg3[%add3A_22, %dma_wait3A_49] : memref<2560x128xi32, #tpu.memory_space<hbm>> -> memref<8x128xi32, #tpu.memory_space<hbm>>
        tpu.wait_dma2 semaphore(%run_scoped3A : memref<!tpu.dma_semaphore, #tpu.memory_space<semaphore_mem>>) src(%dma_wait3A_50 : memref<8x128xi32, #tpu.memory_space<hbm>>) dst(%arg8 : memref<8x128xi32, #tpu.memory_space<vmem>>)
        tpu.yield
      }) : () -> ()
      %dma_start3A = arith.constant 0 : i32
      %dma_start3A_23 = arith.constant 0 : i32
      %dma_start3A_24 = tpu.memref_slice %arg7[%dma_start3A, %dma_start3A_23] : memref<8x128xi32, #tpu.memory_space<vmem>> -> memref<1x128xi32, #tpu.memory_space<vmem>>
      %dma_start3A_25 = tpu.memref_squeeze %dma_start3A_24 : memref<1x128xi32, #tpu.memory_space<vmem>> -> memref<128xi32, #tpu.memory_space<vmem>>
      %dma_start3A_26 = arith.constant 0 : i32
      %dma_start3A_27 = arith.constant 0 : i32
      %dma_start3A_28 = tpu.memref_slice %arg4[%dma_start3A_26, %dma_start3A_27] : memref<10240x128xf32, #tpu.memory_space<hbm>> -> memref<10240x128xf32, #tpu.memory_space<hbm>>
      tpu.enqueue_indirect_dma source(%dma_start3A_28 : memref<10240x128xf32, #tpu.memory_space<hbm>>) target(%arg9 : memref<128x128xf32, #tpu.memory_space<vmem>>) offsets(%dma_start3A_25 : memref<128xi32, #tpu.memory_space<vmem>>) semaphore(%arg12 : memref<!tpu.dma_semaphore, #tpu.memory_space<semaphore_mem>>)
      %scan3A_29 = arith.constant 0 : i32
      %scan3A_30 = arith.constant 0 : i32
      %scan3A_31 = arith.constant 4 : i32
      %scan3A_32 = arith.addi %scan3A_30, %scan3A_31 : i32
      %scan3A_33 = arith.constant 1 : i32
      %scan3A_34 = scf.for %scan3A_43 = %scan3A_30 to %scan3A_32 step %scan3A_33 iter_args(%scan3A_44 = %scan3A_29) -> (i32)  : i32 {
        %mul3A_45 = arith.constant 2 : i32
        %mul3A_46 = arith.muli %scan3A_43, %mul3A_45 : i32
        %add3A_47 = arith.constant 0 : i32
        %add3A_48 = arith.addi %mul3A_46, %add3A_47 : i32
        %ge3A = arith.constant 1 : i32
        %ge3A_49 = arith.cmpi sge, %add3A_48, %ge3A : i32
        %convert_element_type3A = arith.extui %ge3A_49 : i1 to i32
        %cond3A = arith.constant 0 : i32
        %cond3A_50 = arith.cmpi ne, %convert_element_type3A, %cond3A : i32
        scf.if %cond3A_50 {
          %dma_wait3A_98 = arith.constant 0 : i32
          %dma_wait3A_99 = arith.constant 0 : i32
          %dma_wait3A_100 = tpu.memref_slice %arg8[%dma_wait3A_98, %dma_wait3A_99] : memref<8x128xi32, #tpu.memory_space<vmem>> -> memref<1x128xi32, #tpu.memory_space<vmem>>
          %dma_wait3A_101 = tpu.memref_squeeze %dma_wait3A_100 : memref<1x128xi32, #tpu.memory_space<vmem>> -> memref<128xi32, #tpu.memory_space<vmem>>
          %dma_wait3A_102 = arith.constant 0 : i32
          %dma_wait3A_103 = arith.constant 0 : i32
          %dma_wait3A_104 = tpu.memref_slice %arg11[%dma_wait3A_102, %dma_wait3A_103] : memref<10240x128xf32, #tpu.memory_space<vmem_shared>> -> memref<10240x128xf32, #tpu.memory_space<vmem_shared>>
          tpu.wait_indirect_dma semaphore(%arg15 : memref<!tpu.dma_semaphore, #tpu.memory_space<semaphore_mem>>) src(%arg10 : memref<128x128xf32, #tpu.memory_space<vmem>>) dst(%dma_wait3A_104 : memref<10240x128xf32, #tpu.memory_space<vmem_shared>>)
        } else {
        }
        %add3A_51 = arith.constant 1 : i32
        %add3A_52 = arith.addi %add3A_48, %add3A_51 : i32
        %lt3A = arith.constant 8 : i32
        %lt3A_53 = arith.cmpi slt, %add3A_52, %lt3A : i32
        %convert_element_type3A_54 = arith.extui %lt3A_53 : i1 to i32
        %cond3A_55 = arith.constant 0 : i32
        %cond3A_56 = arith.cmpi ne, %convert_element_type3A_54, %cond3A_55 : i32
        scf.if %cond3A_56 {
          %add3A_98 = arith.constant 1 : i32
          %add3A_99 = arith.addi %add3A_48, %add3A_98 : i32
          %dma_start3A_100 = arith.constant 0 : i32
          %dma_start3A_101 = tpu.memref_slice %arg7[%add3A_99, %dma_start3A_100] : memref<8x128xi32, #tpu.memory_space<vmem>> -> memref<1x128xi32, #tpu.memory_space<vmem>>
          %dma_start3A_102 = tpu.memref_squeeze %dma_start3A_101 : memref<1x128xi32, #tpu.memory_space<vmem>> -> memref<128xi32, #tpu.memory_space<vmem>>
          %dma_start3A_103 = arith.constant 0 : i32
          %dma_start3A_104 = arith.constant 0 : i32
          %dma_start3A_105 = tpu.memref_slice %arg4[%dma_start3A_103, %dma_start3A_104] : memref<10240x128xf32, #tpu.memory_space<hbm>> -> memref<10240x128xf32, #tpu.memory_space<hbm>>
          tpu.enqueue_indirect_dma source(%dma_start3A_105 : memref<10240x128xf32, #tpu.memory_space<hbm>>) target(%arg10 : memref<128x128xf32, #tpu.memory_space<vmem>>) offsets(%dma_start3A_102 : memref<128xi32, #tpu.memory_space<vmem>>) semaphore(%arg13 : memref<!tpu.dma_semaphore, #tpu.memory_space<semaphore_mem>>)
        } else {
        }
        %dma_wait3A_57 = arith.constant 0 : i32
        %dma_wait3A_58 = tpu.memref_slice %arg7[%add3A_48, %dma_wait3A_57] : memref<8x128xi32, #tpu.memory_space<vmem>> -> memref<1x128xi32, #tpu.memory_space<vmem>>
        %dma_wait3A_59 = tpu.memref_squeeze %dma_wait3A_58 : memref<1x128xi32, #tpu.memory_space<vmem>> -> memref<128xi32, #tpu.memory_space<vmem>>
        %dma_wait3A_60 = arith.constant 0 : i32
        %dma_wait3A_61 = arith.constant 0 : i32
        %dma_wait3A_62 = tpu.memref_slice %arg4[%dma_wait3A_60, %dma_wait3A_61] : memref<10240x128xf32, #tpu.memory_space<hbm>> -> memref<10240x128xf32, #tpu.memory_space<hbm>>
        tpu.wait_indirect_dma semaphore(%arg12 : memref<!tpu.dma_semaphore, #tpu.memory_space<semaphore_mem>>) src(%dma_wait3A_62 : memref<10240x128xf32, #tpu.memory_space<hbm>>) dst(%arg9 : memref<128x128xf32, #tpu.memory_space<vmem>>)
        %dma_start3A_63 = arith.constant 0 : i32
        %dma_start3A_64 = tpu.memref_slice %arg8[%add3A_48, %dma_start3A_63] : memref<8x128xi32, #tpu.memory_space<vmem>> -> memref<1x128xi32, #tpu.memory_space<vmem>>
        %dma_start3A_65 = tpu.memref_squeeze %dma_start3A_64 : memref<1x128xi32, #tpu.memory_space<vmem>> -> memref<128xi32, #tpu.memory_space<vmem>>
        %dma_start3A_66 = arith.constant 0 : i32
        %dma_start3A_67 = arith.constant 0 : i32
        %dma_start3A_68 = tpu.memref_slice %arg11[%dma_start3A_66, %dma_start3A_67] : memref<10240x128xf32, #tpu.memory_space<vmem_shared>> -> memref<10240x128xf32, #tpu.memory_space<vmem_shared>>
        tpu.enqueue_indirect_dma source(%arg9 : memref<128x128xf32, #tpu.memory_space<vmem>>) target(%dma_start3A_68 : memref<10240x128xf32, #tpu.memory_space<vmem_shared>>) offsets(%dma_start3A_65 : memref<128xi32, #tpu.memory_space<vmem>>) semaphore(%arg14 : memref<!tpu.dma_semaphore, #tpu.memory_space<semaphore_mem>>) {add = true}
        %mul3A_69 = arith.constant 2 : i32
        %mul3A_70 = arith.muli %scan3A_43, %mul3A_69 : i32
        %add3A_71 = arith.constant 1 : i32
        %add3A_72 = arith.addi %mul3A_70, %add3A_71 : i32
        %ge3A_73 = arith.constant 1 : i32
        %ge3A_74 = arith.cmpi sge, %add3A_72, %ge3A_73 : i32
        %convert_element_type3A_75 = arith.extui %ge3A_74 : i1 to i32
        %cond3A_76 = arith.constant 0 : i32
        %cond3A_77 = arith.cmpi ne, %convert_element_type3A_75, %cond3A_76 : i32
        scf.if %cond3A_77 {
          %dma_wait3A_98 = arith.constant 0 : i32
          %dma_wait3A_99 = arith.constant 0 : i32
          %dma_wait3A_100 = tpu.memref_slice %arg8[%dma_wait3A_98, %dma_wait3A_99] : memref<8x128xi32, #tpu.memory_space<vmem>> -> memref<1x128xi32, #tpu.memory_space<vmem>>
          %dma_wait3A_101 = tpu.memref_squeeze %dma_wait3A_100 : memref<1x128xi32, #tpu.memory_space<vmem>> -> memref<128xi32, #tpu.memory_space<vmem>>
          %dma_wait3A_102 = arith.constant 0 : i32
          %dma_wait3A_103 = arith.constant 0 : i32
          %dma_wait3A_104 = tpu.memref_slice %arg11[%dma_wait3A_102, %dma_wait3A_103] : memref<10240x128xf32, #tpu.memory_space<vmem_shared>> -> memref<10240x128xf32, #tpu.memory_space<vmem_shared>>
          tpu.wait_indirect_dma semaphore(%arg14 : memref<!tpu.dma_semaphore, #tpu.memory_space<semaphore_mem>>) src(%arg9 : memref<128x128xf32, #tpu.memory_space<vmem>>) dst(%dma_wait3A_104 : memref<10240x128xf32, #tpu.memory_space<vmem_shared>>)
        } else {
        }
        %add3A_78 = arith.constant 1 : i32
        %add3A_79 = arith.addi %add3A_72, %add3A_78 : i32
        %lt3A_80 = arith.constant 8 : i32
        %lt3A_81 = arith.cmpi slt, %add3A_79, %lt3A_80 : i32
        %convert_element_type3A_82 = arith.extui %lt3A_81 : i1 to i32
        %cond3A_83 = arith.constant 0 : i32
        %cond3A_84 = arith.cmpi ne, %convert_element_type3A_82, %cond3A_83 : i32
        scf.if %cond3A_84 {
          %add3A_98 = arith.constant 1 : i32
          %add3A_99 = arith.addi %add3A_72, %add3A_98 : i32
          %dma_start3A_100 = arith.constant 0 : i32
          %dma_start3A_101 = tpu.memref_slice %arg7[%add3A_99, %dma_start3A_100] : memref<8x128xi32, #tpu.memory_space<vmem>> -> memref<1x128xi32, #tpu.memory_space<vmem>>
          %dma_start3A_102 = tpu.memref_squeeze %dma_start3A_101 : memref<1x128xi32, #tpu.memory_space<vmem>> -> memref<128xi32, #tpu.memory_space<vmem>>
          %dma_start3A_103 = arith.constant 0 : i32
          %dma_start3A_104 = arith.constant 0 : i32
          %dma_start3A_105 = tpu.memref_slice %arg4[%dma_start3A_103, %dma_start3A_104] : memref<10240x128xf32, #tpu.memory_space<hbm>> -> memref<10240x128xf32, #tpu.memory_space<hbm>>
          tpu.enqueue_indirect_dma source(%dma_start3A_105 : memref<10240x128xf32, #tpu.memory_space<hbm>>) target(%arg9 : memref<128x128xf32, #tpu.memory_space<vmem>>) offsets(%dma_start3A_102 : memref<128xi32, #tpu.memory_space<vmem>>) semaphore(%arg12 : memref<!tpu.dma_semaphore, #tpu.memory_space<semaphore_mem>>)
        } else {
        }
        %dma_wait3A_85 = arith.constant 0 : i32
        %dma_wait3A_86 = tpu.memref_slice %arg7[%add3A_72, %dma_wait3A_85] : memref<8x128xi32, #tpu.memory_space<vmem>> -> memref<1x128xi32, #tpu.memory_space<vmem>>
        %dma_wait3A_87 = tpu.memref_squeeze %dma_wait3A_86 : memref<1x128xi32, #tpu.memory_space<vmem>> -> memref<128xi32, #tpu.memory_space<vmem>>
        %dma_wait3A_88 = arith.constant 0 : i32
        %dma_wait3A_89 = arith.constant 0 : i32
        %dma_wait3A_90 = tpu.memref_slice %arg4[%dma_wait3A_88, %dma_wait3A_89] : memref<10240x128xf32, #tpu.memory_space<hbm>> -> memref<10240x128xf32, #tpu.memory_space<hbm>>
        tpu.wait_indirect_dma semaphore(%arg13 : memref<!tpu.dma_semaphore, #tpu.memory_space<semaphore_mem>>) src(%dma_wait3A_90 : memref<10240x128xf32, #tpu.memory_space<hbm>>) dst(%arg10 : memref<128x128xf32, #tpu.memory_space<vmem>>)
        %dma_start3A_91 = arith.constant 0 : i32
        %dma_start3A_92 = tpu.memref_slice %arg8[%add3A_72, %dma_start3A_91] : memref<8x128xi32, #tpu.memory_space<vmem>> -> memref<1x128xi32, #tpu.memory_space<vmem>>
        %dma_start3A_93 = tpu.memref_squeeze %dma_start3A_92 : memref<1x128xi32, #tpu.memory_space<vmem>> -> memref<128xi32, #tpu.memory_space<vmem>>
        %dma_start3A_94 = arith.constant 0 : i32
        %dma_start3A_95 = arith.constant 0 : i32
        %dma_start3A_96 = tpu.memref_slice %arg11[%dma_start3A_94, %dma_start3A_95] : memref<10240x128xf32, #tpu.memory_space<vmem_shared>> -> memref<10240x128xf32, #tpu.memory_space<vmem_shared>>
        tpu.enqueue_indirect_dma source(%arg10 : memref<128x128xf32, #tpu.memory_space<vmem>>) target(%dma_start3A_96 : memref<10240x128xf32, #tpu.memory_space<vmem_shared>>) offsets(%dma_start3A_93 : memref<128xi32, #tpu.memory_space<vmem>>) semaphore(%arg15 : memref<!tpu.dma_semaphore, #tpu.memory_space<semaphore_mem>>) {add = true}
        %scan3A_97 = arith.constant 0 : i32
        scf.yield %scan3A_97 : i32
      }
      %scan3A_35 = arith.constant 4 : i32
      %dma_wait3A = arith.constant 0 : i32
      %dma_wait3A_36 = arith.constant 0 : i32
      %dma_wait3A_37 = tpu.memref_slice %arg8[%dma_wait3A, %dma_wait3A_36] : memref<8x128xi32, #tpu.memory_space<vmem>> -> memref<1x128xi32, #tpu.memory_space<vmem>>
      %dma_wait3A_38 = tpu.memref_squeeze %dma_wait3A_37 : memref<1x128xi32, #tpu.memory_space<vmem>> -> memref<128xi32, #tpu.memory_space<vmem>>
      %dma_wait3A_39 = arith.constant 0 : i32
      %dma_wait3A_40 = arith.constant 0 : i32
      %dma_wait3A_41 = tpu.memref_slice %arg11[%dma_wait3A_39, %dma_wait3A_40] : memref<10240x128xf32, #tpu.memory_space<vmem_shared>> -> memref<10240x128xf32, #tpu.memory_space<vmem_shared>>
      tpu.wait_indirect_dma semaphore(%arg15 : memref<!tpu.dma_semaphore, #tpu.memory_space<semaphore_mem>>) src(%arg10 : memref<128x128xf32, #tpu.memory_space<vmem>>) dst(%dma_wait3A_41 : memref<10240x128xf32, #tpu.memory_space<vmem_shared>>)
      %scan3A_42 = arith.constant 0 : i32
      scf.yield %scan3A_42 : i32
    }
    %scan3A_12 = arith.constant 10 : i32
    %barrier3A_13 = arith.constant 0 : index
    tpu.barrier barrier_id(%barrier3A_13)
    %mul3A_14 = arith.constant 640 : i32
    %mul3A_15 = arith.muli %arg1, %mul3A_14 : i32
    %mul3A_16 = arith.constant 640 : i32
    %mul3A_17 = arith.muli %arg1, %mul3A_16 : i32
    "tpu.region"() ({
      %run_scoped3A = tpu.sem_alloc : memref<!tpu.dma_semaphore, #tpu.memory_space<semaphore_mem>>
      %dma_start3A = arith.constant 0 : i32
      %dma_start3A_18 = arith.constant 0 : i32
      %dma_start3A_19 = tpu.memref_slice %arg6[%arg0, %dma_start3A, %dma_start3A_18] : memref<2x10240x128xf32, #tpu.memory_space<hbm>> -> memref<1x10240x128xf32, #tpu.memory_space<hbm>>
      %dma_start3A_20 = tpu.memref_squeeze %dma_start3A_19 : memref<1x10240x128xf32, #tpu.memory_space<hbm>> -> memref<10240x128xf32, #tpu.memory_space<hbm>>
      %dma_start3A_21 = arith.constant 0 : i32
      %dma_start3A_22 = tpu.memref_slice %dma_start3A_20[%mul3A_17, %dma_start3A_21] : memref<10240x128xf32, #tpu.memory_space<hbm>> -> memref<640x128xf32, #tpu.memory_space<hbm>>
      %dma_start3A_23 = arith.constant 0 : i32
      %dma_start3A_24 = tpu.memref_slice %arg11[%mul3A_15, %dma_start3A_23] : memref<10240x128xf32, #tpu.memory_space<vmem_shared>> -> memref<640x128xf32, #tpu.memory_space<vmem_shared>>
      tpu.enqueue_dma source(%dma_start3A_24 : memref<640x128xf32, #tpu.memory_space<vmem_shared>>) target(%dma_start3A_22 : memref<640x128xf32, #tpu.memory_space<hbm>>) target_semaphore(%run_scoped3A : memref<!tpu.dma_semaphore, #tpu.memory_space<semaphore_mem>>)
      %dma_wait3A = arith.constant 0 : i32
      %dma_wait3A_25 = arith.constant 0 : i32
      %dma_wait3A_26 = tpu.memref_slice %arg6[%arg0, %dma_wait3A, %dma_wait3A_25] : memref<2x10240x128xf32, #tpu.memory_space<hbm>> -> memref<1x10240x128xf32, #tpu.memory_space<hbm>>
      %dma_wait3A_27 = tpu.memref_squeeze %dma_wait3A_26 : memref<1x10240x128xf32, #tpu.memory_space<hbm>> -> memref<10240x128xf32, #tpu.memory_space<hbm>>
      %dma_wait3A_28 = arith.constant 0 : i32
      %dma_wait3A_29 = tpu.memref_slice %dma_wait3A_27[%mul3A_17, %dma_wait3A_28] : memref<10240x128xf32, #tpu.memory_space<hbm>> -> memref<640x128xf32, #tpu.memory_space<hbm>>
      %dma_wait3A_30 = arith.constant 0 : i32
      %dma_wait3A_31 = tpu.memref_slice %arg11[%mul3A_15, %dma_wait3A_30] : memref<10240x128xf32, #tpu.memory_space<vmem_shared>> -> memref<640x128xf32, #tpu.memory_space<vmem_shared>>
      tpu.wait_dma2 semaphore(%run_scoped3A : memref<!tpu.dma_semaphore, #tpu.memory_space<semaphore_mem>>) src(%dma_wait3A_31 : memref<640x128xf32, #tpu.memory_space<vmem_shared>>) dst(%dma_wait3A_29 : memref<640x128xf32, #tpu.memory_space<hbm>>)
      tpu.yield
    }) : () -> ()
    return
  }
}

module attributes {stable_mosaic.version = 14 : i64} {
  func.func @_tc_prep_body(%arg0: i32, %arg1: memref<1024x128xf32, #tpu.memory_space<vmem>>, %arg2: memref<128x128xf32, #tpu.memory_space<vmem>>, %arg3: memref<128x128xf32, #tpu.memory_space<vmem>>, %arg4: memref<1x128xf32, #tpu.memory_space<vmem>>, %arg5: memref<2x1024x128xf32, #tpu.memory_space<vmem>>, %arg6: memref<1024x128xf32, #tpu.memory_space<vmem>>, %arg7: memref<1024x128xf32, #tpu.memory_space<vmem>>, %arg8: memref<1024x8xf32, #tpu.memory_space<vmem>>) attributes {dimension_semantics = [#tpu.dimension_semantics<arbitrary>], iteration_bounds = array<i64: 10>, scalar_prefetch = 0 : i64, scratch_operands = 0 : i64, tpu.core_type = #tpu.core_type<tc>, window_params = [{transform_indices = @transform_0, window_bounds = array<i64: 1024, 128>}, {pipeline_mode = #tpu.pipeline_mode<synchronous>, transform_indices = @transform_1, window_bounds = array<i64: 128, 128>}, {pipeline_mode = #tpu.pipeline_mode<synchronous>, transform_indices = @transform_2, window_bounds = array<i64: 128, 128>}, {pipeline_mode = #tpu.pipeline_mode<synchronous>, transform_indices = @transform_3, window_bounds = array<i64: 1, 128>}, {transform_indices = @transform_4, window_bounds = array<i64: 2, 1024, 128>}, {transform_indices = @transform_5, window_bounds = array<i64: 1024, 128>}, {transform_indices = @transform_6, window_bounds = array<i64: 1024, 128>}, {transform_indices = @transform_7, window_bounds = array<i64: 1024, 8>}]} {
    %get3A = arith.constant 0 : index
    %get3A_0 = arith.constant 0 : index
    %get3A_1 = arith.constant 0 : index
    %get3A_2 = vector.load %arg5[%get3A, %get3A_0, %get3A_1] : memref<2x1024x128xf32, #tpu.memory_space<vmem>>, vector<1x1024x1xf32>
    %get3A_3 = vector.shape_cast %get3A_2 : vector<1x1024x1xf32> to vector<1024xf32>
    %get3A_4 = arith.constant 1 : index
    %get3A_5 = arith.constant 0 : index
    %get3A_6 = arith.constant 0 : index
    %get3A_7 = vector.load %arg5[%get3A_4, %get3A_5, %get3A_6] : memref<2x1024x128xf32, #tpu.memory_space<vmem>>, vector<1x1024x1xf32>
    %get3A_8 = vector.shape_cast %get3A_7 : vector<1x1024x1xf32> to vector<1024xf32>
    %add3A = arith.addf %get3A_3, %get3A_8 : vector<1024xf32>
    %add3A_9 = arith.constant 1.000000e+00 : f32
    %add3A_10 = vector.broadcast %add3A_9 : f32 to vector<1024xf32>
    %add3A_11 = arith.addf %add3A, %add3A_10 : vector<1024xf32>
    %rsqrt3A = math.rsqrt %add3A_11 : vector<1024xf32>
    %broadcast_in_dim3A = vector.shape_cast %rsqrt3A : vector<1024xf32> to vector<1024x1xf32>
    %iota3A = tpu.iota {dimensions = array<i32: 0>} : vector<1024x1xi32>
    %mul3A = arith.constant 1024 : i32
    %mul3A_12 = arith.muli %arg0, %mul3A : i32
    %add3A_13 = vector.broadcast %mul3A_12 : i32 to vector<1024x1xi32>
    %add3A_14 = arith.addi %iota3A, %add3A_13 : vector<1024x1xi32>
    %lt3A = arith.constant 10000 : i32
    %lt3A_15 = vector.broadcast %lt3A : i32 to vector<1024x1xi32>
    %lt3A_16 = arith.cmpi slt, %add3A_14, %lt3A_15 : vector<1024x1xi32>
    %jit3A = arith.constant 0.000000e+00 : f32
    %broadcast_in_dim3A_17 = vector.broadcast %jit3A : f32 to vector<1024x1xf32>
    %select_n3A = arith.select %lt3A_16, %broadcast_in_dim3A, %broadcast_in_dim3A_17 : vector<1024x1xi1>, vector<1024x1xf32>
    %get3A_18 = arith.constant 0 : index
    %get3A_19 = arith.constant 0 : index
    %get3A_20 = vector.load %arg1[%get3A_18, %get3A_19] : memref<1024x128xf32, #tpu.memory_space<vmem>>, vector<1024x128xf32>
    %get3A_21 = arith.constant 0 : index
    %get3A_22 = arith.constant 0 : index
    %get3A_23 = vector.load %arg2[%get3A_21, %get3A_22] : memref<128x128xf32, #tpu.memory_space<vmem>>, vector<128x128xf32>
    %dot_general3A = arith.constant dense<0.000000e+00> : vector<1024x128xf32>
    %dot_general3A_24 = tpu.matmul %get3A_20, %get3A_23, %dot_general3A {dimension_numbers = #tpu.dot_dimension_numbers<[1], [0], [0], [1], [0, 0, 1, 1], [], []>, transpose_lhs_hint = false} : vector<1024x128xf32>, vector<128x128xf32>, vector<1024x128xf32> -> vector<1024x128xf32>
    %mul3A_25 = vector.broadcast %select_n3A : vector<1024x1xf32> to vector<1024x128xf32>
    %mul3A_26 = arith.mulf %mul3A_25, %dot_general3A_24 : vector<1024x128xf32>
    %swap3A = arith.constant 0 : index
    %swap3A_27 = arith.constant 0 : index
    %swap3A_28 = vector.load %arg6[%swap3A, %swap3A_27] : memref<1024x128xf32, #tpu.memory_space<vmem>>, vector<1024x128xf32>
    tpu.vector_store %arg6[%swap3A, %swap3A_27], %mul3A_26 {strides = array<i32>} : memref<1024x128xf32, #tpu.memory_space<vmem>>, vector<1024x128xf32>,
    %get3A_29 = arith.constant 0 : index
    %get3A_30 = arith.constant 0 : index
    %get3A_31 = vector.load %arg1[%get3A_29, %get3A_30] : memref<1024x128xf32, #tpu.memory_space<vmem>>, vector<1024x128xf32>
    %get3A_32 = arith.constant 0 : index
    %get3A_33 = arith.constant 0 : index
    %get3A_34 = vector.load %arg3[%get3A_32, %get3A_33] : memref<128x128xf32, #tpu.memory_space<vmem>>, vector<128x128xf32>
    %dot_general3A_35 = arith.constant dense<0.000000e+00> : vector<1024x128xf32>
    %dot_general3A_36 = tpu.matmul %get3A_31, %get3A_34, %dot_general3A_35 {dimension_numbers = #tpu.dot_dimension_numbers<[1], [0], [0], [1], [0, 0, 1, 1], [], []>, transpose_lhs_hint = false} : vector<1024x128xf32>, vector<128x128xf32>, vector<1024x128xf32> -> vector<1024x128xf32>
    %get3A_37 = arith.constant 0 : index
    %get3A_38 = arith.constant 0 : index
    %get3A_39 = vector.load %arg4[%get3A_37, %get3A_38] : memref<1x128xf32, #tpu.memory_space<vmem>>, vector<1x128xf32>
    %add3A_40 = vector.broadcast %get3A_39 : vector<1x128xf32> to vector<1024x128xf32>
    %add3A_41 = arith.addf %dot_general3A_36, %add3A_40 : vector<1024x128xf32>
    %swap3A_42 = arith.constant 0 : index
    %swap3A_43 = arith.constant 0 : index
    %swap3A_44 = vector.load %arg7[%swap3A_42, %swap3A_43] : memref<1024x128xf32, #tpu.memory_space<vmem>>, vector<1024x128xf32>
    tpu.vector_store %arg7[%swap3A_42, %swap3A_43], %add3A_41 {strides = array<i32>} : memref<1024x128xf32, #tpu.memory_space<vmem>>, vector<1024x128xf32>,
    %broadcast_in_dim3A_45 = vector.shape_cast %select_n3A : vector<1024x1xf32> to vector<1024x1xf32>
    %broadcast_in_dim3A_46 = vector.broadcast %broadcast_in_dim3A_45 : vector<1024x1xf32> to vector<1024x8xf32>
    %swap3A_47 = arith.constant 0 : index
    %swap3A_48 = arith.constant 0 : index
    %swap3A_49 = vector.load %arg8[%swap3A_47, %swap3A_48] : memref<1024x8xf32, #tpu.memory_space<vmem>>, vector<1024x8xf32>
    tpu.vector_store %arg8[%swap3A_47, %swap3A_48], %broadcast_in_dim3A_46 {strides = array<i32>} : memref<1024x8xf32, #tpu.memory_space<vmem>>, vector<1024x8xf32>,
    return
  }
  func.func @transform_0(%arg0: i32) -> (i32, i32) {
    %c0_i32 = arith.constant 0 : i32
    %c0_i32_0 = arith.constant 0 : i32
    return %arg0, %c0_i32 : i32, i32
  }
  func.func @transform_1(%arg0: i32) -> (i32, i32) {
    %c0_i32 = arith.constant 0 : i32
    %c0_i32_0 = arith.constant 0 : i32
    %c0_i32_1 = arith.constant 0 : i32
    return %c0_i32, %c0_i32_0 : i32, i32
  }
  func.func @transform_2(%arg0: i32) -> (i32, i32) {
    %c0_i32 = arith.constant 0 : i32
    %c0_i32_0 = arith.constant 0 : i32
    %c0_i32_1 = arith.constant 0 : i32
    return %c0_i32, %c0_i32_0 : i32, i32
  }
  func.func @transform_3(%arg0: i32) -> (i32, i32) {
    %c0_i32 = arith.constant 0 : i32
    %c0_i32_0 = arith.constant 0 : i32
    %c0_i32_1 = arith.constant 0 : i32
    return %c0_i32, %c0_i32_0 : i32, i32
  }
  func.func @transform_4(%arg0: i32) -> (i32, i32, i32) {
    %c0_i32 = arith.constant 0 : i32
    %c0_i32_0 = arith.constant 0 : i32
    %c0_i32_1 = arith.constant 0 : i32
    return %c0_i32, %arg0, %c0_i32_0 : i32, i32, i32
  }
  func.func @transform_5(%arg0: i32) -> (i32, i32) {
    %c0_i32 = arith.constant 0 : i32
    %c0_i32_0 = arith.constant 0 : i32
    return %arg0, %c0_i32 : i32, i32
  }
  func.func @transform_6(%arg0: i32) -> (i32, i32) {
    %c0_i32 = arith.constant 0 : i32
    %c0_i32_0 = arith.constant 0 : i32
    return %arg0, %c0_i32 : i32, i32
  }
  func.func @transform_7(%arg0: i32) -> (i32, i32) {
    %c0_i32 = arith.constant 0 : i32
    %c0_i32_0 = arith.constant 0 : i32
    return %arg0, %c0_i32 : i32, i32
  }
}

module attributes {stable_mosaic.version = 14 : i64} {
  func.func @_tc_conv1_body(%arg0: i32, %arg1: memref<2x1024x128xf32, #tpu.memory_space<vmem>>, %arg2: memref<1024x128xf32, #tpu.memory_space<vmem>>, %arg3: memref<1024x8xf32, #tpu.memory_space<vmem>>, %arg4: memref<1x128xf32, #tpu.memory_space<vmem>>, %arg5: memref<1024x128xf32, #tpu.memory_space<vmem>>, %arg6: memref<2x128xf32, #tpu.memory_space<vmem>>) attributes {dimension_semantics = [#tpu.dimension_semantics<arbitrary>], iteration_bounds = array<i64: 10>, scalar_prefetch = 0 : i64, scratch_operands = 0 : i64, tpu.core_type = #tpu.core_type<tc>, window_params = [{transform_indices = @transform_0, window_bounds = array<i64: 2, 1024, 128>}, {transform_indices = @transform_1, window_bounds = array<i64: 1024, 128>}, {transform_indices = @transform_2, window_bounds = array<i64: 1024, 8>}, {pipeline_mode = #tpu.pipeline_mode<synchronous>, transform_indices = @transform_3, window_bounds = array<i64: 1, 128>}, {transform_indices = @transform_4, window_bounds = array<i64: 1024, 128>}, {pipeline_mode = #tpu.pipeline_mode<synchronous>, transform_indices = @transform_5, window_bounds = array<i64: 2, 128>}]} {
    %get3A = arith.constant 0 : index
    %get3A_0 = arith.constant 0 : index
    %get3A_1 = arith.constant 0 : index
    %get3A_2 = vector.load %arg1[%get3A, %get3A_0, %get3A_1] : memref<2x1024x128xf32, #tpu.memory_space<vmem>>, vector<1x1024x128xf32>
    %get3A_3 = vector.shape_cast %get3A_2 : vector<1x1024x128xf32> to vector<1024x128xf32>
    %get3A_4 = arith.constant 1 : index
    %get3A_5 = arith.constant 0 : index
    %get3A_6 = arith.constant 0 : index
    %get3A_7 = vector.load %arg1[%get3A_4, %get3A_5, %get3A_6] : memref<2x1024x128xf32, #tpu.memory_space<vmem>>, vector<1x1024x128xf32>
    %get3A_8 = vector.shape_cast %get3A_7 : vector<1x1024x128xf32> to vector<1024x128xf32>
    %add3A = arith.addf %get3A_3, %get3A_8 : vector<1024x128xf32>
    %get3A_9 = arith.constant 0 : index
    %get3A_10 = arith.constant 0 : index
    %get3A_11 = vector.load %arg2[%get3A_9, %get3A_10] : memref<1024x128xf32, #tpu.memory_space<vmem>>, vector<1024x128xf32>
    %add3A_12 = arith.addf %add3A, %get3A_11 : vector<1024x128xf32>
    %get3A_13 = arith.constant 0 : index
    %get3A_14 = arith.constant 0 : index
    %get3A_15 = vector.load %arg3[%get3A_13, %get3A_14] : memref<1024x8xf32, #tpu.memory_space<vmem>>, vector<1024x1xf32>
    %mul3A = vector.broadcast %get3A_15 : vector<1024x1xf32> to vector<1024x128xf32>
    %mul3A_16 = arith.mulf %mul3A, %add3A_12 : vector<1024x128xf32>
    %get3A_17 = arith.constant 0 : index
    %get3A_18 = arith.constant 0 : index
    %get3A_19 = vector.load %arg4[%get3A_17, %get3A_18] : memref<1x128xf32, #tpu.memory_space<vmem>>, vector<1x128xf32>
    %add3A_20 = vector.broadcast %get3A_19 : vector<1x128xf32> to vector<1024x128xf32>
    %add3A_21 = arith.addf %mul3A_16, %add3A_20 : vector<1024x128xf32>
    %swap3A = arith.constant 0 : index
    %swap3A_22 = arith.constant 0 : index
    %swap3A_23 = vector.load %arg5[%swap3A, %swap3A_22] : memref<1024x128xf32, #tpu.memory_space<vmem>>, vector<1024x128xf32>
    tpu.vector_store %arg5[%swap3A, %swap3A_22], %add3A_21 {strides = array<i32>} : memref<1024x128xf32, #tpu.memory_space<vmem>>, vector<1024x128xf32>,
    %iota3A = tpu.iota {dimensions = array<i32: 0>} : vector<1024x1xi32>
    %mul3A_24 = arith.constant 1024 : i32
    %mul3A_25 = arith.muli %arg0, %mul3A_24 : i32
    %add3A_26 = vector.broadcast %mul3A_25 : i32 to vector<1024x1xi32>
    %add3A_27 = arith.addi %iota3A, %add3A_26 : vector<1024x1xi32>
    %lt3A = arith.constant 10000 : i32
    %lt3A_28 = vector.broadcast %lt3A : i32 to vector<1024x1xi32>
    %lt3A_29 = arith.cmpi slt, %add3A_27, %lt3A_28 : vector<1024x1xi32>
    %jit3A = arith.constant 0.000000e+00 : f32
    %broadcast_in_dim3A = vector.shape_cast %lt3A_29 : vector<1024x1xi1> to vector<1024x1xi1>
    %broadcast_in_dim3A_30 = vector.broadcast %broadcast_in_dim3A : vector<1024x1xi1> to vector<1024x128xi1>
    %broadcast_in_dim3A_31 = vector.broadcast %jit3A : f32 to vector<1024x128xf32>
    %select_n3A = arith.select %broadcast_in_dim3A_30, %add3A_21, %broadcast_in_dim3A_31 : vector<1024x128xi1>, vector<1024x128xf32>
    %eq3A = arith.constant 0 : i32
    %eq3A_32 = arith.cmpi eq, %arg0, %eq3A : i32
    %convert_element_type3A = arith.extui %eq3A_32 : i1 to i32
    %cond3A = arith.constant 0 : i32
    %cond3A_33 = arith.cmpi ne, %convert_element_type3A, %cond3A : i32
    scf.if %cond3A_33 {
      %broadcast_in_dim3A_58 = arith.constant 0.000000e+00 : f32
      %broadcast_in_dim3A_59 = vector.broadcast %broadcast_in_dim3A_58 : f32 to vector<2x128xf32>
      %swap3A_60 = arith.constant 0 : index
      %swap3A_61 = arith.constant 0 : index
      %swap3A_62 = vector.load %arg6[%swap3A_60, %swap3A_61] : memref<2x128xf32, #tpu.memory_space<vmem>>, vector<2x128xf32>
      tpu.vector_store %arg6[%swap3A_60, %swap3A_61], %broadcast_in_dim3A_59 {strides = array<i32>} : memref<2x128xf32, #tpu.memory_space<vmem>>, vector<2x128xf32>,
    } else {
    }
    %get3A_34 = arith.constant 0 : index
    %get3A_35 = arith.constant 0 : index
    %get3A_36 = vector.load %arg6[%get3A_34, %get3A_35] : memref<2x128xf32, #tpu.memory_space<vmem>>, vector<1x128xf32>
    %get3A_37 = vector.shape_cast %get3A_36 : vector<1x128xf32> to vector<128xf32>
    %reduce_sum3A = arith.constant dense<0.000000e+00> : vector<128xf32>
    %reduce_sum3A_38 = vector.multi_reduction <add>, %select_n3A, %reduce_sum3A [0] : vector<1024x128xf32> to vector<128xf32>
    %add3A_39 = arith.addf %get3A_37, %reduce_sum3A_38 : vector<128xf32>
    %swap3A_40 = arith.constant 0 : index
    %swap3A_41 = arith.constant 0 : index
    %swap3A_42 = vector.load %arg6[%swap3A_40, %swap3A_41] : memref<2x128xf32, #tpu.memory_space<vmem>>, vector<1x128xf32>
    %swap3A_43 = vector.shape_cast %swap3A_42 : vector<1x128xf32> to vector<128xf32>
    %swap3A_44 = vector.shape_cast %add3A_39 : vector<128xf32> to vector<1x128xf32>
    tpu.vector_store %arg6[%swap3A_40, %swap3A_41], %swap3A_44 {strides = array<i32>} : memref<2x128xf32, #tpu.memory_space<vmem>>, vector<1x128xf32>,
    %get3A_45 = arith.constant 1 : index
    %get3A_46 = arith.constant 0 : index
    %get3A_47 = vector.load %arg6[%get3A_45, %get3A_46] : memref<2x128xf32, #tpu.memory_space<vmem>>, vector<1x128xf32>
    %get3A_48 = vector.shape_cast %get3A_47 : vector<1x128xf32> to vector<128xf32>
    %mul3A_49 = arith.mulf %select_n3A, %select_n3A : vector<1024x128xf32>
    %reduce_sum3A_50 = arith.constant dense<0.000000e+00> : vector<128xf32>
    %reduce_sum3A_51 = vector.multi_reduction <add>, %mul3A_49, %reduce_sum3A_50 [0] : vector<1024x128xf32> to vector<128xf32>
    %add3A_52 = arith.addf %get3A_48, %reduce_sum3A_51 : vector<128xf32>
    %swap3A_53 = arith.constant 1 : index
    %swap3A_54 = arith.constant 0 : index
    %swap3A_55 = vector.load %arg6[%swap3A_53, %swap3A_54] : memref<2x128xf32, #tpu.memory_space<vmem>>, vector<1x128xf32>
    %swap3A_56 = vector.shape_cast %swap3A_55 : vector<1x128xf32> to vector<128xf32>
    %swap3A_57 = vector.shape_cast %add3A_52 : vector<128xf32> to vector<1x128xf32>
    tpu.vector_store %arg6[%swap3A_53, %swap3A_54], %swap3A_57 {strides = array<i32>} : memref<2x128xf32, #tpu.memory_space<vmem>>, vector<1x128xf32>,
    return
  }
  func.func @transform_0(%arg0: i32) -> (i32, i32, i32) {
    %c0_i32 = arith.constant 0 : i32
    %c0_i32_0 = arith.constant 0 : i32
    %c0_i32_1 = arith.constant 0 : i32
    return %c0_i32, %arg0, %c0_i32_0 : i32, i32, i32
  }
  func.func @transform_1(%arg0: i32) -> (i32, i32) {
    %c0_i32 = arith.constant 0 : i32
    %c0_i32_0 = arith.constant 0 : i32
    return %arg0, %c0_i32 : i32, i32
  }
  func.func @transform_2(%arg0: i32) -> (i32, i32) {
    %c0_i32 = arith.constant 0 : i32
    %c0_i32_0 = arith.constant 0 : i32
    return %arg0, %c0_i32 : i32, i32
  }
  func.func @transform_3(%arg0: i32) -> (i32, i32) {
    %c0_i32 = arith.constant 0 : i32
    %c0_i32_0 = arith.constant 0 : i32
    %c0_i32_1 = arith.constant 0 : i32
    return %c0_i32, %c0_i32_0 : i32, i32
  }
  func.func @transform_4(%arg0: i32) -> (i32, i32) {
    %c0_i32 = arith.constant 0 : i32
    %c0_i32_0 = arith.constant 0 : i32
    return %arg0, %c0_i32 : i32, i32
  }
  func.func @transform_5(%arg0: i32) -> (i32, i32) {
    %c0_i32 = arith.constant 0 : i32
    %c0_i32_0 = arith.constant 0 : i32
    %c0_i32_1 = arith.constant 0 : i32
    return %c0_i32, %c0_i32_0 : i32, i32
  }
}

module attributes {stable_mosaic.version = 14 : i64} {
  func.func @_tc_mid_body(%arg0: i32, %arg1: memref<1024x128xf32, #tpu.memory_space<vmem>>, %arg2: memref<2x128xf32, #tpu.memory_space<vmem>>, %arg3: memref<1x128xf32, #tpu.memory_space<vmem>>, %arg4: memref<1x128xf32, #tpu.memory_space<vmem>>, %arg5: memref<1024x128xf32, #tpu.memory_space<vmem>>, %arg6: memref<128x128xf32, #tpu.memory_space<vmem>>, %arg7: memref<1024x8xf32, #tpu.memory_space<vmem>>, %arg8: memref<1024x128xf32, #tpu.memory_space<vmem>>) attributes {dimension_semantics = [#tpu.dimension_semantics<arbitrary>], iteration_bounds = array<i64: 10>, scalar_prefetch = 0 : i64, scratch_operands = 0 : i64, tpu.core_type = #tpu.core_type<tc>, window_params = [{transform_indices = @transform_0, window_bounds = array<i64: 1024, 128>}, {pipeline_mode = #tpu.pipeline_mode<synchronous>, transform_indices = @transform_1, window_bounds = array<i64: 2, 128>}, {pipeline_mode = #tpu.pipeline_mode<synchronous>, transform_indices = @transform_2, window_bounds = array<i64: 1, 128>}, {pipeline_mode = #tpu.pipeline_mode<synchronous>, transform_indices = @transform_3, window_bounds = array<i64: 1, 128>}, {transform_indices = @transform_4, window_bounds = array<i64: 1024, 128>}, {pipeline_mode = #tpu.pipeline_mode<synchronous>, transform_indices = @transform_5, window_bounds = array<i64: 128, 128>}, {transform_indices = @transform_6, window_bounds = array<i64: 1024, 8>}, {transform_indices = @transform_7, window_bounds = array<i64: 1024, 128>}]} {
    %get3A = arith.constant 0 : index
    %get3A_0 = arith.constant 0 : index
    %get3A_1 = vector.load %arg2[%get3A, %get3A_0] : memref<2x128xf32, #tpu.memory_space<vmem>>, vector<1x128xf32>
    %get3A_2 = vector.shape_cast %get3A_1 : vector<1x128xf32> to vector<128xf32>
    %div3A = arith.constant 1.000000e+04 : f32
    %div3A_3 = vector.broadcast %div3A : f32 to vector<128xf32>
    %div3A_4 = arith.divf %get3A_2, %div3A_3 : vector<128xf32>
    %get3A_5 = arith.constant 1 : index
    %get3A_6 = arith.constant 0 : index
    %get3A_7 = vector.load %arg2[%get3A_5, %get3A_6] : memref<2x128xf32, #tpu.memory_space<vmem>>, vector<1x128xf32>
    %get3A_8 = vector.shape_cast %get3A_7 : vector<1x128xf32> to vector<128xf32>
    %div3A_9 = arith.constant 1.000000e+04 : f32
    %div3A_10 = vector.broadcast %div3A_9 : f32 to vector<128xf32>
    %div3A_11 = arith.divf %get3A_8, %div3A_10 : vector<128xf32>
    %mul3A = arith.mulf %div3A_4, %div3A_4 : vector<128xf32>
    %sub3A = arith.subf %div3A_11, %mul3A : vector<128xf32>
    %get3A_12 = arith.constant 0 : index
    %get3A_13 = arith.constant 0 : index
    %get3A_14 = vector.load %arg3[%get3A_12, %get3A_13] : memref<1x128xf32, #tpu.memory_space<vmem>>, vector<1x128xf32>
    %get3A_15 = vector.shape_cast %get3A_14 : vector<1x128xf32> to vector<128xf32>
    %add3A = arith.constant 9.99999974E-6 : f32
    %add3A_16 = vector.broadcast %add3A : f32 to vector<128xf32>
    %add3A_17 = arith.addf %sub3A, %add3A_16 : vector<128xf32>
    %rsqrt3A = math.rsqrt %add3A_17 : vector<128xf32>
    %mul3A_18 = arith.mulf %get3A_15, %rsqrt3A : vector<128xf32>
    %get3A_19 = arith.constant 0 : index
    %get3A_20 = arith.constant 0 : index
    %get3A_21 = vector.load %arg1[%get3A_19, %get3A_20] : memref<1024x128xf32, #tpu.memory_space<vmem>>, vector<1024x128xf32>
    %broadcast_in_dim3A = vector.shape_cast %div3A_4 : vector<128xf32> to vector<1x128xf32>
    %sub3A_22 = vector.broadcast %broadcast_in_dim3A : vector<1x128xf32> to vector<1024x128xf32>
    %sub3A_23 = arith.subf %get3A_21, %sub3A_22 : vector<1024x128xf32>
    %broadcast_in_dim3A_24 = vector.shape_cast %mul3A_18 : vector<128xf32> to vector<1x128xf32>
    %mul3A_25 = vector.broadcast %broadcast_in_dim3A_24 : vector<1x128xf32> to vector<1024x128xf32>
    %mul3A_26 = arith.mulf %sub3A_23, %mul3A_25 : vector<1024x128xf32>
    %get3A_27 = arith.constant 0 : index
    %get3A_28 = arith.constant 0 : index
    %get3A_29 = vector.load %arg4[%get3A_27, %get3A_28] : memref<1x128xf32, #tpu.memory_space<vmem>>, vector<1x128xf32>
    %add3A_30 = vector.broadcast %get3A_29 : vector<1x128xf32> to vector<1024x128xf32>
    %add3A_31 = arith.addf %mul3A_26, %add3A_30 : vector<1024x128xf32>
    %max3A = arith.constant 0.000000e+00 : f32
    %max3A_32 = vector.broadcast %max3A : f32 to vector<1024x128xf32>
    %max3A_33 = arith.maximumf %add3A_31, %max3A_32 : vector<1024x128xf32>
    %get3A_34 = arith.constant 0 : index
    %get3A_35 = arith.constant 0 : index
    %get3A_36 = vector.load %arg5[%get3A_34, %get3A_35] : memref<1024x128xf32, #tpu.memory_space<vmem>>, vector<1024x128xf32>
    %add3A_37 = arith.addf %max3A_33, %get3A_36 : vector<1024x128xf32>
    %get3A_38 = arith.constant 0 : index
    %get3A_39 = arith.constant 0 : index
    %get3A_40 = vector.load %arg6[%get3A_38, %get3A_39] : memref<128x128xf32, #tpu.memory_space<vmem>>, vector<128x128xf32>
    %dot_general3A = arith.constant dense<0.000000e+00> : vector<1024x128xf32>
    %dot_general3A_41 = tpu.matmul %add3A_37, %get3A_40, %dot_general3A {dimension_numbers = #tpu.dot_dimension_numbers<[1], [0], [0], [1], [0, 0, 1, 1], [], []>, transpose_lhs_hint = false} : vector<1024x128xf32>, vector<128x128xf32>, vector<1024x128xf32> -> vector<1024x128xf32>
    %get3A_42 = arith.constant 0 : index
    %get3A_43 = arith.constant 0 : index
    %get3A_44 = vector.load %arg7[%get3A_42, %get3A_43] : memref<1024x8xf32, #tpu.memory_space<vmem>>, vector<1024x1xf32>
    %mul3A_45 = vector.broadcast %get3A_44 : vector<1024x1xf32> to vector<1024x128xf32>
    %mul3A_46 = arith.mulf %mul3A_45, %dot_general3A_41 : vector<1024x128xf32>
    %swap3A = arith.constant 0 : index
    %swap3A_47 = arith.constant 0 : index
    %swap3A_48 = vector.load %arg8[%swap3A, %swap3A_47] : memref<1024x128xf32, #tpu.memory_space<vmem>>, vector<1024x128xf32>
    tpu.vector_store %arg8[%swap3A, %swap3A_47], %mul3A_46 {strides = array<i32>} : memref<1024x128xf32, #tpu.memory_space<vmem>>, vector<1024x128xf32>,
    return
  }
  func.func @transform_0(%arg0: i32) -> (i32, i32) {
    %c0_i32 = arith.constant 0 : i32
    %c0_i32_0 = arith.constant 0 : i32
    return %arg0, %c0_i32 : i32, i32
  }
  func.func @transform_1(%arg0: i32) -> (i32, i32) {
    %c0_i32 = arith.constant 0 : i32
    %c0_i32_0 = arith.constant 0 : i32
    %c0_i32_1 = arith.constant 0 : i32
    return %c0_i32, %c0_i32_0 : i32, i32
  }
  func.func @transform_2(%arg0: i32) -> (i32, i32) {
    %c0_i32 = arith.constant 0 : i32
    %c0_i32_0 = arith.constant 0 : i32
    %c0_i32_1 = arith.constant 0 : i32
    return %c0_i32, %c0_i32_0 : i32, i32
  }
  func.func @transform_3(%arg0: i32) -> (i32, i32) {
    %c0_i32 = arith.constant 0 : i32
    %c0_i32_0 = arith.constant 0 : i32
    %c0_i32_1 = arith.constant 0 : i32
    return %c0_i32, %c0_i32_0 : i32, i32
  }
  func.func @transform_4(%arg0: i32) -> (i32, i32) {
    %c0_i32 = arith.constant 0 : i32
    %c0_i32_0 = arith.constant 0 : i32
    return %arg0, %c0_i32 : i32, i32
  }
  func.func @transform_5(%arg0: i32) -> (i32, i32) {
    %c0_i32 = arith.constant 0 : i32
    %c0_i32_0 = arith.constant 0 : i32
    %c0_i32_1 = arith.constant 0 : i32
    return %c0_i32, %c0_i32_0 : i32, i32
  }
  func.func @transform_6(%arg0: i32) -> (i32, i32) {
    %c0_i32 = arith.constant 0 : i32
    %c0_i32_0 = arith.constant 0 : i32
    return %arg0, %c0_i32 : i32, i32
  }
  func.func @transform_7(%arg0: i32) -> (i32, i32) {
    %c0_i32 = arith.constant 0 : i32
    %c0_i32_0 = arith.constant 0 : i32
    return %arg0, %c0_i32 : i32, i32
  }
}

module attributes {stable_mosaic.version = 14 : i64} {
  func.func @_tc_final_body(%arg0: i32, %arg1: memref<2x1024x128xf32, #tpu.memory_space<vmem>>, %arg2: memref<1024x128xf32, #tpu.memory_space<vmem>>, %arg3: memref<1024x8xf32, #tpu.memory_space<vmem>>, %arg4: memref<1x128xf32, #tpu.memory_space<vmem>>, %arg5: memref<1024x128xf32, #tpu.memory_space<vmem>>) attributes {dimension_semantics = [#tpu.dimension_semantics<arbitrary>], iteration_bounds = array<i64: 10>, scalar_prefetch = 0 : i64, scratch_operands = 0 : i64, tpu.core_type = #tpu.core_type<tc>, window_params = [{transform_indices = @transform_0, window_bounds = array<i64: 2, 1024, 128>}, {transform_indices = @transform_1, window_bounds = array<i64: 1024, 128>}, {transform_indices = @transform_2, window_bounds = array<i64: 1024, 8>}, {pipeline_mode = #tpu.pipeline_mode<synchronous>, transform_indices = @transform_3, window_bounds = array<i64: 1, 128>}, {transform_indices = @transform_4, window_bounds = array<i64: 1024, 128>}]} {
    %get3A = arith.constant 0 : index
    %get3A_0 = arith.constant 0 : index
    %get3A_1 = arith.constant 0 : index
    %get3A_2 = vector.load %arg1[%get3A, %get3A_0, %get3A_1] : memref<2x1024x128xf32, #tpu.memory_space<vmem>>, vector<1x1024x128xf32>
    %get3A_3 = vector.shape_cast %get3A_2 : vector<1x1024x128xf32> to vector<1024x128xf32>
    %get3A_4 = arith.constant 1 : index
    %get3A_5 = arith.constant 0 : index
    %get3A_6 = arith.constant 0 : index
    %get3A_7 = vector.load %arg1[%get3A_4, %get3A_5, %get3A_6] : memref<2x1024x128xf32, #tpu.memory_space<vmem>>, vector<1x1024x128xf32>
    %get3A_8 = vector.shape_cast %get3A_7 : vector<1x1024x128xf32> to vector<1024x128xf32>
    %add3A = arith.addf %get3A_3, %get3A_8 : vector<1024x128xf32>
    %get3A_9 = arith.constant 0 : index
    %get3A_10 = arith.constant 0 : index
    %get3A_11 = vector.load %arg2[%get3A_9, %get3A_10] : memref<1024x128xf32, #tpu.memory_space<vmem>>, vector<1024x128xf32>
    %add3A_12 = arith.addf %add3A, %get3A_11 : vector<1024x128xf32>
    %get3A_13 = arith.constant 0 : index
    %get3A_14 = arith.constant 0 : index
    %get3A_15 = vector.load %arg3[%get3A_13, %get3A_14] : memref<1024x8xf32, #tpu.memory_space<vmem>>, vector<1024x1xf32>
    %mul3A = vector.broadcast %get3A_15 : vector<1024x1xf32> to vector<1024x128xf32>
    %mul3A_16 = arith.mulf %mul3A, %add3A_12 : vector<1024x128xf32>
    %get3A_17 = arith.constant 0 : index
    %get3A_18 = arith.constant 0 : index
    %get3A_19 = vector.load %arg4[%get3A_17, %get3A_18] : memref<1x128xf32, #tpu.memory_space<vmem>>, vector<1x128xf32>
    %add3A_20 = vector.broadcast %get3A_19 : vector<1x128xf32> to vector<1024x128xf32>
    %add3A_21 = arith.addf %mul3A_16, %add3A_20 : vector<1024x128xf32>
    %iota3A = tpu.iota {dimensions = array<i32: 1>} : vector<1024x128xi32>
    %lt3A = arith.constant 40 : i32
    %lt3A_22 = vector.broadcast %lt3A : i32 to vector<1024x128xi32>
    %lt3A_23 = arith.cmpi slt, %iota3A, %lt3A_22 : vector<1024x128xi32>
    %jit3A = arith.constant -1.000000e+30 : f32
    %broadcast_in_dim3A = vector.broadcast %jit3A : f32 to vector<1024x128xf32>
    %select_n3A = arith.select %lt3A_23, %add3A_21, %broadcast_in_dim3A : vector<1024x128xi1>, vector<1024x128xf32>
    %reduce_max3A = arith.constant dense<0xFF800000> : vector<1024xf32>
    %reduce_max3A_24 = vector.multi_reduction <maximumf>, %select_n3A, %reduce_max3A [1] : vector<1024x128xf32> to vector<1024xf32>
    %broadcast_in_dim3A_25 = vector.shape_cast %reduce_max3A_24 : vector<1024xf32> to vector<1024x1xf32>
    %sub3A = vector.broadcast %broadcast_in_dim3A_25 : vector<1024x1xf32> to vector<1024x128xf32>
    %sub3A_26 = arith.subf %select_n3A, %sub3A : vector<1024x128xf32>
    %exp3A = math.exp %sub3A_26 : vector<1024x128xf32>
    %jit3A_27 = arith.constant 0.000000e+00 : f32
    %broadcast_in_dim3A_28 = vector.broadcast %jit3A_27 : f32 to vector<1024x128xf32>
    %select_n3A_29 = arith.select %lt3A_23, %exp3A, %broadcast_in_dim3A_28 : vector<1024x128xi1>, vector<1024x128xf32>
    %reduce_sum3A = arith.constant dense<0.000000e+00> : vector<1024xf32>
    %reduce_sum3A_30 = vector.multi_reduction <add>, %select_n3A_29, %reduce_sum3A [1] : vector<1024x128xf32> to vector<1024xf32>
    %broadcast_in_dim3A_31 = vector.shape_cast %reduce_sum3A_30 : vector<1024xf32> to vector<1024x1xf32>
    %log3A = math.log %broadcast_in_dim3A_31 : vector<1024x1xf32>
    %sub3A_32 = vector.broadcast %broadcast_in_dim3A_25 : vector<1024x1xf32> to vector<1024x128xf32>
    %sub3A_33 = arith.subf %select_n3A, %sub3A_32 : vector<1024x128xf32>
    %sub3A_34 = vector.broadcast %log3A : vector<1024x1xf32> to vector<1024x128xf32>
    %sub3A_35 = arith.subf %sub3A_33, %sub3A_34 : vector<1024x128xf32>
    %swap3A = arith.constant 0 : index
    %swap3A_36 = arith.constant 0 : index
    %swap3A_37 = vector.load %arg5[%swap3A, %swap3A_36] : memref<1024x128xf32, #tpu.memory_space<vmem>>, vector<1024x128xf32>
    tpu.vector_store %arg5[%swap3A, %swap3A_36], %sub3A_35 {strides = array<i32>} : memref<1024x128xf32, #tpu.memory_space<vmem>>, vector<1024x128xf32>,
    return
  }
  func.func @transform_0(%arg0: i32) -> (i32, i32, i32) {
    %c0_i32 = arith.constant 0 : i32
    %c0_i32_0 = arith.constant 0 : i32
    %c0_i32_1 = arith.constant 0 : i32
    return %c0_i32, %arg0, %c0_i32_0 : i32, i32, i32
  }
  func.func @transform_1(%arg0: i32) -> (i32, i32) {
    %c0_i32 = arith.constant 0 : i32
    %c0_i32_0 = arith.constant 0 : i32
    return %arg0, %c0_i32 : i32, i32
  }
  func.func @transform_2(%arg0: i32) -> (i32, i32) {
    %c0_i32 = arith.constant 0 : i32
    %c0_i32_0 = arith.constant 0 : i32
    return %arg0, %c0_i32 : i32, i32
  }
  func.func @transform_3(%arg0: i32) -> (i32, i32) {
    %c0_i32 = arith.constant 0 : i32
    %c0_i32_0 = arith.constant 0 : i32
    %c0_i32_1 = arith.constant 0 : i32
    return %c0_i32, %c0_i32_0 : i32, i32
  }
  func.func @transform_4(%arg0: i32) -> (i32, i32) {
    %c0_i32 = arith.constant 0 : i32
    %c0_i32_0 = arith.constant 0 : i32
    return %arg0, %c0_i32 : i32, i32
  }
}

</mosaic_0001>

<sc_bundles>
// kernel: kernel.12.cloned.1.call-start
scs
__scs_entry_jumppad:
0x0: {  	(pc) =	sbr.rel $0x88, $3  }
0x1: {  	(tag) =	ssettag $0x0;
	lr =	simm.s32 $0x1  }
0x2: {  	[smem:$0x3F97] =	sst lr;
	_ =	strace $0xD0000000  }
0x3: {  	_ = 	snop  }
0x4: {  	_ = 	snop  }
0x5: {  	_ = 	snop  }
0x6: {  	_ = 	snop  }
0x7: {  	_ = 	snop  }
__scs_overlays_trampoline_lowered:
0x8: {  	[smem:$0x3FA6] =	sst s0  }
0x9: {  	[smem:$0x3FA7] =	sst s1  }
0xa: {  	[smem:$0x3FA8] =	sst s2  }
0xb: {  	[smem:$0x3FA9] =	sst s3  }
0xc: {  	[smem:$0x3FAA] =	sst s4  }
0xd: {  	[smem:$0x3FAB] =	sst s5  }
0xe: {  	[smem:$0x3FAC] =	sst s6  }
0xf: {  	[smem:$0x3FAD] =	sst s7  }
0x10: {  	[smem:$0x3FAE] =	sst s8  }
0x11: {  	[smem:$0x3FAF] =	sst s9;
	s0 =	simm.s32 @!p0 $0x0  }
0x12: {  	s1 =	sld [smem:$0x3F95];
	s0 =	simm.s32 @p0 $0x1  }
0x13: {  	[smem:$0x3FB0] =	sst s0;
	s0 =	simm.s32 @!p1 $0x0  }
0x14: {  	s2 =	sld [smem:$0x3F94];
	s0 =	simm.s32 @p1 $0x1  }
0x15: {  	[smem:$0x3FB1] =	sst s0;
	s0 =	simm.s32 @!p2 $0x0  }
0x16: {  	s3 =	sld [smem:$0x3FDB];
	s0 =	simm.s32 @p2 $0x1  }
0x17: {  	s4 =	simm.s32 $0x1BF5;
	[smem:$0x3FB3] =	sst s0  }
0x18: {  	s0 =	sld [smem:$0x3F96];
	_ =	swait.ge [sflag:s4], $0x0  }
0x19: {  	s7 =	sld [smem:$0x3F97]  }
0x1a: {  	s8 =	sadd.s32 $0xFFFFE003, lr  }
0x1b: {  	s9 =	sadd.s32 $0xFFFFFEF7, lr;
	s5 =	simm.s32 $0xFFFFFFFF;
	p2 =	slt.u32 s8, $0xFFFFF086  }
0x1c: {  	p1 =	slt.u32 s9, $0xF7A;
	s5 =	simm.s32 @!p2 $0x0  }
0x1d: {  	s5 =	simm.s32 @p1 $0x1;
	p0 =	seq.s32 s7, s2  }
0x1e: {  	s7 =	smul.u32 @!p0 $0xF7A, s2;
	p2 =	seq.s32 @!p0 s5, $0x0  }
0x1f: {  	s9 =	smul.u32 $0xF7A, s1;
	s8 =	simm.s32 @!p0 $0x1BF5;
	p2 =	por !p2, p0  }
0x20: {  	[sflag:s8] =	ssyncset.s32 @!p0 $0xFFFFF086;
	s6 =	sadd.s32 @!p0 s3, s7;
	s7 =	simm.s32 @!p0 $0x108  }
0x21: {  	s3 =	sadd.s32 s3, s9;
	s6 =	sadd.s32 @!p0 $0x88, s6;
	s7 =	simm.s32 @p2 $0x1082  }
0x22: {  	[simem:s7], [sflag:s8] =	dma.local @!p0 [hbm:s6], $0xF7A  }
0x23: {  	s9 =	sor.u32 $0xD0000000, s2;
	s6 =	simm.s32 $0x108;
	_ =	swait.ge @!p0 [sflag:s8], $0x0  }
0x24: {  	s3 =	sadd.s32 $0x88, s3;
	s6 =	simm.s32 @!p1 $0x1082;
	[sflag:s4] =	ssyncset.s32 $0xFFFFF086  }
0x25: {  	[simem:s6], [sflag:s4] =	dma.local [hbm:s3], $0xF7A  }
0x26: {  	[smem:$0x3F97] =	sst s1;
	(tag) =	ssettag s2;
	_ =	strace s9  }
0x27: {  	s1 =	sld [smem:$0x3FA7]  }
0x28: {  	s2 =	sld [smem:$0x3FA8]  }
0x29: {  	s4 =	sld [smem:$0x3FAA]  }
0x2a: {  	p0 =	seq.s32 s5, $0x0;
	s5 =	sld [smem:$0x3FAB]  }
0x2b: {  	s6 =	sld [smem:$0x3FAC]  }
0x2c: {  	s7 =	sld [smem:$0x3FAD]  }
0x2d: {  	s3 =	simm.s32 $0x108;
	s8 =	sld [smem:$0x3FAE]  }
0x2e: {  	s3 =	simm.s32 @!p0 $0x1082;
	s9 =	sld [smem:$0x3FAF]  }
0x2f: {  	lr =	sadd.s32 s0, s3;
	s0 =	sld [smem:$0x3FA6]  }
0x30: {  	s3 =	sld [smem:$0x3FA9]  }
0x31: {  	[smem:$0x3FB2] =	sst s10  }
0x32: {  	s10 =	sld [smem:$0x3FB0];
	_ =	sdelay $0x3  }
0x33: {  	p0 =	seq.s32 s10, $0x1;
	s10 =	sld [smem:$0x3FB2];
	_ =	sdelay $0x3  }
0x34: {  	[smem:$0x3FB2] =	sst s10  }
0x35: {  	s10 =	sld [smem:$0x3FB1];
	_ =	sdelay $0x3  }
0x36: {  	p1 =	seq.s32 s10, $0x1;
	s10 =	sld [smem:$0x3FB2];
	_ =	sdelay $0x3  }
0x37: {  	[smem:$0x3FB2] =	sst s10  }
0x38: {  	s10 =	sld [smem:$0x3FB3]  }
0x39: {  	_ = 	snop;
	(pc) =	sbr.ind lr, $3  }
0x3a: {  	_ = 	snop  }
0x3b: {  	_ = 	snop  }
0x3c: {  	p2 =	seq.s32 s10, $0x1;
	s10 =	sld [smem:$0x3FB2]  }
0x3d: {  	_ =	shalt  }
0x3e: {  	_ =	shalt  }
0x3f: {  	_ =	shalt  }
0x40: {  	_ =	shalt  }
0x41: {  	_ =	shalt  }
0x42: {  	_ =	shalt  }
0x43: {  	_ =	shalt  }
0x44: {  	_ =	shalt  }
0x45: {  	_ =	shalt  }
0x46: {  	_ =	shalt  }
0x47: {  	_ =	shalt  }
0x48: {  	_ =	shalt  }
0x49: {  	_ =	shalt  }
0x4a: {  	_ =	shalt  }
0x4b: {  	_ =	shalt  }
0x4c: {  	_ =	shalt  }
0x4d: {  	_ =	shalt  }
0x4e: {  	_ =	shalt  }
0x4f: {  	_ =	shalt  }
0x50: {  	_ =	shalt  }
0x51: {  	_ =	shalt  }
0x52: {  	_ =	shalt  }
0x53: {  	_ =	shalt  }
0x54: {  	_ =	shalt  }
0x55: {  	_ =	shalt  }
0x56: {  	_ =	shalt  }
0x57: {  	_ =	shalt  }
0x58: {  	_ =	shalt  }
0x59: {  	_ =	shalt  }
0x5a: {  	_ =	shalt  }
0x5b: {  	_ =	shalt  }
0x5c: {  	_ =	shalt  }
0x5d: {  	_ =	shalt  }
0x5e: {  	_ =	shalt  }
0x5f: {  	_ =	shalt  }
0x60: {  	_ =	shalt  }
0x61: {  	_ =	shalt  }
0x62: {  	_ =	shalt  }
0x63: {  	_ =	shalt  }
0x64: {  	_ =	shalt  }
0x65: {  	_ =	shalt  }
0x66: {  	_ =	shalt  }
0x67: {  	_ =	shalt  }
0x68: {  	_ =	shalt  }
0x69: {  	_ =	shalt  }
0x6a: {  	_ =	shalt  }
0x6b: {  	_ =	shalt  }
0x6c: {  	_ =	shalt  }
0x6d: {  	_ =	shalt  }
0x6e: {  	_ =	shalt  }
0x6f: {  	_ =	shalt  }
0x70: {  	_ =	shalt  }
0x71: {  	_ =	shalt  }
0x72: {  	_ =	shalt  }
0x73: {  	_ =	shalt  }
0x74: {  	_ =	shalt  }
0x75: {  	_ =	shalt  }
0x76: {  	_ =	shalt  }
0x77: {  	_ =	shalt  }
0x78: {  	_ =	shalt  }
0x79: {  	_ =	shalt  }
0x7a: {  	_ =	shalt  }
0x7b: {  	_ =	shalt  }
0x7c: {  	_ =	shalt  }
0x7d: {  	_ =	shalt  }
0x7e: {  	_ =	shalt  }
0x7f: {  	_ =	shalt  }
0x80: {  	_ =	shalt  }
0x81: {  	_ =	shalt  }
0x82: {  	_ =	shalt  }
0x83: {  	_ =	shalt  }
0x84: {  	_ =	shalt  }
0x85: {  	_ =	shalt  }
0x86: {  	_ =	shalt  }
0x87: {  	_ =	shalt  }
.Lfunc_end0:
.L_simem_size_0:
called_computation.1_lowered:
.L_overlay_start_0:
0x88: {  	s2 =	sld [smem:$0x3FD9]  }
0x89: {  	s3 =	sld [smem:$0x3FFE];
	_ =	sdelay $0x1  }
0x8a: {  	s1 =	srdreg.scid  }
0x8b: {  	s0 =	sand.u32 $0x1, s1  }
0x8c: {  	s17 =	sshll.u32 s0, $0xA;
	s2 =	sadd.s32 s3, s2  }
0x8d: {  	s2 =	sadd.s32 s2, s17  }
0x8e: {  	[smem:$0x3FBE] =	sst s2  }
0x8f: {  	_ = 	snop  }
0x90: {  	s2 =	sld [smem:$0x3FD0];
	(tm) =	ssettm $0x1  }
0x91: {  	s18 =	sld [smem:$0x3FFB];
	_ =	sdelay $0x3  }
0x92: {  	_ =	strace s18  }
0x93: {  	s3 =	sld [smem:$0x3FFC];
	_ =	sdelay $0x3  }
0x94: {  	_ =	strace s3  }
0x95: {  	s3 =	sld [smem:$0x3FFD];
	_ =	sdelay $0x3  }
0x96: {  	_ =	strace s3  }
0x97: {  	_ =	strace $0x8FFFFFFF  }
0x98: {  	s19 =	sld [smem:$0x3FDB];
	_ =	sdelay $0x1  }
0x99: {  	s4 =	simm.s32 $_scs_section_size  }
0x9a: {  	s5 =	simm.s32 $_size__tile_overlayer_lowered;
	s6 =	simm.s32 $_tile_overlayer_lowered  }
0x9b: {  	s22 =	simm.s32 $0x1BFF;
	s21 =	sshll.u32 s6, $0x1;
	s3 =	sadd.s32 s4, s19  }
0x9c: {  	s7 =	simm.s32 $0x0;
	s20 =	sshll.u32 s5, $0x1;
	s5 =	sadd.s32 s21, s3  }
0x9d: {  	[timem:s7], [sflag:s22] =	dma.local [hbm:s5], s20  }
0x9e: {  	_ =	swait.ge [sflag:s22], s20  }
0x9f: {  	s4 =	ssub.s32 $0x0, s20;
	[sflag:s22] =	ssyncset.done $0x0  }
0xa0: {  	[sflag:s22] =	ssyncadd.s32 s4;
	_ =	sdelay $0x1  }
0xa1: {  	s23 =	simm.s32 $0x1B8B  }
0xa2: {  	_ =	swait.ge [sflag:s23], $0x1  }
0xa3: {  	[sflag:s23] =	ssyncset.done $0x0  }
0xa4: {  	s25 =	simm.s32 $0x1B8E;
	s24 =	sld [smem:$0x3FFE];
	[sflag:s23] =	ssyncadd.s32 $0xFFFFFFFF  }
0xa5: {  	s26 =	simm.s32 $execute0_lowered;
	[smem:$0x3FD2] =	sst s25  }
0xa6: {  	s5 =	sshll.u32 s26, $0x1;
	_ =	strace $0x80000049;
	[dreg:$0x1] =	wrdreg $0xFFFFFFFF  }
0xa7: {  	s28 =	simm.s32 $_size_execute0_lowered;
	s3 =	sadd.s32 s3, s5;
	[dreg:$0x0] =	wrdreg $0x0  }
0xa8: {  	s5 =	sshll.u32 s28, $0x1;
	[dreg:$0x2] =	wrdreg s3  }
0xa9: {  	[dreg:$0x3] =	wrdreg s5  }
0xaa: {  	[dreg:$0x4] =	wrdreg $0xC0  }
0xab: {  	_ =	task [dreg:s7], $0x5FFFF  }
0xac: {  	[dreg:$0x1] =	wrdreg $0xFFFFFFFF  }
0xad: {  	[dreg:$0x0] =	wrdreg $0x60  }
0xae: {  	[dreg:$0x2] =	wrdreg s24  }
0xaf: {  	[dreg:$0x3] =	wrdreg s2  }
0xb0: {  	[dreg:$0x4] =	wrdreg $0x88000  }
0xb1: {  	[dreg:$0x5] =	wrdreg $0x9  }
0xb2: {  	_ =	task.clear_ibuf [dreg:s7], $0x6FFFF;
	_ =	strace $0x90000049  }
0xb3: {  	s29 =	simm.s32 $0x9;
	_ =	strace $0x8000004B  }
0xb4: {  	_ =	swait.ge [sflag:s29], $0x1  }
0xb5: {  	[sflag:s29] =	ssyncadd.s32 $0xFFFFFFFF  }
0xb6: {  	_ =	strace $0x9000004B  }
0xb7: {  	_ =	sfence  }
0xb8: {  	s30 =	sld [smem:$0x0];
	_ =	sdelay $0x2  }
0xb9: {  	s31 =	sshll.u32 s1, $0xD;
	s1 =	sshrl.u32 s1, $0x2  }
0xba: {  	s3 =	sand.u32 $0x4000, s31;
	s1 =	sadd.s32 s1, s30  }
0xbb: {  	s0 =	sor.u32 s3, s0;
	s1 =	sshll.u32 s1, $0x11  }
0xbc: {  	s0 =	sor.u32 s1, s0  }
0xbd: {  	s0 =	sadd.s32 $0x8F2B, s0  }
0xbe: {  	[sflag:s0] =	ssyncadd.remote.s32 $0x1  }
0xbf: {  	_ =	sfence.sel $0xFFFF  }
0xc0: {  	[dreg:$0x0] =	wrdreg $0xFFFFFFFF;
	(pc) =	sbr.abs _section_cstart, $3  }
0xc1: {  	[dreg:$0x1] =	wrdreg $0xFFFFFFFF  }
0xc2: {  	_ =	task.clear_ibuf [dreg:s7], $0x2FFFF;
	_ =	strace $0x9FFFFFFF  }
0xc3: {  	(tm) =	ssettm $0x7FFFFFFF  }
tec
execute0_lowered:
.L_overlay_start_1:
0x0: {  	(tag) =	ssettag $0x1  }
0x1: {  	s0 =	rddreg [dreg:$0x0]  }
0x2: {  	s2 =	rddreg [dreg:$0x1]  }
0x3: {  	s1 =	rddreg [dreg:$0x2]  }
0x4: {  	s3 =	srdreg.scid;
	s13 =	stileid.u32;
	s14 =	simm.s32 $0x4800  }
0x5: {  	s15 =	simm.s32 $0x1;
	s16 =	simm.s32 $0x3;
	s17 =	simm.s32 $0x100  }
0x6: {  	s18 =	simm.s32 $0x2;
	s19 =	simm.s32 $0x480;
	s20 =	simm.s32 $0x4  }
0x7: {  	s21 =	simm.s32 $0x180;
	s22 =	simm.s32 $0x500;
	s28 =	simm.s32 $0x600  }
0x8: {  	s29 =	simm.s32 $0x300;
	s30 =	simm.s32 $0x680;
	s7 =	smul.u32 $0x2800, s13  }
0x9: {  	s31 =	simm.s32 $0x380;
	s5 =	sand.u32 $0x1, s3;
	s9 =	smul.u32 $0x50000, s13  }
0xa: {  	s3 =	simm.s32 $0x0;
	s4 =	sadd.s32 $0x34A00, s0;
	s25 =	smul.u32 $0x500, s13  }
0xb: {  	s24 =	sshll.u32 s13, $0x6;
	s13 =	simm.s32 $0x800;
	s6 =	smul.u32 $0x5000, s5  }
0xc: {  	[smem:$0x7FF] =	sst s3;
	s10 =	smul.u32 $0x28000, s5;
	s5 =	ssub.s32 $0x2, s5  }
0xd: {  	s24 =	sor.u32 $0x1C05, s24;
	_ =	strace $0x8000004A;
	s11 =	sadd.s32 s7, s0  }
0xe: {  	s12 =	sshrl.u32 s5, $0x1;
	s9 =	sshrl.u32 s9, $0x2;
	[dreg:$0x6] =	wrdreg s24  }
0xf: {  	s8 =	sadd.s32 s6, s0;
	s0 =	sadd.s32 s10, s0;
	s5 =	ssub.s32 s5, s12  }
0x10: {  	s9 =	sadd.s32 s9, s1;
	s23 =	sadd.s32 $0xCA00, s11;
	s2 =	sadd.s32 s6, s2  }
0x11: {  	s10 =	simm.s32 $0x5;
	s11 =	simm.s32 $0x400;
	s12 =	simm.s32 $0x80  }
0x12: {  	[dreg:$0x5] =	wrdreg s23;
	s0 =	sadd.s32 $0x5CA00, s0;
	s5 =	smax.u32 s5, $0x1  }
0x13: {  	s2 =	sadd.s32 s25, s2;
	s26 =	sadd.s32 s25, s8;
	s6 =	sshrl.u32 s9, $0x3  }
0x14: {  	s23 =	simm.s32 $0x200;
	s25 =	simm.s32 $0x580;
	[dreg:$0x7] =	wrdreg s5  }
0x15: {  	[dreg:$0x4] =	wrdreg s2;
	s8 =	sadd.s32 $0x2A00, s26;
	s0 =	sadd.s32 s7, s0  }
0x16: {  	s26 =	simm.s32 $0x280;
	s2 =	simm.s32 $0x780;
	[dreg:$0x8] =	wrdreg s6  }
0x17: {  	s7 =	simm.s32 $0x0;
	[dreg:$0x9] =	wrdreg s0;
	s0 =	simm.s32 $0x700  }
.LBB2_1:
0x18: {  	[dreg:$0xa] =	wrdreg s7  }
0x19: {  	s5 =	rddreg [dreg:$0x5]  }
0x1a: {  	[spmem:s6], [sflag:s24] =	dma.local [hbm:s5], $0x2800  }
0x1b: {  	_ =	swait.ge [sflag:s10], $0x2800  }
0x1c: {  	[sflag:s10] =	ssyncset.done $0x0  }
0x1d: {  	[sflag:s10] =	ssyncadd.s32 $0xFFFFD800  }
0x1e: {  	s9 =	sadd.s32 $0x0, s8;
	[bflag:$0x0] =	sbarrier.arrive $0xFFFF  }
0x1f: {  	[tilespmem:s3], [sflag:$0x5] =	stream.linear.gather [hbm4b:s9+s3], $0x400, $0x38;
	[tilespmem:$0x1C800] =	vst v63  }
0x20: {  	_ =	swait.ge [sflag:s10], $0x400  }
0x21: {  	s24 =	rddreg [dreg:$0x4];
	[sflag:s10] =	ssyncset.done $0x0  }
0x22: {  	[sflag:s10] =	ssyncadd.s32 $0xFFFFFC00;
	s6 =	sadd.s32 $0x0, s24  }
0x23: {  	[tilespmem:s11], [sflag:$0x5] =	stream.linear.gather [hbm4b:s6+s3], $0x400, $0x38;
	[tilespmem:$0x1C800] =	vst v63  }
0x24: {  	_ =	swait.ge [sflag:s10], $0x400  }
0x25: {  	[sflag:s10] =	ssyncset.done $0x0  }
0x26: {  	[sflag:s10] =	ssyncadd.s32 $0xFFFFFC00  }
0x27: {  	[tilespmem:s13], [sflag:$0x1] =	stream.indirect.gather [hbm4b:s4+s12], $0x80, s3, s12, $0xb8;
	[tilespmem:$0x1C800] =	vst v63  }
0x28: {  	_ = 	snop  }
0x29: {  	[tilespmem:s14], [sflag:$0x2] =	stream.indirect.gather [hbm4b:s4+s12], $0x80, s12, s12, $0xb8;
	[tilespmem:$0x1C800] =	vst v63  }
0x2a: {  	_ =	swait.ge [sflag:s15], $0x4000  }
0x2b: {  	[sflag:s15] =	ssyncset.done $0x0  }
0x2c: {  	[sflag:s15] =	ssyncadd.s32 $0xFFFFC000  }
0x2d: {  	[spmem:s1] =	stream.indirect.scatter.add.f32 [tilespmem:s13], [sflag:$0x3], $0x80, s11, s12, $0xb8;
	[tilespmem:$0x1C800] =	vst v63  }
0x2e: {  	_ =	swait.ge [sflag:s16], $0x4000  }
0x2f: {  	[sflag:s16] =	ssyncset.done $0x0  }
0x30: {  	[sflag:s16] =	ssyncadd.s32 $0xFFFFC000  }
0x31: {  	[tilespmem:s13], [sflag:$0x1] =	stream.indirect.gather [hbm4b:s4+s12], $0x80, s17, s12, $0xb8;
	[tilespmem:$0x1C800] =	vst v63  }
0x32: {  	_ =	swait.ge [sflag:s18], $0x4000  }
0x33: {  	[sflag:s18] =	ssyncset.done $0x0  }
0x34: {  	[sflag:s18] =	ssyncadd.s32 $0xFFFFC000  }
0x35: {  	[spmem:s1] =	stream.indirect.scatter.add.f32 [tilespmem:s14], [sflag:$0x4], $0x80, s19, s12, $0xb8;
	[tilespmem:$0x1C800] =	vst v63  }
0x36: {  	_ =	swait.ge [sflag:s20], $0x4000  }
0x37: {  	[sflag:s20] =	ssyncset.done $0x0  }
0x38: {  	[sflag:s20] =	ssyncadd.s32 $0xFFFFC000  }
0x39: {  	[tilespmem:s14], [sflag:$0x2] =	stream.indirect.gather [hbm4b:s4+s12], $0x80, s21, s12, $0xb8;
	[tilespmem:$0x1C800] =	vst v63  }
0x3a: {  	_ =	swait.ge [sflag:s15], $0x4000  }
0x3b: {  	[sflag:s15] =	ssyncset.done $0x0  }
0x3c: {  	[sflag:s15] =	ssyncadd.s32 $0xFFFFC000  }
0x3d: {  	[spmem:s1] =	stream.indirect.scatter.add.f32 [tilespmem:s13], [sflag:$0x3], $0x80, s22, s12, $0xb8;
	[tilespmem:$0x1C800] =	vst v63  }
0x3e: {  	_ =	swait.ge [sflag:s16], $0x4000  }
0x3f: {  	[sflag:s16] =	ssyncset.done $0x0  }
0x40: {  	[sflag:s16] =	ssyncadd.s32 $0xFFFFC000  }
0x41: {  	[tilespmem:s13], [sflag:$0x1] =	stream.indirect.gather [hbm4b:s4+s12], $0x80, s23, s12, $0xb8;
	[tilespmem:$0x1C800] =	vst v63  }
0x42: {  	_ =	swait.ge [sflag:s18], $0x4000  }
0x43: {  	[sflag:s18] =	ssyncset.done $0x0  }
0x44: {  	[sflag:s18] =	ssyncadd.s32 $0xFFFFC000  }
0x45: {  	[spmem:s1] =	stream.indirect.scatter.add.f32 [tilespmem:s14], [sflag:$0x4], $0x80, s25, s12, $0xb8;
	[tilespmem:$0x1C800] =	vst v63  }
0x46: {  	_ =	swait.ge [sflag:s20], $0x4000  }
0x47: {  	[sflag:s20] =	ssyncset.done $0x0  }
0x48: {  	[sflag:s20] =	ssyncadd.s32 $0xFFFFC000  }
0x49: {  	[tilespmem:s14], [sflag:$0x2] =	stream.indirect.gather [hbm4b:s4+s12], $0x80, s26, s12, $0xb8;
	[tilespmem:$0x1C800] =	vst v63  }
0x4a: {  	_ =	swait.ge [sflag:s15], $0x4000  }
0x4b: {  	[sflag:s15] =	ssyncset.done $0x0  }
0x4c: {  	[sflag:s15] =	ssyncadd.s32 $0xFFFFC000  }
0x4d: {  	[spmem:s1] =	stream.indirect.scatter.add.f32 [tilespmem:s13], [sflag:$0x3], $0x80, s28, s12, $0xb8;
	[tilespmem:$0x1C800] =	vst v63  }
0x4e: {  	_ =	swait.ge [sflag:s16], $0x4000  }
0x4f: {  	[sflag:s16] =	ssyncset.done $0x0  }
0x50: {  	[sflag:s16] =	ssyncadd.s32 $0xFFFFC000  }
0x51: {  	[tilespmem:s13], [sflag:$0x1] =	stream.indirect.gather [hbm4b:s4+s12], $0x80, s29, s12, $0xb8;
	[tilespmem:$0x1C800] =	vst v63  }
0x52: {  	_ =	swait.ge [sflag:s18], $0x4000  }
0x53: {  	[sflag:s18] =	ssyncset.done $0x0  }
0x54: {  	[sflag:s18] =	ssyncadd.s32 $0xFFFFC000  }
0x55: {  	[spmem:s1] =	stream.indirect.scatter.add.f32 [tilespmem:s14], [sflag:$0x4], $0x80, s30, s12, $0xb8;
	[tilespmem:$0x1C800] =	vst v63  }
0x56: {  	_ =	swait.ge [sflag:s20], $0x4000  }
0x57: {  	[sflag:s20] =	ssyncset.done $0x0  }
0x58: {  	[sflag:s20] =	ssyncadd.s32 $0xFFFFC000  }
0x59: {  	[tilespmem:s14], [sflag:$0x2] =	stream.indirect.gather [hbm4b:s4+s12], $0x80, s31, s12, $0xb8;
	[tilespmem:$0x1C800] =	vst v63  }
0x5a: {  	_ =	swait.ge [sflag:s15], $0x4000  }
0x5b: {  	[sflag:s15] =	ssyncset.done $0x0  }
0x5c: {  	[sflag:s15] =	ssyncadd.s32 $0xFFFFC000  }
0x5d: {  	[spmem:s1] =	stream.indirect.scatter.add.f32 [tilespmem:s13], [sflag:$0x3], $0x80, s0, s12, $0xb8;
	[tilespmem:$0x1C800] =	vst v63  }
0x5e: {  	_ =	swait.ge [sflag:s16], $0x4000  }
0x5f: {  	[sflag:s16] =	ssyncset.done $0x0  }
0x60: {  	[sflag:s16] =	ssyncadd.s32 $0xFFFFC000  }
0x61: {  	_ =	swait.ge [sflag:s18], $0x4000  }
0x62: {  	[sflag:s18] =	ssyncset.done $0x0  }
0x63: {  	[sflag:s18] =	ssyncadd.s32 $0xFFFFC000  }
0x64: {  	[spmem:s1] =	stream.indirect.scatter.add.f32 [tilespmem:s14], [sflag:$0x4], $0x80, s2, s12, $0xb8;
	[tilespmem:$0x1C800] =	vst v63  }
0x65: {  	_ =	swait.ge [sflag:s20], $0x4000  }
0x66: {  	s7 =	simm.s32 $0x80;
	s24 =	simm.s32 $0x100;
	[sflag:s20] =	ssyncset.done $0x0  }
.LBB2_2:
0x67: {  	s9 =	sadd.s32 s7, s8;
	[sflag:s20] =	ssyncadd.s32 $0xFFFFC000  }
0x68: {  	[tilespmem:s3], [sflag:$0x5] =	stream.linear.gather [hbm4b:s9+s3], $0x400, $0x38;
	[tilespmem:$0x1C800] =	vst v63  }
0x69: {  	s5 =	smov.u32 s24;
	s6 =	sadd.s32 $0x80, s24;
	_ =	swait.ge [sflag:s10], $0x400  }
0x6a: {  	p0 =	sne.s32 s24, $0x480;
	s24 =	rddreg [dreg:$0x4];
	[sflag:s10] =	ssyncset.done $0x0  }
0x6b: {  	[sflag:s10] =	ssyncadd.s32 $0xFFFFFC00;
	s9 =	sadd.s32 s7, s24  }
0x6c: {  	[tilespmem:s11], [sflag:$0x5] =	stream.linear.gather [hbm4b:s9+s3], $0x400, $0x38;
	[tilespmem:$0x1C800] =	vst v63  }
0x6d: {  	_ =	swait.ge [sflag:s10], $0x400  }
0x6e: {  	[sflag:s10] =	ssyncset.done $0x0  }
0x6f: {  	[sflag:s10] =	ssyncadd.s32 $0xFFFFFC00  }
0x70: {  	[tilespmem:s13], [sflag:$0x1] =	stream.indirect.gather [hbm4b:s4+s12], $0x80, s3, s12, $0xb8;
	[tilespmem:$0x1C800] =	vst v63  }
0x71: {  	_ = 	snop  }
0x72: {  	[tilespmem:s14], [sflag:$0x2] =	stream.indirect.gather [hbm4b:s4+s12], $0x80, s12, s12, $0xb8;
	[tilespmem:$0x1C800] =	vst v63  }
0x73: {  	_ =	swait.ge [sflag:s15], $0x4000  }
0x74: {  	[sflag:s15] =	ssyncset.done $0x0  }
0x75: {  	[sflag:s15] =	ssyncadd.s32 $0xFFFFC000  }
0x76: {  	[spmem:s1] =	stream.indirect.scatter.add.f32 [tilespmem:s13], [sflag:$0x3], $0x80, s11, s12, $0xb8;
	[tilespmem:$0x1C800] =	vst v63  }
0x77: {  	_ =	swait.ge [sflag:s16], $0x4000  }
0x78: {  	[sflag:s16] =	ssyncset.done $0x0  }
0x79: {  	[sflag:s16] =	ssyncadd.s32 $0xFFFFC000  }
0x7a: {  	[tilespmem:s13], [sflag:$0x1] =	stream.indirect.gather [hbm4b:s4+s12], $0x80, s17, s12, $0xb8;
	[tilespmem:$0x1C800] =	vst v63  }
0x7b: {  	_ =	swait.ge [sflag:s18], $0x4000  }
0x7c: {  	[sflag:s18] =	ssyncset.done $0x0  }
0x7d: {  	[sflag:s18] =	ssyncadd.s32 $0xFFFFC000  }
0x7e: {  	[spmem:s1] =	stream.indirect.scatter.add.f32 [tilespmem:s14], [sflag:$0x4], $0x80, s19, s12, $0xb8;
	[tilespmem:$0x1C800] =	vst v63  }
0x7f: {  	_ =	swait.ge [sflag:s20], $0x4000  }
0x80: {  	[sflag:s20] =	ssyncset.done $0x0  }
0x81: {  	[sflag:s20] =	ssyncadd.s32 $0xFFFFC000  }
0x82: {  	[tilespmem:s14], [sflag:$0x2] =	stream.indirect.gather [hbm4b:s4+s12], $0x80, s21, s12, $0xb8;
	[tilespmem:$0x1C800] =	vst v63  }
0x83: {  	_ =	swait.ge [sflag:s15], $0x4000  }
0x84: {  	[sflag:s15] =	ssyncset.done $0x0  }
0x85: {  	[sflag:s15] =	ssyncadd.s32 $0xFFFFC000  }
0x86: {  	[spmem:s1] =	stream.indirect.scatter.add.f32 [tilespmem:s13], [sflag:$0x3], $0x80, s22, s12, $0xb8;
	[tilespmem:$0x1C800] =	vst v63  }
0x87: {  	_ =	swait.ge [sflag:s16], $0x4000  }
0x88: {  	[sflag:s16] =	ssyncset.done $0x0  }
0x89: {  	[sflag:s16] =	ssyncadd.s32 $0xFFFFC000  }
0x8a: {  	[tilespmem:s13], [sflag:$0x1] =	stream.indirect.gather [hbm4b:s4+s12], $0x80, s23, s12, $0xb8;
	[tilespmem:$0x1C800] =	vst v63  }
0x8b: {  	_ =	swait.ge [sflag:s18], $0x4000  }
0x8c: {  	[sflag:s18] =	ssyncset.done $0x0  }
0x8d: {  	[sflag:s18] =	ssyncadd.s32 $0xFFFFC000  }
0x8e: {  	[spmem:s1] =	stream.indirect.scatter.add.f32 [tilespmem:s14], [sflag:$0x4], $0x80, s25, s12, $0xb8;
	[tilespmem:$0x1C800] =	vst v63  }
0x8f: {  	_ =	swait.ge [sflag:s20], $0x4000  }
0x90: {  	[sflag:s20] =	ssyncset.done $0x0  }
0x91: {  	[sflag:s20] =	ssyncadd.s32 $0xFFFFC000  }
0x92: {  	[tilespmem:s14], [sflag:$0x2] =	stream.indirect.gather [hbm4b:s4+s12], $0x80, s26, s12, $0xb8;
	[tilespmem:$0x1C800] =	vst v63  }
0x93: {  	_ =	swait.ge [sflag:s15], $0x4000  }
0x94: {  	[sflag:s15] =	ssyncset.done $0x0  }
0x95: {  	[sflag:s15] =	ssyncadd.s32 $0xFFFFC000  }
0x96: {  	[spmem:s1] =	stream.indirect.scatter.add.f32 [tilespmem:s13], [sflag:$0x3], $0x80, s28, s12, $0xb8;
	[tilespmem:$0x1C800] =	vst v63  }
0x97: {  	_ =	swait.ge [sflag:s16], $0x4000  }
0x98: {  	[sflag:s16] =	ssyncset.done $0x0  }
0x99: {  	[sflag:s16] =	ssyncadd.s32 $0xFFFFC000  }
0x9a: {  	[tilespmem:s13], [sflag:$0x1] =	stream.indirect.gather [hbm4b:s4+s12], $0x80, s29, s12, $0xb8;
	[tilespmem:$0x1C800] =	vst v63  }
0x9b: {  	_ =	swait.ge [sflag:s18], $0x4000  }
0x9c: {  	[sflag:s18] =	ssyncset.done $0x0  }
0x9d: {  	[sflag:s18] =	ssyncadd.s32 $0xFFFFC000  }
0x9e: {  	[spmem:s1] =	stream.indirect.scatter.add.f32 [tilespmem:s14], [sflag:$0x4], $0x80, s30, s12, $0xb8;
	[tilespmem:$0x1C800] =	vst v63  }
0x9f: {  	_ =	swait.ge [sflag:s20], $0x4000  }
0xa0: {  	[sflag:s20] =	ssyncset.done $0x0  }
0xa1: {  	[sflag:s20] =	ssyncadd.s32 $0xFFFFC000  }
0xa2: {  	[tilespmem:s14], [sflag:$0x2] =	stream.indirect.gather [hbm4b:s4+s12], $0x80, s31, s12, $0xb8;
	[tilespmem:$0x1C800] =	vst v63  }
0xa3: {  	_ =	swait.ge [sflag:s15], $0x4000  }
0xa4: {  	[sflag:s15] =	ssyncset.done $0x0  }
0xa5: {  	[sflag:s15] =	ssyncadd.s32 $0xFFFFC000  }
0xa6: {  	[spmem:s1] =	stream.indirect.scatter.add.f32 [tilespmem:s13], [sflag:$0x3], $0x80, s0, s12, $0xb8;
	[tilespmem:$0x1C800] =	vst v63  }
0xa7: {  	_ =	swait.ge [sflag:s16], $0x4000  }
0xa8: {  	[sflag:s16] =	ssyncset.done $0x0  }
0xa9: {  	[sflag:s16] =	ssyncadd.s32 $0xFFFFC000  }
0xaa: {  	_ =	swait.ge [sflag:s18], $0x4000  }
.Ltmp0:
0xab: {  	[sflag:s18] =	ssyncset.done $0x0;
	(pc) =	sbr.rel @p0 .LBB2_2-.Ltmp0, $4  }
0xac: {  	[sflag:s18] =	ssyncadd.s32 $0xFFFFC000  }
0xad: {  	[spmem:s1] =	stream.indirect.scatter.add.f32 [tilespmem:s14], [sflag:$0x4], $0x80, s2, s12, $0xb8;
	[tilespmem:$0x1C800] =	vst v63  }
0xae: {  	_ =	swait.ge [sflag:s20], $0x4000  }
0xaf: {  	s7 =	smov.u32 s5;
	s24 =	smov.u32 s6;
	[sflag:s20] =	ssyncset.done $0x0  }
0xb0: {  	s5 =	sadd.s32 s7, s8;
	[sflag:s20] =	ssyncadd.s32 $0xFFFFC000  }
0xb1: {  	[tilespmem:s3], [sflag:$0x5] =	stream.linear.gather [hbm4b:s5+s3], $0x400, $0x38;
	[tilespmem:$0x1C800] =	vst v63  }
0xb2: {  	_ =	swait.ge [sflag:s10], $0x400  }
0xb3: {  	s6 =	rddreg [dreg:$0x4];
	[sflag:s10] =	ssyncset.done $0x0  }
0xb4: {  	s5 =	sadd.s32 s7, s6;
	[sflag:s10] =	ssyncadd.s32 $0xFFFFFC00  }
0xb5: {  	[tilespmem:s11], [sflag:$0x5] =	stream.linear.gather [hbm4b:s5+s3], $0x400, $0x38;
	[tilespmem:$0x1C800] =	vst v63  }
0xb6: {  	_ =	swait.ge [sflag:s10], $0x400  }
0xb7: {  	[sflag:s10] =	ssyncset.done $0x0  }
0xb8: {  	[sflag:s10] =	ssyncadd.s32 $0xFFFFFC00  }
0xb9: {  	[tilespmem:s13], [sflag:$0x1] =	stream.indirect.gather [hbm4b:s4+s12], $0x80, s3, s12, $0xb8;
	[tilespmem:$0x1C800] =	vst v63  }
0xba: {  	_ = 	snop  }
0xbb: {  	[tilespmem:s14], [sflag:$0x2] =	stream.indirect.gather [hbm4b:s4+s12], $0x80, s12, s12, $0xb8;
	[tilespmem:$0x1C800] =	vst v63  }
0xbc: {  	_ =	swait.ge [sflag:s15], $0x4000  }
0xbd: {  	[sflag:s15] =	ssyncset.done $0x0  }
0xbe: {  	[sflag:s15] =	ssyncadd.s32 $0xFFFFC000  }
0xbf: {  	[spmem:s1] =	stream.indirect.scatter.add.f32 [tilespmem:s13], [sflag:$0x3], $0x80, s11, s12, $0xb8;
	[tilespmem:$0x1C800] =	vst v63  }
0xc0: {  	_ =	swait.ge [sflag:s16], $0x4000  }
0xc1: {  	[sflag:s16] =	ssyncset.done $0x0  }
0xc2: {  	[sflag:s16] =	ssyncadd.s32 $0xFFFFC000  }
0xc3: {  	[tilespmem:s13], [sflag:$0x1] =	stream.indirect.gather [hbm4b:s4+s12], $0x80, s17, s12, $0xb8;
	[tilespmem:$0x1C800] =	vst v63  }
0xc4: {  	_ =	swait.ge [sflag:s18], $0x4000  }
0xc5: {  	[sflag:s18] =	ssyncset.done $0x0  }
0xc6: {  	[sflag:s18] =	ssyncadd.s32 $0xFFFFC000  }
0xc7: {  	[spmem:s1] =	stream.indirect.scatter.add.f32 [tilespmem:s14], [sflag:$0x4], $0x80, s19, s12, $0xb8;
	[tilespmem:$0x1C800] =	vst v63  }
0xc8: {  	_ =	swait.ge [sflag:s20], $0x4000  }
0xc9: {  	[sflag:s20] =	ssyncset.done $0x0  }
0xca: {  	[sflag:s20] =	ssyncadd.s32 $0xFFFFC000  }
0xcb: {  	[tilespmem:s14], [sflag:$0x2] =	stream.indirect.gather [hbm4b:s4+s12], $0x80, s21, s12, $0xb8;
	[tilespmem:$0x1C800] =	vst v63  }
0xcc: {  	_ =	swait.ge [sflag:s15], $0x4000  }
0xcd: {  	[sflag:s15] =	ssyncset.done $0x0  }
0xce: {  	[sflag:s15] =	ssyncadd.s32 $0xFFFFC000  }
0xcf: {  	[spmem:s1] =	stream.indirect.scatter.add.f32 [tilespmem:s13], [sflag:$0x3], $0x80, s22, s12, $0xb8;
	[tilespmem:$0x1C800] =	vst v63  }
0xd0: {  	_ =	swait.ge [sflag:s16], $0x4000  }
0xd1: {  	[sflag:s16] =	ssyncset.done $0x0  }
0xd2: {  	[sflag:s16] =	ssyncadd.s32 $0xFFFFC000  }
0xd3: {  	[tilespmem:s13], [sflag:$0x1] =	stream.indirect.gather [hbm4b:s4+s12], $0x80, s23, s12, $0xb8;
	[tilespmem:$0x1C800] =	vst v63  }
0xd4: {  	_ =	swait.ge [sflag:s18], $0x4000  }
0xd5: {  	[sflag:s18] =	ssyncset.done $0x0  }
0xd6: {  	[sflag:s18] =	ssyncadd.s32 $0xFFFFC000  }
0xd7: {  	[spmem:s1] =	stream.indirect.scatter.add.f32 [tilespmem:s14], [sflag:$0x4], $0x80, s25, s12, $0xb8;
	[tilespmem:$0x1C800] =	vst v63  }
0xd8: {  	_ =	swait.ge [sflag:s20], $0x4000  }
0xd9: {  	[sflag:s20] =	ssyncset.done $0x0  }
0xda: {  	[sflag:s20] =	ssyncadd.s32 $0xFFFFC000  }
0xdb: {  	[tilespmem:s14], [sflag:$0x2] =	stream.indirect.gather [hbm4b:s4+s12], $0x80, s26, s12, $0xb8;
	[tilespmem:$0x1C800] =	vst v63  }
0xdc: {  	_ =	swait.ge [sflag:s15], $0x4000  }
0xdd: {  	[sflag:s15] =	ssyncset.done $0x0  }
0xde: {  	[sflag:s15] =	ssyncadd.s32 $0xFFFFC000  }
0xdf: {  	[spmem:s1] =	stream.indirect.scatter.add.f32 [tilespmem:s13], [sflag:$0x3], $0x80, s28, s12, $0xb8;
	[tilespmem:$0x1C800] =	vst v63  }
0xe0: {  	_ =	swait.ge [sflag:s16], $0x4000  }
0xe1: {  	[sflag:s16] =	ssyncset.done $0x0  }
0xe2: {  	[sflag:s16] =	ssyncadd.s32 $0xFFFFC000  }
0xe3: {  	[tilespmem:s13], [sflag:$0x1] =	stream.indirect.gather [hbm4b:s4+s12], $0x80, s29, s12, $0xb8;
	[tilespmem:$0x1C800] =	vst v63  }
0xe4: {  	_ =	swait.ge [sflag:s18], $0x4000  }
0xe5: {  	[sflag:s18] =	ssyncset.done $0x0  }
0xe6: {  	[sflag:s18] =	ssyncadd.s32 $0xFFFFC000  }
0xe7: {  	[spmem:s1] =	stream.indirect.scatter.add.f32 [tilespmem:s14], [sflag:$0x4], $0x80, s30, s12, $0xb8;
	[tilespmem:$0x1C800] =	vst v63  }
0xe8: {  	_ =	swait.ge [sflag:s20], $0x4000  }
0xe9: {  	[sflag:s20] =	ssyncset.done $0x0  }
0xea: {  	[sflag:s20] =	ssyncadd.s32 $0xFFFFC000  }
0xeb: {  	[tilespmem:s14], [sflag:$0x2] =	stream.indirect.gather [hbm4b:s4+s12], $0x80, s31, s12, $0xb8;
	[tilespmem:$0x1C800] =	vst v63  }
0xec: {  	_ =	swait.ge [sflag:s15], $0x4000  }
0xed: {  	[sflag:s15] =	ssyncset.done $0x0  }
0xee: {  	[sflag:s15] =	ssyncadd.s32 $0xFFFFC000  }
0xef: {  	[spmem:s1] =	stream.indirect.scatter.add.f32 [tilespmem:s13], [sflag:$0x3], $0x80, s0, s12, $0xb8;
	[tilespmem:$0x1C800] =	vst v63  }
0xf0: {  	_ =	swait.ge [sflag:s16], $0x4000  }
0xf1: {  	[sflag:s16] =	ssyncset.done $0x0  }
0xf2: {  	[sflag:s16] =	ssyncadd.s32 $0xFFFFC000  }
0xf3: {  	_ =	swait.ge [sflag:s18], $0x4000  }
0xf4: {  	[sflag:s18] =	ssyncset.done $0x0  }
0xf5: {  	[sflag:s18] =	ssyncadd.s32 $0xFFFFC000  }
0xf6: {  	[spmem:s1] =	stream.indirect.scatter.add.f32 [tilespmem:s14], [sflag:$0x4], $0x80, s2, s12, $0xb8;
	[tilespmem:$0x1C800] =	vst v63  }
0xf7: {  	_ =	swait.ge [sflag:s20], $0x4000  }
0xf8: {  	[sflag:s20] =	ssyncset.done $0x0  }
0xf9: {  	[sflag:s20] =	ssyncadd.s32 $0xFFFFC000  }
0xfa: {  	[bflag:$0x0] =	sbarrier.arrive $0xFFFF  }
0xfb: {  	s24 =	rddreg [dreg:$0x6]  }
0xfc: {  	s6 =	rddreg [dreg:$0x8]  }
0xfd: {  	s9 =	rddreg [dreg:$0x9]  }
0xfe: {  	[hbm:s9], [sflag:s24] =	dma.local [spmem:s6], $0x2800  }
0xff: {  	_ =	swait.ge [sflag:s10], $0x2800  }
0x100: {  	s5 =	rddreg [dreg:$0xa]  }
0x101: {  	s9 =	rddreg [dreg:$0x7];
	s7 =	sadd.s32 $0x1, s5  }
0x102: {  	p0 =	sne.s32 s7, s9  }
.Ltmp1:
0x103: {  	_ = 	snop;
	(pc) =	sbr.rel @p0 .LBB2_1-.Ltmp1, $3  }
0x104: {  	_ =	sdelay $0x1  }
0x105: {  	[sflag:s10] =	ssyncset.done $0x0  }
0x106: {  	[sflag:s10] =	ssyncadd.s32 $0xFFFFD800  }
0x107: {  	_ =	sfence.sel $0x180000  }
0x108: {  	[bflag:$0x0] =	sbarrier.arrive $0xFFFF  }
0x109: {  	_ =	strace $0x9000004A  }
0x10a: {  	s0 =	stileid.u32;
	[bflag:$0x2] =	sbarrier.arrive $0xFFFF  }
0x10b: {  	p0 =	sne.s32 s0, $0x0;
	s0 =	rddreg [dreg:$0x3]  }
0x10c: {  	s0 =	sadd.s32 @!p0 $0x100000, s0  }
0x10d: {  	[sflag:s0] =	ssyncadd.tile.s32 @!p0 $0x1;
	_ =	shalt  }
.Lfunc_end2:
_tile_overlayer_lowered:
.L_overlay_start_2:
0x10e: {  	(tag) =	ssettag $0x2  }
0x10f: {  	s0 =	rddreg [dreg:$0x0];
	s2 =	stileid.u32  }
0x110: {  	s1 =	rddreg [dreg:$0x1];
	p0 =	sne.s32 s2, $0x0  }
0x111: {  	s3 =	rddreg [dreg:$0x2];
	[bflag:$0x3] =	sbarrier.arrive $0xFFFF;
	s2 =	simm.s32 @!p0 $0x1C05  }
0x112: {  	[timem:s3], [sflag:s2] =	dma.local @!p0 [hbm:s0], s1  }
0x113: {  	s0 =	simm.s32 @!p0 $0x5  }
0x114: {  	_ =	swait.ge @!p0 [sflag:s0], s1  }
0x115: {  	s1 =	ssub.s32 @!p0 $0x0, s1;
	[sflag:s0] =	ssyncset.done @!p0 $0x0  }
0x116: {  	[sflag:s0] =	ssyncadd.s32 @!p0 s1  }
0x117: {  	[bflag:$0x3] =	sbarrier.arrive $0xFFFF  }
0x118: {  	_ =	shalt  }

// kernel: kernel.15.cloned.1.call-start
scs
__scs_entry_jumppad:
0x0: {  	(pc) =	sbr.rel $0x88, $3  }
0x1: {  	(tag) =	ssettag $0x0;
	lr =	simm.s32 $0x1  }
0x2: {  	[smem:$0x3F97] =	sst lr;
	_ =	strace $0xD0000000  }
0x3: {  	_ = 	snop  }
0x4: {  	_ = 	snop  }
0x5: {  	_ = 	snop  }
0x6: {  	_ = 	snop  }
0x7: {  	_ = 	snop  }
__scs_overlays_trampoline_lowered:
0x8: {  	[smem:$0x3FA6] =	sst s0  }
0x9: {  	[smem:$0x3FA7] =	sst s1  }
0xa: {  	[smem:$0x3FA8] =	sst s2  }
0xb: {  	[smem:$0x3FA9] =	sst s3  }
0xc: {  	[smem:$0x3FAA] =	sst s4  }
0xd: {  	[smem:$0x3FAB] =	sst s5  }
0xe: {  	[smem:$0x3FAC] =	sst s6  }
0xf: {  	[smem:$0x3FAD] =	sst s7  }
0x10: {  	[smem:$0x3FAE] =	sst s8  }
0x11: {  	[smem:$0x3FAF] =	sst s9;
	s0 =	simm.s32 @!p0 $0x0  }
0x12: {  	s1 =	sld [smem:$0x3F95];
	s0 =	simm.s32 @p0 $0x1  }
0x13: {  	[smem:$0x3FB0] =	sst s0;
	s0 =	simm.s32 @!p1 $0x0  }
0x14: {  	s2 =	sld [smem:$0x3F94];
	s0 =	simm.s32 @p1 $0x1  }
0x15: {  	[smem:$0x3FB1] =	sst s0;
	s0 =	simm.s32 @!p2 $0x0  }
0x16: {  	s3 =	sld [smem:$0x3FDB];
	s0 =	simm.s32 @p2 $0x1  }
0x17: {  	s4 =	simm.s32 $0x1BF5;
	[smem:$0x3FB3] =	sst s0  }
0x18: {  	s0 =	sld [smem:$0x3F96];
	_ =	swait.ge [sflag:s4], $0x0  }
0x19: {  	s7 =	sld [smem:$0x3F97]  }
0x1a: {  	s8 =	sadd.s32 $0xFFFFE003, lr  }
0x1b: {  	s9 =	sadd.s32 $0xFFFFFEF7, lr;
	s5 =	simm.s32 $0xFFFFFFFF;
	p2 =	slt.u32 s8, $0xFFFFF086  }
0x1c: {  	p1 =	slt.u32 s9, $0xF7A;
	s5 =	simm.s32 @!p2 $0x0  }
0x1d: {  	s5 =	simm.s32 @p1 $0x1;
	p0 =	seq.s32 s7, s2  }
0x1e: {  	s7 =	smul.u32 @!p0 $0xF7A, s2;
	p2 =	seq.s32 @!p0 s5, $0x0  }
0x1f: {  	s9 =	smul.u32 $0xF7A, s1;
	s8 =	simm.s32 @!p0 $0x1BF5;
	p2 =	por !p2, p0  }
0x20: {  	[sflag:s8] =	ssyncset.s32 @!p0 $0xFFFFF086;
	s6 =	sadd.s32 @!p0 s3, s7;
	s7 =	simm.s32 @!p0 $0x108  }
0x21: {  	s3 =	sadd.s32 s3, s9;
	s6 =	sadd.s32 @!p0 $0x88, s6;
	s7 =	simm.s32 @p2 $0x1082  }
0x22: {  	[simem:s7], [sflag:s8] =	dma.local @!p0 [hbm:s6], $0xF7A  }
0x23: {  	s9 =	sor.u32 $0xD0000000, s2;
	s6 =	simm.s32 $0x108;
	_ =	swait.ge @!p0 [sflag:s8], $0x0  }
0x24: {  	s3 =	sadd.s32 $0x88, s3;
	s6 =	simm.s32 @!p1 $0x1082;
	[sflag:s4] =	ssyncset.s32 $0xFFFFF086  }
0x25: {  	[simem:s6], [sflag:s4] =	dma.local [hbm:s3], $0xF7A  }
0x26: {  	[smem:$0x3F97] =	sst s1;
	(tag) =	ssettag s2;
	_ =	strace s9  }
0x27: {  	s1 =	sld [smem:$0x3FA7]  }
0x28: {  	s2 =	sld [smem:$0x3FA8]  }
0x29: {  	s4 =	sld [smem:$0x3FAA]  }
0x2a: {  	p0 =	seq.s32 s5, $0x0;
	s5 =	sld [smem:$0x3FAB]  }
0x2b: {  	s6 =	sld [smem:$0x3FAC]  }
0x2c: {  	s7 =	sld [smem:$0x3FAD]  }
0x2d: {  	s3 =	simm.s32 $0x108;
	s8 =	sld [smem:$0x3FAE]  }
0x2e: {  	s3 =	simm.s32 @!p0 $0x1082;
	s9 =	sld [smem:$0x3FAF]  }
0x2f: {  	lr =	sadd.s32 s0, s3;
	s0 =	sld [smem:$0x3FA6]  }
0x30: {  	s3 =	sld [smem:$0x3FA9]  }
0x31: {  	[smem:$0x3FB2] =	sst s10  }
0x32: {  	s10 =	sld [smem:$0x3FB0];
	_ =	sdelay $0x3  }
0x33: {  	p0 =	seq.s32 s10, $0x1;
	s10 =	sld [smem:$0x3FB2];
	_ =	sdelay $0x3  }
0x34: {  	[smem:$0x3FB2] =	sst s10  }
0x35: {  	s10 =	sld [smem:$0x3FB1];
	_ =	sdelay $0x3  }
0x36: {  	p1 =	seq.s32 s10, $0x1;
	s10 =	sld [smem:$0x3FB2];
	_ =	sdelay $0x3  }
0x37: {  	[smem:$0x3FB2] =	sst s10  }
0x38: {  	s10 =	sld [smem:$0x3FB3]  }
0x39: {  	_ = 	snop;
	(pc) =	sbr.ind lr, $3  }
0x3a: {  	_ = 	snop  }
0x3b: {  	_ = 	snop  }
0x3c: {  	p2 =	seq.s32 s10, $0x1;
	s10 =	sld [smem:$0x3FB2]  }
0x3d: {  	_ =	shalt  }
0x3e: {  	_ =	shalt  }
0x3f: {  	_ =	shalt  }
0x40: {  	_ =	shalt  }
0x41: {  	_ =	shalt  }
0x42: {  	_ =	shalt  }
0x43: {  	_ =	shalt  }
0x44: {  	_ =	shalt  }
0x45: {  	_ =	shalt  }
0x46: {  	_ =	shalt  }
0x47: {  	_ =	shalt  }
0x48: {  	_ =	shalt  }
0x49: {  	_ =	shalt  }
0x4a: {  	_ =	shalt  }
0x4b: {  	_ =	shalt  }
0x4c: {  	_ =	shalt  }
0x4d: {  	_ =	shalt  }
0x4e: {  	_ =	shalt  }
0x4f: {  	_ =	shalt  }
0x50: {  	_ =	shalt  }
0x51: {  	_ =	shalt  }
0x52: {  	_ =	shalt  }
0x53: {  	_ =	shalt  }
0x54: {  	_ =	shalt  }
0x55: {  	_ =	shalt  }
0x56: {  	_ =	shalt  }
0x57: {  	_ =	shalt  }
0x58: {  	_ =	shalt  }
0x59: {  	_ =	shalt  }
0x5a: {  	_ =	shalt  }
0x5b: {  	_ =	shalt  }
0x5c: {  	_ =	shalt  }
0x5d: {  	_ =	shalt  }
0x5e: {  	_ =	shalt  }
0x5f: {  	_ =	shalt  }
0x60: {  	_ =	shalt  }
0x61: {  	_ =	shalt  }
0x62: {  	_ =	shalt  }
0x63: {  	_ =	shalt  }
0x64: {  	_ =	shalt  }
0x65: {  	_ =	shalt  }
0x66: {  	_ =	shalt  }
0x67: {  	_ =	shalt  }
0x68: {  	_ =	shalt  }
0x69: {  	_ =	shalt  }
0x6a: {  	_ =	shalt  }
0x6b: {  	_ =	shalt  }
0x6c: {  	_ =	shalt  }
0x6d: {  	_ =	shalt  }
0x6e: {  	_ =	shalt  }
0x6f: {  	_ =	shalt  }
0x70: {  	_ =	shalt  }
0x71: {  	_ =	shalt  }
0x72: {  	_ =	shalt  }
0x73: {  	_ =	shalt  }
0x74: {  	_ =	shalt  }
0x75: {  	_ =	shalt  }
0x76: {  	_ =	shalt  }
0x77: {  	_ =	shalt  }
0x78: {  	_ =	shalt  }
0x79: {  	_ =	shalt  }
0x7a: {  	_ =	shalt  }
0x7b: {  	_ =	shalt  }
0x7c: {  	_ =	shalt  }
0x7d: {  	_ =	shalt  }
0x7e: {  	_ =	shalt  }
0x7f: {  	_ =	shalt  }
0x80: {  	_ =	shalt  }
0x81: {  	_ =	shalt  }
0x82: {  	_ =	shalt  }
0x83: {  	_ =	shalt  }
0x84: {  	_ =	shalt  }
0x85: {  	_ =	shalt  }
0x86: {  	_ =	shalt  }
0x87: {  	_ =	shalt  }
.Lfunc_end0:
.L_simem_size_0:
called_computation.2_lowered:
.L_overlay_start_0:
0x88: {  	s2 =	sld [smem:$0x3FD9]  }
0x89: {  	s3 =	sld [smem:$0x3FFE];
	_ =	sdelay $0x1  }
0x8a: {  	s1 =	srdreg.scid  }
0x8b: {  	s0 =	sand.u32 $0x1, s1  }
0x8c: {  	s17 =	sshll.u32 s0, $0xA;
	s2 =	sadd.s32 s3, s2  }
0x8d: {  	s2 =	sadd.s32 s2, s17  }
0x8e: {  	[smem:$0x3FBE] =	sst s2  }
0x8f: {  	_ = 	snop  }
0x90: {  	s2 =	sld [smem:$0x3FD0];
	(tm) =	ssettm $0x1  }
0x91: {  	s18 =	sld [smem:$0x3FFB];
	_ =	sdelay $0x3  }
0x92: {  	_ =	strace s18  }
0x93: {  	s3 =	sld [smem:$0x3FFC];
	_ =	sdelay $0x3  }
0x94: {  	_ =	strace s3  }
0x95: {  	s3 =	sld [smem:$0x3FFD];
	_ =	sdelay $0x3  }
0x96: {  	_ =	strace s3  }
0x97: {  	_ =	strace $0x8FFFFFFF  }
0x98: {  	s19 =	sld [smem:$0x3FDB];
	_ =	sdelay $0x1  }
0x99: {  	s4 =	simm.s32 $_scs_section_size  }
0x9a: {  	s5 =	simm.s32 $_size__tile_overlayer_lowered;
	s6 =	simm.s32 $_tile_overlayer_lowered  }
0x9b: {  	s22 =	simm.s32 $0x1BFF;
	s21 =	sshll.u32 s6, $0x1;
	s3 =	sadd.s32 s4, s19  }
0x9c: {  	s7 =	simm.s32 $0x0;
	s20 =	sshll.u32 s5, $0x1;
	s5 =	sadd.s32 s21, s3  }
0x9d: {  	[timem:s7], [sflag:s22] =	dma.local [hbm:s5], s20  }
0x9e: {  	_ =	swait.ge [sflag:s22], s20  }
0x9f: {  	s4 =	ssub.s32 $0x0, s20;
	[sflag:s22] =	ssyncset.done $0x0  }
0xa0: {  	[sflag:s22] =	ssyncadd.s32 s4;
	_ =	sdelay $0x1  }
0xa1: {  	s23 =	simm.s32 $0x1B8B  }
0xa2: {  	_ =	swait.ge [sflag:s23], $0x1  }
0xa3: {  	[sflag:s23] =	ssyncset.done $0x0  }
0xa4: {  	s25 =	simm.s32 $0x1B8E;
	s24 =	sld [smem:$0x3FFE];
	[sflag:s23] =	ssyncadd.s32 $0xFFFFFFFF  }
0xa5: {  	s26 =	simm.s32 $execute0_lowered;
	[smem:$0x3FD2] =	sst s25  }
0xa6: {  	s5 =	sshll.u32 s26, $0x1;
	_ =	strace $0x8000004C;
	[dreg:$0x1] =	wrdreg $0xFFFFFFFF  }
0xa7: {  	s28 =	simm.s32 $_size_execute0_lowered;
	s3 =	sadd.s32 s3, s5;
	[dreg:$0x0] =	wrdreg $0x0  }
0xa8: {  	s5 =	sshll.u32 s28, $0x1;
	[dreg:$0x2] =	wrdreg s3  }
0xa9: {  	[dreg:$0x3] =	wrdreg s5  }
0xaa: {  	[dreg:$0x4] =	wrdreg $0xC0  }
0xab: {  	_ =	task [dreg:s7], $0x5FFFF  }
0xac: {  	[dreg:$0x1] =	wrdreg $0xFFFFFFFF  }
0xad: {  	[dreg:$0x0] =	wrdreg $0x60  }
0xae: {  	[dreg:$0x2] =	wrdreg s24  }
0xaf: {  	[dreg:$0x3] =	wrdreg s2  }
0xb0: {  	[dreg:$0x4] =	wrdreg $0x88000  }
0xb1: {  	[dreg:$0x5] =	wrdreg $0x9  }
0xb2: {  	_ =	task.clear_ibuf [dreg:s7], $0x6FFFF;
	_ =	strace $0x9000004C  }
0xb3: {  	s29 =	simm.s32 $0x9;
	_ =	strace $0x8000004E  }
0xb4: {  	_ =	swait.ge [sflag:s29], $0x1  }
0xb5: {  	[sflag:s29] =	ssyncadd.s32 $0xFFFFFFFF  }
0xb6: {  	_ =	strace $0x9000004E  }
0xb7: {  	_ =	sfence  }
0xb8: {  	s30 =	sld [smem:$0x0];
	_ =	sdelay $0x2  }
0xb9: {  	s31 =	sshll.u32 s1, $0xD;
	s1 =	sshrl.u32 s1, $0x2  }
0xba: {  	s3 =	sand.u32 $0x4000, s31;
	s1 =	sadd.s32 s1, s30  }
0xbb: {  	s0 =	sor.u32 s3, s0;
	s1 =	sshll.u32 s1, $0x11  }
0xbc: {  	s0 =	sor.u32 s1, s0  }
0xbd: {  	s0 =	sadd.s32 $0x8F2B, s0  }
0xbe: {  	[sflag:s0] =	ssyncadd.remote.s32 $0x1  }
0xbf: {  	_ =	sfence.sel $0xFFFF  }
0xc0: {  	[dreg:$0x0] =	wrdreg $0xFFFFFFFF;
	(pc) =	sbr.abs _section_cstart, $3  }
0xc1: {  	[dreg:$0x1] =	wrdreg $0xFFFFFFFF  }
0xc2: {  	_ =	task.clear_ibuf [dreg:s7], $0x2FFFF;
	_ =	strace $0x9FFFFFFF  }
0xc3: {  	(tm) =	ssettm $0x7FFFFFFF  }
tec
execute0_lowered:
.L_overlay_start_1:
0x0: {  	(tag) =	ssettag $0x1  }
0x1: {  	s0 =	rddreg [dreg:$0x0]  }
0x2: {  	s2 =	rddreg [dreg:$0x1]  }
0x3: {  	s1 =	rddreg [dreg:$0x2]  }
0x4: {  	s3 =	srdreg.scid;
	s13 =	stileid.u32;
	s14 =	simm.s32 $0x4800  }
0x5: {  	s15 =	simm.s32 $0x1;
	s16 =	simm.s32 $0x3;
	s17 =	simm.s32 $0x100  }
0x6: {  	s18 =	simm.s32 $0x2;
	s19 =	simm.s32 $0x480;
	s20 =	simm.s32 $0x4  }
0x7: {  	s21 =	simm.s32 $0x180;
	s22 =	simm.s32 $0x500;
	s28 =	simm.s32 $0x600  }
0x8: {  	s29 =	simm.s32 $0x300;
	s30 =	simm.s32 $0x680;
	s7 =	smul.u32 $0x2800, s13  }
0x9: {  	s31 =	simm.s32 $0x380;
	s5 =	sand.u32 $0x1, s3;
	s9 =	smul.u32 $0x50000, s13  }
0xa: {  	s3 =	simm.s32 $0x0;
	s4 =	sadd.s32 $0x34A00, s0;
	s25 =	smul.u32 $0x500, s13  }
0xb: {  	s24 =	sshll.u32 s13, $0x6;
	s13 =	simm.s32 $0x800;
	s6 =	smul.u32 $0x5000, s5  }
0xc: {  	[smem:$0x7FF] =	sst s3;
	s10 =	smul.u32 $0x28000, s5;
	s5 =	ssub.s32 $0x2, s5  }
0xd: {  	s24 =	sor.u32 $0x1C05, s24;
	_ =	strace $0x8000004D;
	s11 =	sadd.s32 s7, s0  }
0xe: {  	s12 =	sshrl.u32 s5, $0x1;
	s9 =	sshrl.u32 s9, $0x2;
	[dreg:$0x6] =	wrdreg s24  }
0xf: {  	s8 =	sadd.s32 s6, s0;
	s0 =	sadd.s32 s10, s0;
	s5 =	ssub.s32 s5, s12  }
0x10: {  	s9 =	sadd.s32 s9, s1;
	s23 =	sadd.s32 $0xCA00, s11;
	s2 =	sadd.s32 s6, s2  }
0x11: {  	s10 =	simm.s32 $0x5;
	s11 =	simm.s32 $0x400;
	s12 =	simm.s32 $0x80  }
0x12: {  	[dreg:$0x5] =	wrdreg s23;
	s0 =	sadd.s32 $0x5CA00, s0;
	s5 =	smax.u32 s5, $0x1  }
0x13: {  	s2 =	sadd.s32 s25, s2;
	s26 =	sadd.s32 s25, s8;
	s6 =	sshrl.u32 s9, $0x3  }
0x14: {  	s23 =	simm.s32 $0x200;
	s25 =	simm.s32 $0x580;
	[dreg:$0x7] =	wrdreg s5  }
0x15: {  	[dreg:$0x4] =	wrdreg s2;
	s8 =	sadd.s32 $0x2A00, s26;
	s0 =	sadd.s32 s7, s0  }
0x16: {  	s26 =	simm.s32 $0x280;
	s2 =	simm.s32 $0x780;
	[dreg:$0x8] =	wrdreg s6  }
0x17: {  	s7 =	simm.s32 $0x0;
	[dreg:$0x9] =	wrdreg s0;
	s0 =	simm.s32 $0x700  }
.LBB2_1:
0x18: {  	[dreg:$0xa] =	wrdreg s7  }
0x19: {  	s5 =	rddreg [dreg:$0x5]  }
0x1a: {  	[spmem:s6], [sflag:s24] =	dma.local [hbm:s5], $0x2800  }
0x1b: {  	_ =	swait.ge [sflag:s10], $0x2800  }
0x1c: {  	[sflag:s10] =	ssyncset.done $0x0  }
0x1d: {  	[sflag:s10] =	ssyncadd.s32 $0xFFFFD800  }
0x1e: {  	s9 =	sadd.s32 $0x0, s8;
	[bflag:$0x0] =	sbarrier.arrive $0xFFFF  }
0x1f: {  	[tilespmem:s3], [sflag:$0x5] =	stream.linear.gather [hbm4b:s9+s3], $0x400, $0x38;
	[tilespmem:$0x1C800] =	vst v63  }
0x20: {  	_ =	swait.ge [sflag:s10], $0x400  }
0x21: {  	s24 =	rddreg [dreg:$0x4];
	[sflag:s10] =	ssyncset.done $0x0  }
0x22: {  	[sflag:s10] =	ssyncadd.s32 $0xFFFFFC00;
	s6 =	sadd.s32 $0x0, s24  }
0x23: {  	[tilespmem:s11], [sflag:$0x5] =	stream.linear.gather [hbm4b:s6+s3], $0x400, $0x38;
	[tilespmem:$0x1C800] =	vst v63  }
0x24: {  	_ =	swait.ge [sflag:s10], $0x400  }
0x25: {  	[sflag:s10] =	ssyncset.done $0x0  }
0x26: {  	[sflag:s10] =	ssyncadd.s32 $0xFFFFFC00  }
0x27: {  	[tilespmem:s13], [sflag:$0x1] =	stream.indirect.gather [hbm4b:s4+s12], $0x80, s3, s12, $0xb8;
	[tilespmem:$0x1C800] =	vst v63  }
0x28: {  	_ = 	snop  }
0x29: {  	[tilespmem:s14], [sflag:$0x2] =	stream.indirect.gather [hbm4b:s4+s12], $0x80, s12, s12, $0xb8;
	[tilespmem:$0x1C800] =	vst v63  }
0x2a: {  	_ =	swait.ge [sflag:s15], $0x4000  }
0x2b: {  	[sflag:s15] =	ssyncset.done $0x0  }
0x2c: {  	[sflag:s15] =	ssyncadd.s32 $0xFFFFC000  }
0x2d: {  	[spmem:s1] =	stream.indirect.scatter.add.f32 [tilespmem:s13], [sflag:$0x3], $0x80, s11, s12, $0xb8;
	[tilespmem:$0x1C800] =	vst v63  }
0x2e: {  	_ =	swait.ge [sflag:s16], $0x4000  }
0x2f: {  	[sflag:s16] =	ssyncset.done $0x0  }
0x30: {  	[sflag:s16] =	ssyncadd.s32 $0xFFFFC000  }
0x31: {  	[tilespmem:s13], [sflag:$0x1] =	stream.indirect.gather [hbm4b:s4+s12], $0x80, s17, s12, $0xb8;
	[tilespmem:$0x1C800] =	vst v63  }
0x32: {  	_ =	swait.ge [sflag:s18], $0x4000  }
0x33: {  	[sflag:s18] =	ssyncset.done $0x0  }
0x34: {  	[sflag:s18] =	ssyncadd.s32 $0xFFFFC000  }
0x35: {  	[spmem:s1] =	stream.indirect.scatter.add.f32 [tilespmem:s14], [sflag:$0x4], $0x80, s19, s12, $0xb8;
	[tilespmem:$0x1C800] =	vst v63  }
0x36: {  	_ =	swait.ge [sflag:s20], $0x4000  }
0x37: {  	[sflag:s20] =	ssyncset.done $0x0  }
0x38: {  	[sflag:s20] =	ssyncadd.s32 $0xFFFFC000  }
0x39: {  	[tilespmem:s14], [sflag:$0x2] =	stream.indirect.gather [hbm4b:s4+s12], $0x80, s21, s12, $0xb8;
	[tilespmem:$0x1C800] =	vst v63  }
0x3a: {  	_ =	swait.ge [sflag:s15], $0x4000  }
0x3b: {  	[sflag:s15] =	ssyncset.done $0x0  }
0x3c: {  	[sflag:s15] =	ssyncadd.s32 $0xFFFFC000  }
0x3d: {  	[spmem:s1] =	stream.indirect.scatter.add.f32 [tilespmem:s13], [sflag:$0x3], $0x80, s22, s12, $0xb8;
	[tilespmem:$0x1C800] =	vst v63  }
0x3e: {  	_ =	swait.ge [sflag:s16], $0x4000  }
0x3f: {  	[sflag:s16] =	ssyncset.done $0x0  }
0x40: {  	[sflag:s16] =	ssyncadd.s32 $0xFFFFC000  }
0x41: {  	[tilespmem:s13], [sflag:$0x1] =	stream.indirect.gather [hbm4b:s4+s12], $0x80, s23, s12, $0xb8;
	[tilespmem:$0x1C800] =	vst v63  }
0x42: {  	_ =	swait.ge [sflag:s18], $0x4000  }
0x43: {  	[sflag:s18] =	ssyncset.done $0x0  }
0x44: {  	[sflag:s18] =	ssyncadd.s32 $0xFFFFC000  }
0x45: {  	[spmem:s1] =	stream.indirect.scatter.add.f32 [tilespmem:s14], [sflag:$0x4], $0x80, s25, s12, $0xb8;
	[tilespmem:$0x1C800] =	vst v63  }
0x46: {  	_ =	swait.ge [sflag:s20], $0x4000  }
0x47: {  	[sflag:s20] =	ssyncset.done $0x0  }
0x48: {  	[sflag:s20] =	ssyncadd.s32 $0xFFFFC000  }
0x49: {  	[tilespmem:s14], [sflag:$0x2] =	stream.indirect.gather [hbm4b:s4+s12], $0x80, s26, s12, $0xb8;
	[tilespmem:$0x1C800] =	vst v63  }
0x4a: {  	_ =	swait.ge [sflag:s15], $0x4000  }
0x4b: {  	[sflag:s15] =	ssyncset.done $0x0  }
0x4c: {  	[sflag:s15] =	ssyncadd.s32 $0xFFFFC000  }
0x4d: {  	[spmem:s1] =	stream.indirect.scatter.add.f32 [tilespmem:s13], [sflag:$0x3], $0x80, s28, s12, $0xb8;
	[tilespmem:$0x1C800] =	vst v63  }
0x4e: {  	_ =	swait.ge [sflag:s16], $0x4000  }
0x4f: {  	[sflag:s16] =	ssyncset.done $0x0  }
0x50: {  	[sflag:s16] =	ssyncadd.s32 $0xFFFFC000  }
0x51: {  	[tilespmem:s13], [sflag:$0x1] =	stream.indirect.gather [hbm4b:s4+s12], $0x80, s29, s12, $0xb8;
	[tilespmem:$0x1C800] =	vst v63  }
0x52: {  	_ =	swait.ge [sflag:s18], $0x4000  }
0x53: {  	[sflag:s18] =	ssyncset.done $0x0  }
0x54: {  	[sflag:s18] =	ssyncadd.s32 $0xFFFFC000  }
0x55: {  	[spmem:s1] =	stream.indirect.scatter.add.f32 [tilespmem:s14], [sflag:$0x4], $0x80, s30, s12, $0xb8;
	[tilespmem:$0x1C800] =	vst v63  }
0x56: {  	_ =	swait.ge [sflag:s20], $0x4000  }
0x57: {  	[sflag:s20] =	ssyncset.done $0x0  }
0x58: {  	[sflag:s20] =	ssyncadd.s32 $0xFFFFC000  }
0x59: {  	[tilespmem:s14], [sflag:$0x2] =	stream.indirect.gather [hbm4b:s4+s12], $0x80, s31, s12, $0xb8;
	[tilespmem:$0x1C800] =	vst v63  }
0x5a: {  	_ =	swait.ge [sflag:s15], $0x4000  }
0x5b: {  	[sflag:s15] =	ssyncset.done $0x0  }
0x5c: {  	[sflag:s15] =	ssyncadd.s32 $0xFFFFC000  }
0x5d: {  	[spmem:s1] =	stream.indirect.scatter.add.f32 [tilespmem:s13], [sflag:$0x3], $0x80, s0, s12, $0xb8;
	[tilespmem:$0x1C800] =	vst v63  }
0x5e: {  	_ =	swait.ge [sflag:s16], $0x4000  }
0x5f: {  	[sflag:s16] =	ssyncset.done $0x0  }
0x60: {  	[sflag:s16] =	ssyncadd.s32 $0xFFFFC000  }
0x61: {  	_ =	swait.ge [sflag:s18], $0x4000  }
0x62: {  	[sflag:s18] =	ssyncset.done $0x0  }
0x63: {  	[sflag:s18] =	ssyncadd.s32 $0xFFFFC000  }
0x64: {  	[spmem:s1] =	stream.indirect.scatter.add.f32 [tilespmem:s14], [sflag:$0x4], $0x80, s2, s12, $0xb8;
	[tilespmem:$0x1C800] =	vst v63  }
0x65: {  	_ =	swait.ge [sflag:s20], $0x4000  }
0x66: {  	s7 =	simm.s32 $0x80;
	s24 =	simm.s32 $0x100;
	[sflag:s20] =	ssyncset.done $0x0  }
.LBB2_2:
0x67: {  	s9 =	sadd.s32 s7, s8;
	[sflag:s20] =	ssyncadd.s32 $0xFFFFC000  }
0x68: {  	[tilespmem:s3], [sflag:$0x5] =	stream.linear.gather [hbm4b:s9+s3], $0x400, $0x38;
	[tilespmem:$0x1C800] =	vst v63  }
0x69: {  	s5 =	smov.u32 s24;
	s6 =	sadd.s32 $0x80, s24;
	_ =	swait.ge [sflag:s10], $0x400  }
0x6a: {  	p0 =	sne.s32 s24, $0x480;
	s24 =	rddreg [dreg:$0x4];
	[sflag:s10] =	ssyncset.done $0x0  }
0x6b: {  	[sflag:s10] =	ssyncadd.s32 $0xFFFFFC00;
	s9 =	sadd.s32 s7, s24  }
0x6c: {  	[tilespmem:s11], [sflag:$0x5] =	stream.linear.gather [hbm4b:s9+s3], $0x400, $0x38;
	[tilespmem:$0x1C800] =	vst v63  }
0x6d: {  	_ =	swait.ge [sflag:s10], $0x400  }
0x6e: {  	[sflag:s10] =	ssyncset.done $0x0  }
0x6f: {  	[sflag:s10] =	ssyncadd.s32 $0xFFFFFC00  }
0x70: {  	[tilespmem:s13], [sflag:$0x1] =	stream.indirect.gather [hbm4b:s4+s12], $0x80, s3, s12, $0xb8;
	[tilespmem:$0x1C800] =	vst v63  }
0x71: {  	_ = 	snop  }
0x72: {  	[tilespmem:s14], [sflag:$0x2] =	stream.indirect.gather [hbm4b:s4+s12], $0x80, s12, s12, $0xb8;
	[tilespmem:$0x1C800] =	vst v63  }
0x73: {  	_ =	swait.ge [sflag:s15], $0x4000  }
0x74: {  	[sflag:s15] =	ssyncset.done $0x0  }
0x75: {  	[sflag:s15] =	ssyncadd.s32 $0xFFFFC000  }
0x76: {  	[spmem:s1] =	stream.indirect.scatter.add.f32 [tilespmem:s13], [sflag:$0x3], $0x80, s11, s12, $0xb8;
	[tilespmem:$0x1C800] =	vst v63  }
0x77: {  	_ =	swait.ge [sflag:s16], $0x4000  }
0x78: {  	[sflag:s16] =	ssyncset.done $0x0  }
0x79: {  	[sflag:s16] =	ssyncadd.s32 $0xFFFFC000  }
0x7a: {  	[tilespmem:s13], [sflag:$0x1] =	stream.indirect.gather [hbm4b:s4+s12], $0x80, s17, s12, $0xb8;
	[tilespmem:$0x1C800] =	vst v63  }
0x7b: {  	_ =	swait.ge [sflag:s18], $0x4000  }
0x7c: {  	[sflag:s18] =	ssyncset.done $0x0  }
0x7d: {  	[sflag:s18] =	ssyncadd.s32 $0xFFFFC000  }
0x7e: {  	[spmem:s1] =	stream.indirect.scatter.add.f32 [tilespmem:s14], [sflag:$0x4], $0x80, s19, s12, $0xb8;
	[tilespmem:$0x1C800] =	vst v63  }
0x7f: {  	_ =	swait.ge [sflag:s20], $0x4000  }
0x80: {  	[sflag:s20] =	ssyncset.done $0x0  }
0x81: {  	[sflag:s20] =	ssyncadd.s32 $0xFFFFC000  }
0x82: {  	[tilespmem:s14], [sflag:$0x2] =	stream.indirect.gather [hbm4b:s4+s12], $0x80, s21, s12, $0xb8;
	[tilespmem:$0x1C800] =	vst v63  }
0x83: {  	_ =	swait.ge [sflag:s15], $0x4000  }
0x84: {  	[sflag:s15] =	ssyncset.done $0x0  }
0x85: {  	[sflag:s15] =	ssyncadd.s32 $0xFFFFC000  }
0x86: {  	[spmem:s1] =	stream.indirect.scatter.add.f32 [tilespmem:s13], [sflag:$0x3], $0x80, s22, s12, $0xb8;
	[tilespmem:$0x1C800] =	vst v63  }
0x87: {  	_ =	swait.ge [sflag:s16], $0x4000  }
0x88: {  	[sflag:s16] =	ssyncset.done $0x0  }
0x89: {  	[sflag:s16] =	ssyncadd.s32 $0xFFFFC000  }
0x8a: {  	[tilespmem:s13], [sflag:$0x1] =	stream.indirect.gather [hbm4b:s4+s12], $0x80, s23, s12, $0xb8;
	[tilespmem:$0x1C800] =	vst v63  }
0x8b: {  	_ =	swait.ge [sflag:s18], $0x4000  }
0x8c: {  	[sflag:s18] =	ssyncset.done $0x0  }
0x8d: {  	[sflag:s18] =	ssyncadd.s32 $0xFFFFC000  }
0x8e: {  	[spmem:s1] =	stream.indirect.scatter.add.f32 [tilespmem:s14], [sflag:$0x4], $0x80, s25, s12, $0xb8;
	[tilespmem:$0x1C800] =	vst v63  }
0x8f: {  	_ =	swait.ge [sflag:s20], $0x4000  }
0x90: {  	[sflag:s20] =	ssyncset.done $0x0  }
0x91: {  	[sflag:s20] =	ssyncadd.s32 $0xFFFFC000  }
0x92: {  	[tilespmem:s14], [sflag:$0x2] =	stream.indirect.gather [hbm4b:s4+s12], $0x80, s26, s12, $0xb8;
	[tilespmem:$0x1C800] =	vst v63  }
0x93: {  	_ =	swait.ge [sflag:s15], $0x4000  }
0x94: {  	[sflag:s15] =	ssyncset.done $0x0  }
0x95: {  	[sflag:s15] =	ssyncadd.s32 $0xFFFFC000  }
0x96: {  	[spmem:s1] =	stream.indirect.scatter.add.f32 [tilespmem:s13], [sflag:$0x3], $0x80, s28, s12, $0xb8;
	[tilespmem:$0x1C800] =	vst v63  }
0x97: {  	_ =	swait.ge [sflag:s16], $0x4000  }
0x98: {  	[sflag:s16] =	ssyncset.done $0x0  }
0x99: {  	[sflag:s16] =	ssyncadd.s32 $0xFFFFC000  }
0x9a: {  	[tilespmem:s13], [sflag:$0x1] =	stream.indirect.gather [hbm4b:s4+s12], $0x80, s29, s12, $0xb8;
	[tilespmem:$0x1C800] =	vst v63  }
0x9b: {  	_ =	swait.ge [sflag:s18], $0x4000  }
0x9c: {  	[sflag:s18] =	ssyncset.done $0x0  }
0x9d: {  	[sflag:s18] =	ssyncadd.s32 $0xFFFFC000  }
0x9e: {  	[spmem:s1] =	stream.indirect.scatter.add.f32 [tilespmem:s14], [sflag:$0x4], $0x80, s30, s12, $0xb8;
	[tilespmem:$0x1C800] =	vst v63  }
0x9f: {  	_ =	swait.ge [sflag:s20], $0x4000  }
0xa0: {  	[sflag:s20] =	ssyncset.done $0x0  }
0xa1: {  	[sflag:s20] =	ssyncadd.s32 $0xFFFFC000  }
0xa2: {  	[tilespmem:s14], [sflag:$0x2] =	stream.indirect.gather [hbm4b:s4+s12], $0x80, s31, s12, $0xb8;
	[tilespmem:$0x1C800] =	vst v63  }
0xa3: {  	_ =	swait.ge [sflag:s15], $0x4000  }
0xa4: {  	[sflag:s15] =	ssyncset.done $0x0  }
0xa5: {  	[sflag:s15] =	ssyncadd.s32 $0xFFFFC000  }
0xa6: {  	[spmem:s1] =	stream.indirect.scatter.add.f32 [tilespmem:s13], [sflag:$0x3], $0x80, s0, s12, $0xb8;
	[tilespmem:$0x1C800] =	vst v63  }
0xa7: {  	_ =	swait.ge [sflag:s16], $0x4000  }
0xa8: {  	[sflag:s16] =	ssyncset.done $0x0  }
0xa9: {  	[sflag:s16] =	ssyncadd.s32 $0xFFFFC000  }
0xaa: {  	_ =	swait.ge [sflag:s18], $0x4000  }
.Ltmp0:
0xab: {  	[sflag:s18] =	ssyncset.done $0x0;
	(pc) =	sbr.rel @p0 .LBB2_2-.Ltmp0, $4  }
0xac: {  	[sflag:s18] =	ssyncadd.s32 $0xFFFFC000  }
0xad: {  	[spmem:s1] =	stream.indirect.scatter.add.f32 [tilespmem:s14], [sflag:$0x4], $0x80, s2, s12, $0xb8;
	[tilespmem:$0x1C800] =	vst v63  }
0xae: {  	_ =	swait.ge [sflag:s20], $0x4000  }
0xaf: {  	s7 =	smov.u32 s5;
	s24 =	smov.u32 s6;
	[sflag:s20] =	ssyncset.done $0x0  }
0xb0: {  	s5 =	sadd.s32 s7, s8;
	[sflag:s20] =	ssyncadd.s32 $0xFFFFC000  }
0xb1: {  	[tilespmem:s3], [sflag:$0x5] =	stream.linear.gather [hbm4b:s5+s3], $0x400, $0x38;
	[tilespmem:$0x1C800] =	vst v63  }
0xb2: {  	_ =	swait.ge [sflag:s10], $0x400  }
0xb3: {  	s6 =	rddreg [dreg:$0x4];
	[sflag:s10] =	ssyncset.done $0x0  }
0xb4: {  	s5 =	sadd.s32 s7, s6;
	[sflag:s10] =	ssyncadd.s32 $0xFFFFFC00  }
0xb5: {  	[tilespmem:s11], [sflag:$0x5] =	stream.linear.gather [hbm4b:s5+s3], $0x400, $0x38;
	[tilespmem:$0x1C800] =	vst v63  }
0xb6: {  	_ =	swait.ge [sflag:s10], $0x400  }
0xb7: {  	[sflag:s10] =	ssyncset.done $0x0  }
0xb8: {  	[sflag:s10] =	ssyncadd.s32 $0xFFFFFC00  }
0xb9: {  	[tilespmem:s13], [sflag:$0x1] =	stream.indirect.gather [hbm4b:s4+s12], $0x80, s3, s12, $0xb8;
	[tilespmem:$0x1C800] =	vst v63  }
0xba: {  	_ = 	snop  }
0xbb: {  	[tilespmem:s14], [sflag:$0x2] =	stream.indirect.gather [hbm4b:s4+s12], $0x80, s12, s12, $0xb8;
	[tilespmem:$0x1C800] =	vst v63  }
0xbc: {  	_ =	swait.ge [sflag:s15], $0x4000  }
0xbd: {  	[sflag:s15] =	ssyncset.done $0x0  }
0xbe: {  	[sflag:s15] =	ssyncadd.s32 $0xFFFFC000  }
0xbf: {  	[spmem:s1] =	stream.indirect.scatter.add.f32 [tilespmem:s13], [sflag:$0x3], $0x80, s11, s12, $0xb8;
	[tilespmem:$0x1C800] =	vst v63  }
0xc0: {  	_ =	swait.ge [sflag:s16], $0x4000  }
0xc1: {  	[sflag:s16] =	ssyncset.done $0x0  }
0xc2: {  	[sflag:s16] =	ssyncadd.s32 $0xFFFFC000  }
0xc3: {  	[tilespmem:s13], [sflag:$0x1] =	stream.indirect.gather [hbm4b:s4+s12], $0x80, s17, s12, $0xb8;
	[tilespmem:$0x1C800] =	vst v63  }
0xc4: {  	_ =	swait.ge [sflag:s18], $0x4000  }
0xc5: {  	[sflag:s18] =	ssyncset.done $0x0  }
0xc6: {  	[sflag:s18] =	ssyncadd.s32 $0xFFFFC000  }
0xc7: {  	[spmem:s1] =	stream.indirect.scatter.add.f32 [tilespmem:s14], [sflag:$0x4], $0x80, s19, s12, $0xb8;
	[tilespmem:$0x1C800] =	vst v63  }
0xc8: {  	_ =	swait.ge [sflag:s20], $0x4000  }
0xc9: {  	[sflag:s20] =	ssyncset.done $0x0  }
0xca: {  	[sflag:s20] =	ssyncadd.s32 $0xFFFFC000  }
0xcb: {  	[tilespmem:s14], [sflag:$0x2] =	stream.indirect.gather [hbm4b:s4+s12], $0x80, s21, s12, $0xb8;
	[tilespmem:$0x1C800] =	vst v63  }
0xcc: {  	_ =	swait.ge [sflag:s15], $0x4000  }
0xcd: {  	[sflag:s15] =	ssyncset.done $0x0  }
0xce: {  	[sflag:s15] =	ssyncadd.s32 $0xFFFFC000  }
0xcf: {  	[spmem:s1] =	stream.indirect.scatter.add.f32 [tilespmem:s13], [sflag:$0x3], $0x80, s22, s12, $0xb8;
	[tilespmem:$0x1C800] =	vst v63  }
0xd0: {  	_ =	swait.ge [sflag:s16], $0x4000  }
0xd1: {  	[sflag:s16] =	ssyncset.done $0x0  }
0xd2: {  	[sflag:s16] =	ssyncadd.s32 $0xFFFFC000  }
0xd3: {  	[tilespmem:s13], [sflag:$0x1] =	stream.indirect.gather [hbm4b:s4+s12], $0x80, s23, s12, $0xb8;
	[tilespmem:$0x1C800] =	vst v63  }
0xd4: {  	_ =	swait.ge [sflag:s18], $0x4000  }
0xd5: {  	[sflag:s18] =	ssyncset.done $0x0  }
0xd6: {  	[sflag:s18] =	ssyncadd.s32 $0xFFFFC000  }
0xd7: {  	[spmem:s1] =	stream.indirect.scatter.add.f32 [tilespmem:s14], [sflag:$0x4], $0x80, s25, s12, $0xb8;
	[tilespmem:$0x1C800] =	vst v63  }
0xd8: {  	_ =	swait.ge [sflag:s20], $0x4000  }
0xd9: {  	[sflag:s20] =	ssyncset.done $0x0  }
0xda: {  	[sflag:s20] =	ssyncadd.s32 $0xFFFFC000  }
0xdb: {  	[tilespmem:s14], [sflag:$0x2] =	stream.indirect.gather [hbm4b:s4+s12], $0x80, s26, s12, $0xb8;
	[tilespmem:$0x1C800] =	vst v63  }
0xdc: {  	_ =	swait.ge [sflag:s15], $0x4000  }
0xdd: {  	[sflag:s15] =	ssyncset.done $0x0  }
0xde: {  	[sflag:s15] =	ssyncadd.s32 $0xFFFFC000  }
0xdf: {  	[spmem:s1] =	stream.indirect.scatter.add.f32 [tilespmem:s13], [sflag:$0x3], $0x80, s28, s12, $0xb8;
	[tilespmem:$0x1C800] =	vst v63  }
0xe0: {  	_ =	swait.ge [sflag:s16], $0x4000  }
0xe1: {  	[sflag:s16] =	ssyncset.done $0x0  }
0xe2: {  	[sflag:s16] =	ssyncadd.s32 $0xFFFFC000  }
0xe3: {  	[tilespmem:s13], [sflag:$0x1] =	stream.indirect.gather [hbm4b:s4+s12], $0x80, s29, s12, $0xb8;
	[tilespmem:$0x1C800] =	vst v63  }
0xe4: {  	_ =	swait.ge [sflag:s18], $0x4000  }
0xe5: {  	[sflag:s18] =	ssyncset.done $0x0  }
0xe6: {  	[sflag:s18] =	ssyncadd.s32 $0xFFFFC000  }
0xe7: {  	[spmem:s1] =	stream.indirect.scatter.add.f32 [tilespmem:s14], [sflag:$0x4], $0x80, s30, s12, $0xb8;
	[tilespmem:$0x1C800] =	vst v63  }
0xe8: {  	_ =	swait.ge [sflag:s20], $0x4000  }
0xe9: {  	[sflag:s20] =	ssyncset.done $0x0  }
0xea: {  	[sflag:s20] =	ssyncadd.s32 $0xFFFFC000  }
0xeb: {  	[tilespmem:s14], [sflag:$0x2] =	stream.indirect.gather [hbm4b:s4+s12], $0x80, s31, s12, $0xb8;
	[tilespmem:$0x1C800] =	vst v63  }
0xec: {  	_ =	swait.ge [sflag:s15], $0x4000  }
0xed: {  	[sflag:s15] =	ssyncset.done $0x0  }
0xee: {  	[sflag:s15] =	ssyncadd.s32 $0xFFFFC000  }
0xef: {  	[spmem:s1] =	stream.indirect.scatter.add.f32 [tilespmem:s13], [sflag:$0x3], $0x80, s0, s12, $0xb8;
	[tilespmem:$0x1C800] =	vst v63  }
0xf0: {  	_ =	swait.ge [sflag:s16], $0x4000  }
0xf1: {  	[sflag:s16] =	ssyncset.done $0x0  }
0xf2: {  	[sflag:s16] =	ssyncadd.s32 $0xFFFFC000  }
0xf3: {  	_ =	swait.ge [sflag:s18], $0x4000  }
0xf4: {  	[sflag:s18] =	ssyncset.done $0x0  }
0xf5: {  	[sflag:s18] =	ssyncadd.s32 $0xFFFFC000  }
0xf6: {  	[spmem:s1] =	stream.indirect.scatter.add.f32 [tilespmem:s14], [sflag:$0x4], $0x80, s2, s12, $0xb8;
	[tilespmem:$0x1C800] =	vst v63  }
0xf7: {  	_ =	swait.ge [sflag:s20], $0x4000  }
0xf8: {  	[sflag:s20] =	ssyncset.done $0x0  }
0xf9: {  	[sflag:s20] =	ssyncadd.s32 $0xFFFFC000  }
0xfa: {  	[bflag:$0x0] =	sbarrier.arrive $0xFFFF  }
0xfb: {  	s24 =	rddreg [dreg:$0x6]  }
0xfc: {  	s6 =	rddreg [dreg:$0x8]  }
0xfd: {  	s9 =	rddreg [dreg:$0x9]  }
0xfe: {  	[hbm:s9], [sflag:s24] =	dma.local [spmem:s6], $0x2800  }
0xff: {  	_ =	swait.ge [sflag:s10], $0x2800  }
0x100: {  	s5 =	rddreg [dreg:$0xa]  }
0x101: {  	s9 =	rddreg [dreg:$0x7];
	s7 =	sadd.s32 $0x1, s5  }
0x102: {  	p0 =	sne.s32 s7, s9  }
.Ltmp1:
0x103: {  	_ = 	snop;
	(pc) =	sbr.rel @p0 .LBB2_1-.Ltmp1, $3  }
0x104: {  	_ =	sdelay $0x1  }
0x105: {  	[sflag:s10] =	ssyncset.done $0x0  }
0x106: {  	[sflag:s10] =	ssyncadd.s32 $0xFFFFD800  }
0x107: {  	_ =	sfence.sel $0x180000  }
0x108: {  	[bflag:$0x0] =	sbarrier.arrive $0xFFFF  }
0x109: {  	_ =	strace $0x9000004D  }
0x10a: {  	s0 =	stileid.u32;
	[bflag:$0x2] =	sbarrier.arrive $0xFFFF  }
0x10b: {  	p0 =	sne.s32 s0, $0x0;
	s0 =	rddreg [dreg:$0x3]  }
0x10c: {  	s0 =	sadd.s32 @!p0 $0x100000, s0  }
0x10d: {  	[sflag:s0] =	ssyncadd.tile.s32 @!p0 $0x1;
	_ =	shalt  }
.Lfunc_end2:
_tile_overlayer_lowered:
.L_overlay_start_2:
0x10e: {  	(tag) =	ssettag $0x2  }
0x10f: {  	s0 =	rddreg [dreg:$0x0];
	s2 =	stileid.u32  }
0x110: {  	s1 =	rddreg [dreg:$0x1];
	p0 =	sne.s32 s2, $0x0  }
0x111: {  	s3 =	rddreg [dreg:$0x2];
	[bflag:$0x3] =	sbarrier.arrive $0xFFFF;
	s2 =	simm.s32 @!p0 $0x1C05  }
0x112: {  	[timem:s3], [sflag:s2] =	dma.local @!p0 [hbm:s0], s1  }
0x113: {  	s0 =	simm.s32 @!p0 $0x5  }
0x114: {  	_ =	swait.ge @!p0 [sflag:s0], s1  }
0x115: {  	s1 =	ssub.s32 @!p0 $0x0, s1;
	[sflag:s0] =	ssyncset.done @!p0 $0x0  }
0x116: {  	[sflag:s0] =	ssyncadd.s32 @!p0 s1  }
0x117: {  	[bflag:$0x3] =	sbarrier.arrive $0xFFFF  }
0x118: {  	_ =	shalt  }

// kernel: kernel.9.cloned.1.call-start
scs
__scs_entry_jumppad:
0x0: {  	(pc) =	sbr.rel $0x88, $3  }
0x1: {  	(tag) =	ssettag $0x0;
	lr =	simm.s32 $0x1  }
0x2: {  	[smem:$0x3F97] =	sst lr;
	_ =	strace $0xD0000000  }
0x3: {  	_ = 	snop  }
0x4: {  	_ = 	snop  }
0x5: {  	_ = 	snop  }
0x6: {  	_ = 	snop  }
0x7: {  	_ = 	snop  }
__scs_overlays_trampoline_lowered:
0x8: {  	[smem:$0x3FA6] =	sst s0  }
0x9: {  	[smem:$0x3FA7] =	sst s1  }
0xa: {  	[smem:$0x3FA8] =	sst s2  }
0xb: {  	[smem:$0x3FA9] =	sst s3  }
0xc: {  	[smem:$0x3FAA] =	sst s4  }
0xd: {  	[smem:$0x3FAB] =	sst s5  }
0xe: {  	[smem:$0x3FAC] =	sst s6  }
0xf: {  	[smem:$0x3FAD] =	sst s7  }
0x10: {  	[smem:$0x3FAE] =	sst s8  }
0x11: {  	[smem:$0x3FAF] =	sst s9;
	s0 =	simm.s32 @!p0 $0x0  }
0x12: {  	s1 =	sld [smem:$0x3F95];
	s0 =	simm.s32 @p0 $0x1  }
0x13: {  	[smem:$0x3FB0] =	sst s0;
	s0 =	simm.s32 @!p1 $0x0  }
0x14: {  	s2 =	sld [smem:$0x3F94];
	s0 =	simm.s32 @p1 $0x1  }
0x15: {  	[smem:$0x3FB1] =	sst s0;
	s0 =	simm.s32 @!p2 $0x0  }
0x16: {  	s3 =	sld [smem:$0x3FDB];
	s0 =	simm.s32 @p2 $0x1  }
0x17: {  	s4 =	simm.s32 $0x1BF5;
	[smem:$0x3FB3] =	sst s0  }
0x18: {  	s0 =	sld [smem:$0x3F96];
	_ =	swait.ge [sflag:s4], $0x0  }
0x19: {  	s7 =	sld [smem:$0x3F97]  }
0x1a: {  	s8 =	sadd.s32 $0xFFFFE003, lr  }
0x1b: {  	s9 =	sadd.s32 $0xFFFFFEF7, lr;
	s5 =	simm.s32 $0xFFFFFFFF;
	p2 =	slt.u32 s8, $0xFFFFF086  }
0x1c: {  	p1 =	slt.u32 s9, $0xF7A;
	s5 =	simm.s32 @!p2 $0x0  }
0x1d: {  	s5 =	simm.s32 @p1 $0x1;
	p0 =	seq.s32 s7, s2  }
0x1e: {  	s7 =	smul.u32 @!p0 $0xF7A, s2;
	p2 =	seq.s32 @!p0 s5, $0x0  }
0x1f: {  	s9 =	smul.u32 $0xF7A, s1;
	s8 =	simm.s32 @!p0 $0x1BF5;
	p2 =	por !p2, p0  }
0x20: {  	[sflag:s8] =	ssyncset.s32 @!p0 $0xFFFFF086;
	s6 =	sadd.s32 @!p0 s3, s7;
	s7 =	simm.s32 @!p0 $0x108  }
0x21: {  	s3 =	sadd.s32 s3, s9;
	s6 =	sadd.s32 @!p0 $0x88, s6;
	s7 =	simm.s32 @p2 $0x1082  }
0x22: {  	[simem:s7], [sflag:s8] =	dma.local @!p0 [hbm:s6], $0xF7A  }
0x23: {  	s9 =	sor.u32 $0xD0000000, s2;
	s6 =	simm.s32 $0x108;
	_ =	swait.ge @!p0 [sflag:s8], $0x0  }
0x24: {  	s3 =	sadd.s32 $0x88, s3;
	s6 =	simm.s32 @!p1 $0x1082;
	[sflag:s4] =	ssyncset.s32 $0xFFFFF086  }
0x25: {  	[simem:s6], [sflag:s4] =	dma.local [hbm:s3], $0xF7A  }
0x26: {  	[smem:$0x3F97] =	sst s1;
	(tag) =	ssettag s2;
	_ =	strace s9  }
0x27: {  	s1 =	sld [smem:$0x3FA7]  }
0x28: {  	s2 =	sld [smem:$0x3FA8]  }
0x29: {  	s4 =	sld [smem:$0x3FAA]  }
0x2a: {  	p0 =	seq.s32 s5, $0x0;
	s5 =	sld [smem:$0x3FAB]  }
0x2b: {  	s6 =	sld [smem:$0x3FAC]  }
0x2c: {  	s7 =	sld [smem:$0x3FAD]  }
0x2d: {  	s3 =	simm.s32 $0x108;
	s8 =	sld [smem:$0x3FAE]  }
0x2e: {  	s3 =	simm.s32 @!p0 $0x1082;
	s9 =	sld [smem:$0x3FAF]  }
0x2f: {  	lr =	sadd.s32 s0, s3;
	s0 =	sld [smem:$0x3FA6]  }
0x30: {  	s3 =	sld [smem:$0x3FA9]  }
0x31: {  	[smem:$0x3FB2] =	sst s10  }
0x32: {  	s10 =	sld [smem:$0x3FB0];
	_ =	sdelay $0x3  }
0x33: {  	p0 =	seq.s32 s10, $0x1;
	s10 =	sld [smem:$0x3FB2];
	_ =	sdelay $0x3  }
0x34: {  	[smem:$0x3FB2] =	sst s10  }
0x35: {  	s10 =	sld [smem:$0x3FB1];
	_ =	sdelay $0x3  }
0x36: {  	p1 =	seq.s32 s10, $0x1;
	s10 =	sld [smem:$0x3FB2];
	_ =	sdelay $0x3  }
0x37: {  	[smem:$0x3FB2] =	sst s10  }
0x38: {  	s10 =	sld [smem:$0x3FB3]  }
0x39: {  	_ = 	snop;
	(pc) =	sbr.ind lr, $3  }
0x3a: {  	_ = 	snop  }
0x3b: {  	_ = 	snop  }
0x3c: {  	p2 =	seq.s32 s10, $0x1;
	s10 =	sld [smem:$0x3FB2]  }
0x3d: {  	_ =	shalt  }
0x3e: {  	_ =	shalt  }
0x3f: {  	_ =	shalt  }
0x40: {  	_ =	shalt  }
0x41: {  	_ =	shalt  }
0x42: {  	_ =	shalt  }
0x43: {  	_ =	shalt  }
0x44: {  	_ =	shalt  }
0x45: {  	_ =	shalt  }
0x46: {  	_ =	shalt  }
0x47: {  	_ =	shalt  }
0x48: {  	_ =	shalt  }
0x49: {  	_ =	shalt  }
0x4a: {  	_ =	shalt  }
0x4b: {  	_ =	shalt  }
0x4c: {  	_ =	shalt  }
0x4d: {  	_ =	shalt  }
0x4e: {  	_ =	shalt  }
0x4f: {  	_ =	shalt  }
0x50: {  	_ =	shalt  }
0x51: {  	_ =	shalt  }
0x52: {  	_ =	shalt  }
0x53: {  	_ =	shalt  }
0x54: {  	_ =	shalt  }
0x55: {  	_ =	shalt  }
0x56: {  	_ =	shalt  }
0x57: {  	_ =	shalt  }
0x58: {  	_ =	shalt  }
0x59: {  	_ =	shalt  }
0x5a: {  	_ =	shalt  }
0x5b: {  	_ =	shalt  }
0x5c: {  	_ =	shalt  }
0x5d: {  	_ =	shalt  }
0x5e: {  	_ =	shalt  }
0x5f: {  	_ =	shalt  }
0x60: {  	_ =	shalt  }
0x61: {  	_ =	shalt  }
0x62: {  	_ =	shalt  }
0x63: {  	_ =	shalt  }
0x64: {  	_ =	shalt  }
0x65: {  	_ =	shalt  }
0x66: {  	_ =	shalt  }
0x67: {  	_ =	shalt  }
0x68: {  	_ =	shalt  }
0x69: {  	_ =	shalt  }
0x6a: {  	_ =	shalt  }
0x6b: {  	_ =	shalt  }
0x6c: {  	_ =	shalt  }
0x6d: {  	_ =	shalt  }
0x6e: {  	_ =	shalt  }
0x6f: {  	_ =	shalt  }
0x70: {  	_ =	shalt  }
0x71: {  	_ =	shalt  }
0x72: {  	_ =	shalt  }
0x73: {  	_ =	shalt  }
0x74: {  	_ =	shalt  }
0x75: {  	_ =	shalt  }
0x76: {  	_ =	shalt  }
0x77: {  	_ =	shalt  }
0x78: {  	_ =	shalt  }
0x79: {  	_ =	shalt  }
0x7a: {  	_ =	shalt  }
0x7b: {  	_ =	shalt  }
0x7c: {  	_ =	shalt  }
0x7d: {  	_ =	shalt  }
0x7e: {  	_ =	shalt  }
0x7f: {  	_ =	shalt  }
0x80: {  	_ =	shalt  }
0x81: {  	_ =	shalt  }
0x82: {  	_ =	shalt  }
0x83: {  	_ =	shalt  }
0x84: {  	_ =	shalt  }
0x85: {  	_ =	shalt  }
0x86: {  	_ =	shalt  }
0x87: {  	_ =	shalt  }
.Lfunc_end0:
.L_simem_size_0:
called_computation_lowered:
.L_overlay_start_0:
0x88: {  	s2 =	sld [smem:$0x3FD9]  }
0x89: {  	s3 =	sld [smem:$0x3FFE];
	_ =	sdelay $0x1  }
0x8a: {  	s1 =	srdreg.scid  }
0x8b: {  	s0 =	sand.u32 $0x1, s1  }
0x8c: {  	s17 =	sshll.u32 s0, $0xA;
	s2 =	sadd.s32 s3, s2  }
0x8d: {  	s2 =	sadd.s32 s2, s17  }
0x8e: {  	[smem:$0x3FBE] =	sst s2  }
0x8f: {  	_ = 	snop  }
0x90: {  	s2 =	sld [smem:$0x3FD0];
	(tm) =	ssettm $0x1  }
0x91: {  	s18 =	sld [smem:$0x3FFB];
	_ =	sdelay $0x3  }
0x92: {  	_ =	strace s18  }
0x93: {  	s3 =	sld [smem:$0x3FFC];
	_ =	sdelay $0x3  }
0x94: {  	_ =	strace s3  }
0x95: {  	s3 =	sld [smem:$0x3FFD];
	_ =	sdelay $0x3  }
0x96: {  	_ =	strace s3  }
0x97: {  	_ =	strace $0x8FFFFFFF  }
0x98: {  	s19 =	sld [smem:$0x3FDB];
	_ =	sdelay $0x1  }
0x99: {  	s4 =	simm.s32 $_scs_section_size  }
0x9a: {  	s5 =	simm.s32 $_size__tile_overlayer_lowered;
	s6 =	simm.s32 $_tile_overlayer_lowered  }
0x9b: {  	s22 =	simm.s32 $0x1BFF;
	s21 =	sshll.u32 s6, $0x1;
	s3 =	sadd.s32 s4, s19  }
0x9c: {  	s7 =	simm.s32 $0x0;
	s20 =	sshll.u32 s5, $0x1;
	s5 =	sadd.s32 s21, s3  }
0x9d: {  	[timem:s7], [sflag:s22] =	dma.local [hbm:s5], s20  }
0x9e: {  	_ =	swait.ge [sflag:s22], s20  }
0x9f: {  	s4 =	ssub.s32 $0x0, s20;
	[sflag:s22] =	ssyncset.done $0x0  }
0xa0: {  	[sflag:s22] =	ssyncadd.s32 s4;
	_ =	sdelay $0x1  }
0xa1: {  	s23 =	simm.s32 $0x1B8B  }
0xa2: {  	_ =	swait.ge [sflag:s23], $0x1  }
0xa3: {  	[sflag:s23] =	ssyncset.done $0x0  }
0xa4: {  	s25 =	simm.s32 $0x1B8E;
	s24 =	sld [smem:$0x3FFE];
	[sflag:s23] =	ssyncadd.s32 $0xFFFFFFFF  }
0xa5: {  	s26 =	simm.s32 $execute0_lowered;
	[smem:$0x3FD2] =	sst s25  }
0xa6: {  	s5 =	sshll.u32 s26, $0x1;
	_ =	strace $0x80000046;
	[dreg:$0x1] =	wrdreg $0xFFFFFFFF  }
0xa7: {  	s28 =	simm.s32 $_size_execute0_lowered;
	s3 =	sadd.s32 s3, s5;
	[dreg:$0x0] =	wrdreg $0x0  }
0xa8: {  	s5 =	sshll.u32 s28, $0x1;
	[dreg:$0x2] =	wrdreg s3  }
0xa9: {  	[dreg:$0x3] =	wrdreg s5  }
0xaa: {  	[dreg:$0x4] =	wrdreg $0xC0  }
0xab: {  	_ =	task [dreg:s7], $0x5FFFF  }
0xac: {  	[dreg:$0x1] =	wrdreg $0xFFFFFFFF  }
0xad: {  	[dreg:$0x0] =	wrdreg $0x60  }
0xae: {  	[dreg:$0x2] =	wrdreg s2  }
0xaf: {  	[dreg:$0x3] =	wrdreg s24  }
0xb0: {  	[dreg:$0x4] =	wrdreg $0x68000  }
0xb1: {  	[dreg:$0x5] =	wrdreg $0x9  }
0xb2: {  	_ =	task.clear_ibuf [dreg:s7], $0x6FFFF;
	_ =	strace $0x90000046  }
0xb3: {  	s29 =	simm.s32 $0x9;
	_ =	strace $0x80000048  }
0xb4: {  	_ =	swait.ge [sflag:s29], $0x1  }
0xb5: {  	[sflag:s29] =	ssyncadd.s32 $0xFFFFFFFF  }
0xb6: {  	_ =	strace $0x90000048  }
0xb7: {  	_ =	sfence  }
0xb8: {  	s30 =	sld [smem:$0x0];
	_ =	sdelay $0x2  }
0xb9: {  	s31 =	sshll.u32 s1, $0xD;
	s1 =	sshrl.u32 s1, $0x2  }
0xba: {  	s3 =	sand.u32 $0x4000, s31;
	s1 =	sadd.s32 s1, s30  }
0xbb: {  	s0 =	sor.u32 s3, s0;
	s1 =	sshll.u32 s1, $0x11  }
0xbc: {  	s0 =	sor.u32 s1, s0  }
0xbd: {  	s0 =	sadd.s32 $0x8F2B, s0  }
0xbe: {  	[sflag:s0] =	ssyncadd.remote.s32 $0x1  }
0xbf: {  	_ =	sfence.sel $0xFFFF  }
0xc0: {  	[dreg:$0x0] =	wrdreg $0xFFFFFFFF;
	(pc) =	sbr.abs _section_cstart, $3  }
0xc1: {  	[dreg:$0x1] =	wrdreg $0xFFFFFFFF  }
0xc2: {  	_ =	task.clear_ibuf [dreg:s7], $0x2FFFF;
	_ =	strace $0x9FFFFFFF  }
0xc3: {  	(tm) =	ssettm $0x7FFFFFFF  }
tec
execute0_lowered:
.L_overlay_start_1:
0x0: {  	(tag) =	ssettag $0x1  }
0x1: {  	s0 =	rddreg [dreg:$0x0]  }
0x2: {  	s1 =	rddreg [dreg:$0x1]  }
0x3: {  	s2 =	rddreg [dreg:$0x2];
	s11 =	stileid.u32;
	s3 =	simm.s32 $0x0  }
0x4: {  	s4 =	srdreg.scid;
	s12 =	simm.s32 $0x80;
	s14 =	simm.s32 $0x180  }
0x5: {  	s15 =	simm.s32 $0x200;
	s16 =	simm.s32 $0x280;
	s17 =	simm.s32 $0x300  }
0x6: {  	s18 =	simm.s32 $0x380;
	s19 =	simm.s32 $0x1;
	s20 =	simm.s32 $0x400  }
0x7: {  	s21 =	simm.s32 $0x480;
	s28 =	simm.s32 $0x700;
	s29 =	simm.s32 $0x780  }
0x8: {  	s30 =	simm.s32 $0x2;
	s31 =	simm.s32 $0x0;
	s24 =	smul.u32 $0x2800, s11  }
0x9: {  	[smem:$0x7FF] =	sst s3;
	s5 =	sand.u32 $0x1, s4;
	s4 =	sadd.s32 $0x34A00, s1  }
0xa: {  	s8 =	smul.u32 $0x50000, s11;
	s25 =	sshll.u32 s11, $0x6;
	_ =	strace $0x80000047  }
0xb: {  	s7 =	smul.u32 $0x28000, s5;
	s9 =	sshll.u32 s5, $0x4;
	s5 =	ssub.s32 $0x2, s5  }
0xc: {  	s6 =	sadd.s32 s24, s1;
	s22 =	sor.u32 s11, s9;
	s23 =	sshrl.u32 s5, $0x1  }
0xd: {  	s8 =	sshrl.u32 s8, $0x2;
	s11 =	simm.s32 $0x2800;
	s1 =	sadd.s32 s7, s1  }
0xe: {  	s7 =	smul.u32 $0x500, s22;
	s9 =	ssub.s32 s5, s23;
	s10 =	sadd.s32 s8, s2  }
0xf: {  	s5 =	sadd.s32 $0xCA00, s6;
	s6 =	sor.u32 $0x1C03, s25;
	s22 =	simm.s32 $0x500  }
0x10: {  	s23 =	simm.s32 $0x580;
	s25 =	simm.s32 $0x600;
	s26 =	sadd.s32 $0x35200, s1  }
0x11: {  	s8 =	smax.u32 s9, $0x1;
	s9 =	sshrl.u32 s10, $0x3;
	s10 =	simm.s32 $0x3  }
0x12: {  	s7 =	sadd.s32 s0, s7;
	s24 =	sadd.s32 s24, s26;
	s26 =	simm.s32 $0x680  }
.LBB2_1:
0x13: {  	[spmem:s9], [sflag:s6] =	dma.local [hbm:s5], $0x2800  }
0x14: {  	_ =	swait.ge [sflag:s10], $0x2800  }
0x15: {  	[sflag:s10] =	ssyncset.done $0x0  }
0x16: {  	[sflag:s10] =	ssyncadd.s32 $0xFFFFD800  }
0x17: {  	[tilespmem:s11], [sflag:$0x3] =	stream.linear.gather [hbm4b:s4+s3], $0x4000, $0x38;
	[tilespmem:$0x1A800] =	vst v63  }
0x18: {  	_ =	swait.ge [sflag:s10], $0x4000  }
0x19: {  	[sflag:s10] =	ssyncset.done $0x0  }
0x1a: {  	[sflag:s10] =	ssyncadd.s32 $0xFFFFC000  }
0x1b: {  	[tilespmem:s3], [sflag:$0x3] =	stream.linear.gather [hbm4b:s7+s3], $0x2800, $0x38;
	[tilespmem:$0x1A800] =	vst v63  }
0x1c: {  	_ =	swait.ge [sflag:s10], $0x2800  }
0x1d: {  	[sflag:s10] =	ssyncset.done $0x0  }
0x1e: {  	[sflag:s10] =	ssyncadd.s32 $0xFFFFD800  }
0x1f: {  	[bflag:$0x0] =	sbarrier.arrive $0xFFFF  }
0x20: {  	[spmem:s2] =	stream.indirect.scatter.add.f32 [tilespmem:s11], [sflag:$0x1], $0x80, s3, s12, $0xb8;
	[tilespmem:$0x1A800] =	vst v63  }
0x21: {  	_ = 	snop  }
0x22: {  	[spmem:s2] =	stream.indirect.scatter.add.f32 [tilespmem:s11], [sflag:$0x1], $0x80, s12, s12, $0xb8;
	[tilespmem:$0x1A800] =	vst v63  }
0x23: {  	s0 =	simm.s32 $0x100  }
0x24: {  	[spmem:s2] =	stream.indirect.scatter.add.f32 [tilespmem:s11], [sflag:$0x1], $0x80, s0, s12, $0xb8;
	[tilespmem:$0x1A800] =	vst v63  }
0x25: {  	_ = 	snop  }
0x26: {  	[spmem:s2] =	stream.indirect.scatter.add.f32 [tilespmem:s11], [sflag:$0x1], $0x80, s14, s12, $0xb8;
	[tilespmem:$0x1A800] =	vst v63  }
0x27: {  	_ = 	snop  }
0x28: {  	[spmem:s2] =	stream.indirect.scatter.add.f32 [tilespmem:s11], [sflag:$0x1], $0x80, s15, s12, $0xb8;
	[tilespmem:$0x1A800] =	vst v63  }
0x29: {  	_ = 	snop  }
0x2a: {  	[spmem:s2] =	stream.indirect.scatter.add.f32 [tilespmem:s11], [sflag:$0x1], $0x80, s16, s12, $0xb8;
	[tilespmem:$0x1A800] =	vst v63  }
0x2b: {  	_ = 	snop  }
0x2c: {  	[spmem:s2] =	stream.indirect.scatter.add.f32 [tilespmem:s11], [sflag:$0x1], $0x80, s17, s12, $0xb8;
	[tilespmem:$0x1A800] =	vst v63  }
0x2d: {  	_ = 	snop  }
0x2e: {  	[spmem:s2] =	stream.indirect.scatter.add.f32 [tilespmem:s11], [sflag:$0x1], $0x80, s18, s12, $0xb8;
	[tilespmem:$0x1A800] =	vst v63  }
0x2f: {  	_ =	swait.ge [sflag:s19], $0x4000  }
0x30: {  	[sflag:s19] =	ssyncset.done $0x0  }
0x31: {  	[sflag:s19] =	ssyncadd.s32 $0xFFFFC000  }
0x32: {  	_ =	swait.ge [sflag:s19], $0x4000  }
0x33: {  	[sflag:s19] =	ssyncset.done $0x0  }
0x34: {  	[sflag:s19] =	ssyncadd.s32 $0xFFFFC000  }
0x35: {  	_ =	swait.ge [sflag:s19], $0x4000  }
0x36: {  	[sflag:s19] =	ssyncset.done $0x0  }
0x37: {  	[sflag:s19] =	ssyncadd.s32 $0xFFFFC000  }
0x38: {  	_ =	swait.ge [sflag:s19], $0x4000  }
0x39: {  	[sflag:s19] =	ssyncset.done $0x0  }
0x3a: {  	[sflag:s19] =	ssyncadd.s32 $0xFFFFC000  }
0x3b: {  	_ =	swait.ge [sflag:s19], $0x4000  }
0x3c: {  	[sflag:s19] =	ssyncset.done $0x0  }
0x3d: {  	[sflag:s19] =	ssyncadd.s32 $0xFFFFC000  }
0x3e: {  	_ =	swait.ge [sflag:s19], $0x4000  }
0x3f: {  	[sflag:s19] =	ssyncset.done $0x0  }
0x40: {  	[sflag:s19] =	ssyncadd.s32 $0xFFFFC000  }
0x41: {  	_ =	swait.ge [sflag:s19], $0x4000  }
0x42: {  	[sflag:s19] =	ssyncset.done $0x0  }
0x43: {  	[sflag:s19] =	ssyncadd.s32 $0xFFFFC000  }
0x44: {  	_ =	swait.ge [sflag:s19], $0x4000  }
0x45: {  	[sflag:s19] =	ssyncset.done $0x0  }
0x46: {  	[sflag:s19] =	ssyncadd.s32 $0xFFFFC000  }
0x47: {  	[spmem:s2] =	stream.indirect.scatter.add.f32 [tilespmem:s11], [sflag:$0x2], $0x80, s20, s12, $0xb8;
	[tilespmem:$0x1A800] =	vst v63  }
0x48: {  	_ = 	snop  }
0x49: {  	[spmem:s2] =	stream.indirect.scatter.add.f32 [tilespmem:s11], [sflag:$0x2], $0x80, s21, s12, $0xb8;
	[tilespmem:$0x1A800] =	vst v63  }
0x4a: {  	_ = 	snop  }
0x4b: {  	[spmem:s2] =	stream.indirect.scatter.add.f32 [tilespmem:s11], [sflag:$0x2], $0x80, s22, s12, $0xb8;
	[tilespmem:$0x1A800] =	vst v63  }
0x4c: {  	_ = 	snop  }
0x4d: {  	[spmem:s2] =	stream.indirect.scatter.add.f32 [tilespmem:s11], [sflag:$0x2], $0x80, s23, s12, $0xb8;
	[tilespmem:$0x1A800] =	vst v63  }
0x4e: {  	_ = 	snop  }
0x4f: {  	[spmem:s2] =	stream.indirect.scatter.add.f32 [tilespmem:s11], [sflag:$0x2], $0x80, s25, s12, $0xb8;
	[tilespmem:$0x1A800] =	vst v63  }
0x50: {  	_ = 	snop  }
0x51: {  	[spmem:s2] =	stream.indirect.scatter.add.f32 [tilespmem:s11], [sflag:$0x2], $0x80, s26, s12, $0xb8;
	[tilespmem:$0x1A800] =	vst v63  }
0x52: {  	_ = 	snop  }
0x53: {  	[spmem:s2] =	stream.indirect.scatter.add.f32 [tilespmem:s11], [sflag:$0x2], $0x80, s28, s12, $0xb8;
	[tilespmem:$0x1A800] =	vst v63  }
0x54: {  	_ = 	snop  }
0x55: {  	[spmem:s2] =	stream.indirect.scatter.add.f32 [tilespmem:s11], [sflag:$0x2], $0x80, s29, s12, $0xb8;
	[tilespmem:$0x1A800] =	vst v63  }
0x56: {  	_ =	swait.ge [sflag:s30], $0x4000  }
0x57: {  	[sflag:s30] =	ssyncset.done $0x0  }
0x58: {  	[sflag:s30] =	ssyncadd.s32 $0xFFFFC000  }
0x59: {  	_ =	swait.ge [sflag:s30], $0x4000  }
0x5a: {  	[sflag:s30] =	ssyncset.done $0x0  }
0x5b: {  	[sflag:s30] =	ssyncadd.s32 $0xFFFFC000  }
0x5c: {  	_ =	swait.ge [sflag:s30], $0x4000  }
0x5d: {  	[sflag:s30] =	ssyncset.done $0x0  }
0x5e: {  	[sflag:s30] =	ssyncadd.s32 $0xFFFFC000  }
0x5f: {  	_ =	swait.ge [sflag:s30], $0x4000  }
0x60: {  	[sflag:s30] =	ssyncset.done $0x0  }
0x61: {  	[sflag:s30] =	ssyncadd.s32 $0xFFFFC000  }
0x62: {  	_ =	swait.ge [sflag:s30], $0x4000  }
0x63: {  	[sflag:s30] =	ssyncset.done $0x0  }
0x64: {  	[sflag:s30] =	ssyncadd.s32 $0xFFFFC000  }
0x65: {  	_ =	swait.ge [sflag:s30], $0x4000  }
0x66: {  	[sflag:s30] =	ssyncset.done $0x0  }
0x67: {  	[sflag:s30] =	ssyncadd.s32 $0xFFFFC000  }
0x68: {  	_ =	swait.ge [sflag:s30], $0x4000  }
0x69: {  	[sflag:s30] =	ssyncset.done $0x0  }
0x6a: {  	[sflag:s30] =	ssyncadd.s32 $0xFFFFC000  }
0x6b: {  	_ =	swait.ge [sflag:s30], $0x4000  }
0x6c: {  	[sflag:s30] =	ssyncset.done $0x0  }
0x6d: {  	s13 =	simm.s32 $0x800;
	[sflag:s30] =	ssyncadd.s32 $0xFFFFC000  }
0x6e: {  	[spmem:s2] =	stream.indirect.scatter.add.f32 [tilespmem:s11], [sflag:$0x1], $0x80, s13, s12, $0xb8;
	[tilespmem:$0x1A800] =	vst v63  }
0x6f: {  	s1 =	simm.s32 $0x880  }
0x70: {  	[spmem:s2] =	stream.indirect.scatter.add.f32 [tilespmem:s11], [sflag:$0x1], $0x80, s1, s12, $0xb8;
	[tilespmem:$0x1A800] =	vst v63  }
0x71: {  	s13 =	simm.s32 $0x900  }
0x72: {  	[spmem:s2] =	stream.indirect.scatter.add.f32 [tilespmem:s11], [sflag:$0x1], $0x80, s13, s12, $0xb8;
	[tilespmem:$0x1A800] =	vst v63  }
0x73: {  	s1 =	simm.s32 $0x980  }
0x74: {  	[spmem:s2] =	stream.indirect.scatter.add.f32 [tilespmem:s11], [sflag:$0x1], $0x80, s1, s12, $0xb8;
	[tilespmem:$0x1A800] =	vst v63  }
0x75: {  	s13 =	simm.s32 $0xA00  }
0x76: {  	[spmem:s2] =	stream.indirect.scatter.add.f32 [tilespmem:s11], [sflag:$0x1], $0x80, s13, s12, $0xb8;
	[tilespmem:$0x1A800] =	vst v63  }
0x77: {  	s1 =	simm.s32 $0xA80  }
0x78: {  	[spmem:s2] =	stream.indirect.scatter.add.f32 [tilespmem:s11], [sflag:$0x1], $0x80, s1, s12, $0xb8;
	[tilespmem:$0x1A800] =	vst v63  }
0x79: {  	s13 =	simm.s32 $0xB00  }
0x7a: {  	[spmem:s2] =	stream.indirect.scatter.add.f32 [tilespmem:s11], [sflag:$0x1], $0x80, s13, s12, $0xb8;
	[tilespmem:$0x1A800] =	vst v63  }
0x7b: {  	s1 =	simm.s32 $0xB80  }
0x7c: {  	[spmem:s2] =	stream.indirect.scatter.add.f32 [tilespmem:s11], [sflag:$0x1], $0x80, s1, s12, $0xb8;
	[tilespmem:$0x1A800] =	vst v63  }
0x7d: {  	_ =	swait.ge [sflag:s19], $0x4000  }
0x7e: {  	[sflag:s19] =	ssyncset.done $0x0  }
0x7f: {  	[sflag:s19] =	ssyncadd.s32 $0xFFFFC000  }
0x80: {  	_ =	swait.ge [sflag:s19], $0x4000  }
0x81: {  	[sflag:s19] =	ssyncset.done $0x0  }
0x82: {  	[sflag:s19] =	ssyncadd.s32 $0xFFFFC000  }
0x83: {  	_ =	swait.ge [sflag:s19], $0x4000  }
0x84: {  	[sflag:s19] =	ssyncset.done $0x0  }
0x85: {  	[sflag:s19] =	ssyncadd.s32 $0xFFFFC000  }
0x86: {  	_ =	swait.ge [sflag:s19], $0x4000  }
0x87: {  	[sflag:s19] =	ssyncset.done $0x0  }
0x88: {  	[sflag:s19] =	ssyncadd.s32 $0xFFFFC000  }
0x89: {  	_ =	swait.ge [sflag:s19], $0x4000  }
0x8a: {  	[sflag:s19] =	ssyncset.done $0x0  }
0x8b: {  	[sflag:s19] =	ssyncadd.s32 $0xFFFFC000  }
0x8c: {  	_ =	swait.ge [sflag:s19], $0x4000  }
0x8d: {  	[sflag:s19] =	ssyncset.done $0x0  }
0x8e: {  	[sflag:s19] =	ssyncadd.s32 $0xFFFFC000  }
0x8f: {  	_ =	swait.ge [sflag:s19], $0x4000  }
0x90: {  	[sflag:s19] =	ssyncset.done $0x0  }
0x91: {  	[sflag:s19] =	ssyncadd.s32 $0xFFFFC000  }
0x92: {  	_ =	swait.ge [sflag:s19], $0x4000  }
0x93: {  	[sflag:s19] =	ssyncset.done $0x0  }
0x94: {  	s13 =	simm.s32 $0xC00;
	[sflag:s19] =	ssyncadd.s32 $0xFFFFC000  }
0x95: {  	[spmem:s2] =	stream.indirect.scatter.add.f32 [tilespmem:s11], [sflag:$0x2], $0x80, s13, s12, $0xb8;
	[tilespmem:$0x1A800] =	vst v63  }
0x96: {  	s1 =	simm.s32 $0xC80  }
0x97: {  	[spmem:s2] =	stream.indirect.scatter.add.f32 [tilespmem:s11], [sflag:$0x2], $0x80, s1, s12, $0xb8;
	[tilespmem:$0x1A800] =	vst v63  }
0x98: {  	s13 =	simm.s32 $0xD00  }
0x99: {  	[spmem:s2] =	stream.indirect.scatter.add.f32 [tilespmem:s11], [sflag:$0x2], $0x80, s13, s12, $0xb8;
	[tilespmem:$0x1A800] =	vst v63  }
0x9a: {  	s1 =	simm.s32 $0xD80  }
0x9b: {  	[spmem:s2] =	stream.indirect.scatter.add.f32 [tilespmem:s11], [sflag:$0x2], $0x80, s1, s12, $0xb8;
	[tilespmem:$0x1A800] =	vst v63  }
0x9c: {  	s13 =	simm.s32 $0xE00  }
0x9d: {  	[spmem:s2] =	stream.indirect.scatter.add.f32 [tilespmem:s11], [sflag:$0x2], $0x80, s13, s12, $0xb8;
	[tilespmem:$0x1A800] =	vst v63  }
0x9e: {  	s1 =	simm.s32 $0xE80  }
0x9f: {  	[spmem:s2] =	stream.indirect.scatter.add.f32 [tilespmem:s11], [sflag:$0x2], $0x80, s1, s12, $0xb8;
	[tilespmem:$0x1A800] =	vst v63  }
0xa0: {  	s0 =	simm.s32 $0x2000;
	s13 =	simm.s32 $0xF00;
	s1 =	simm.s32 $0xF80  }
0xa1: {  	[spmem:s2] =	stream.indirect.scatter.add.f32 [tilespmem:s11], [sflag:$0x2], $0x80, s13, s12, $0xb8;
	[tilespmem:$0x1A800] =	vst v63  }
.LBB2_2:
0xa2: {  	[spmem:s2] =	stream.indirect.scatter.add.f32 [tilespmem:s11], [sflag:$0x2], $0x80, s1, s12, $0xb8;
	[tilespmem:$0x1A800] =	vst v63  }
0xa3: {  	s1 =	smov.u32 s0  }
0xa4: {  	p0 =	sne.s32 s0, $0x6000;
	s0 =	sadd.s32 $0x2000, s0;
	_ =	swait.ge [sflag:s30], $0x4000  }
0xa5: {  	[sflag:s30] =	ssyncset.done $0x0  }
0xa6: {  	[sflag:s30] =	ssyncadd.s32 $0xFFFFC000  }
0xa7: {  	_ =	swait.ge [sflag:s30], $0x4000  }
0xa8: {  	[sflag:s30] =	ssyncset.done $0x0  }
0xa9: {  	[sflag:s30] =	ssyncadd.s32 $0xFFFFC000  }
0xaa: {  	_ =	swait.ge [sflag:s30], $0x4000  }
0xab: {  	[sflag:s30] =	ssyncset.done $0x0  }
0xac: {  	[sflag:s30] =	ssyncadd.s32 $0xFFFFC000  }
0xad: {  	_ =	swait.ge [sflag:s30], $0x4000  }
0xae: {  	[sflag:s30] =	ssyncset.done $0x0  }
0xaf: {  	[sflag:s30] =	ssyncadd.s32 $0xFFFFC000  }
0xb0: {  	_ =	swait.ge [sflag:s30], $0x4000  }
0xb1: {  	[sflag:s30] =	ssyncset.done $0x0  }
0xb2: {  	[sflag:s30] =	ssyncadd.s32 $0xFFFFC000  }
0xb3: {  	_ =	swait.ge [sflag:s30], $0x4000  }
0xb4: {  	[sflag:s30] =	ssyncset.done $0x0  }
0xb5: {  	[sflag:s30] =	ssyncadd.s32 $0xFFFFC000  }
0xb6: {  	_ =	swait.ge [sflag:s30], $0x4000  }
0xb7: {  	[sflag:s30] =	ssyncset.done $0x0  }
0xb8: {  	[sflag:s30] =	ssyncadd.s32 $0xFFFFC000  }
0xb9: {  	_ =	swait.ge [sflag:s30], $0x4000  }
0xba: {  	s1 =	sshra.s32 s1, $0x2;
	[sflag:s30] =	ssyncset.done $0x0  }
0xbb: {  	s13 =	sadd.s32 $0x800, s1;
	[sflag:s30] =	ssyncadd.s32 $0xFFFFC000  }
0xbc: {  	[spmem:s2] =	stream.indirect.scatter.add.f32 [tilespmem:s11], [sflag:$0x1], $0x80, s13, s12, $0xb8;
	[tilespmem:$0x1A800] =	vst v63  }
0xbd: {  	s13 =	sadd.s32 $0x880, s1  }
0xbe: {  	[spmem:s2] =	stream.indirect.scatter.add.f32 [tilespmem:s11], [sflag:$0x1], $0x80, s13, s12, $0xb8;
	[tilespmem:$0x1A800] =	vst v63  }
0xbf: {  	s13 =	sadd.s32 $0x900, s1  }
0xc0: {  	[spmem:s2] =	stream.indirect.scatter.add.f32 [tilespmem:s11], [sflag:$0x1], $0x80, s13, s12, $0xb8;
	[tilespmem:$0x1A800] =	vst v63  }
0xc1: {  	s13 =	sadd.s32 $0x980, s1  }
0xc2: {  	[spmem:s2] =	stream.indirect.scatter.add.f32 [tilespmem:s11], [sflag:$0x1], $0x80, s13, s12, $0xb8;
	[tilespmem:$0x1A800] =	vst v63  }
0xc3: {  	s13 =	sadd.s32 $0xA00, s1  }
0xc4: {  	[spmem:s2] =	stream.indirect.scatter.add.f32 [tilespmem:s11], [sflag:$0x1], $0x80, s13, s12, $0xb8;
	[tilespmem:$0x1A800] =	vst v63  }
0xc5: {  	s13 =	sadd.s32 $0xA80, s1  }
0xc6: {  	[spmem:s2] =	stream.indirect.scatter.add.f32 [tilespmem:s11], [sflag:$0x1], $0x80, s13, s12, $0xb8;
	[tilespmem:$0x1A800] =	vst v63  }
0xc7: {  	s13 =	sadd.s32 $0xB00, s1  }
0xc8: {  	[spmem:s2] =	stream.indirect.scatter.add.f32 [tilespmem:s11], [sflag:$0x1], $0x80, s13, s12, $0xb8;
	[tilespmem:$0x1A800] =	vst v63  }
0xc9: {  	s13 =	sadd.s32 $0xB80, s1  }
0xca: {  	[spmem:s2] =	stream.indirect.scatter.add.f32 [tilespmem:s11], [sflag:$0x1], $0x80, s13, s12, $0xb8;
	[tilespmem:$0x1A800] =	vst v63  }
0xcb: {  	_ =	swait.ge [sflag:s19], $0x4000  }
0xcc: {  	[sflag:s19] =	ssyncset.done $0x0  }
0xcd: {  	[sflag:s19] =	ssyncadd.s32 $0xFFFFC000  }
0xce: {  	_ =	swait.ge [sflag:s19], $0x4000  }
0xcf: {  	[sflag:s19] =	ssyncset.done $0x0  }
0xd0: {  	[sflag:s19] =	ssyncadd.s32 $0xFFFFC000  }
0xd1: {  	_ =	swait.ge [sflag:s19], $0x4000  }
0xd2: {  	[sflag:s19] =	ssyncset.done $0x0  }
0xd3: {  	[sflag:s19] =	ssyncadd.s32 $0xFFFFC000  }
0xd4: {  	_ =	swait.ge [sflag:s19], $0x4000  }
0xd5: {  	[sflag:s19] =	ssyncset.done $0x0  }
0xd6: {  	[sflag:s19] =	ssyncadd.s32 $0xFFFFC000  }
0xd7: {  	_ =	swait.ge [sflag:s19], $0x4000  }
0xd8: {  	[sflag:s19] =	ssyncset.done $0x0  }
0xd9: {  	[sflag:s19] =	ssyncadd.s32 $0xFFFFC000  }
0xda: {  	_ =	swait.ge [sflag:s19], $0x4000  }
0xdb: {  	[sflag:s19] =	ssyncset.done $0x0  }
0xdc: {  	[sflag:s19] =	ssyncadd.s32 $0xFFFFC000  }
0xdd: {  	_ =	swait.ge [sflag:s19], $0x4000  }
0xde: {  	[sflag:s19] =	ssyncset.done $0x0  }
0xdf: {  	[sflag:s19] =	ssyncadd.s32 $0xFFFFC000  }
0xe0: {  	_ =	swait.ge [sflag:s19], $0x4000  }
0xe1: {  	[sflag:s19] =	ssyncset.done $0x0  }
0xe2: {  	s13 =	sadd.s32 $0xC00, s1;
	[sflag:s19] =	ssyncadd.s32 $0xFFFFC000  }
0xe3: {  	[spmem:s2] =	stream.indirect.scatter.add.f32 [tilespmem:s11], [sflag:$0x2], $0x80, s13, s12, $0xb8;
	[tilespmem:$0x1A800] =	vst v63  }
0xe4: {  	s13 =	sadd.s32 $0xC80, s1  }
0xe5: {  	[spmem:s2] =	stream.indirect.scatter.add.f32 [tilespmem:s11], [sflag:$0x2], $0x80, s13, s12, $0xb8;
	[tilespmem:$0x1A800] =	vst v63  }
0xe6: {  	s13 =	sadd.s32 $0xD00, s1  }
0xe7: {  	[spmem:s2] =	stream.indirect.scatter.add.f32 [tilespmem:s11], [sflag:$0x2], $0x80, s13, s12, $0xb8;
	[tilespmem:$0x1A800] =	vst v63  }
0xe8: {  	s13 =	sadd.s32 $0xD80, s1  }
0xe9: {  	[spmem:s2] =	stream.indirect.scatter.add.f32 [tilespmem:s11], [sflag:$0x2], $0x80, s13, s12, $0xb8;
	[tilespmem:$0x1A800] =	vst v63  }
0xea: {  	s13 =	sadd.s32 $0xE00, s1  }
0xeb: {  	[spmem:s2] =	stream.indirect.scatter.add.f32 [tilespmem:s11], [sflag:$0x2], $0x80, s13, s12, $0xb8;
	[tilespmem:$0x1A800] =	vst v63  }
.Ltmp0:
0xec: {  	s13 =	sadd.s32 $0xE80, s1;
	(pc) =	sbr.rel @p0 .LBB2_2-.Ltmp0, $4  }
0xed: {  	[spmem:s2] =	stream.indirect.scatter.add.f32 [tilespmem:s11], [sflag:$0x2], $0x80, s13, s12, $0xb8;
	[tilespmem:$0x1A800] =	vst v63  }
0xee: {  	s13 =	sadd.s32 $0xF00, s1  }
0xef: {  	[spmem:s2] =	stream.indirect.scatter.add.f32 [tilespmem:s11], [sflag:$0x2], $0x80, s13, s12, $0xb8;
	[tilespmem:$0x1A800] =	vst v63  }
0xf0: {  	s1 =	sadd.s32 $0xF80, s1  }
0xf1: {  	[spmem:s2] =	stream.indirect.scatter.add.f32 [tilespmem:s11], [sflag:$0x2], $0x80, s1, s12, $0xb8;
	[tilespmem:$0x1A800] =	vst v63  }
0xf2: {  	_ =	swait.ge [sflag:s30], $0x4000  }
0xf3: {  	[sflag:s30] =	ssyncset.done $0x0  }
0xf4: {  	[sflag:s30] =	ssyncadd.s32 $0xFFFFC000  }
0xf5: {  	_ =	swait.ge [sflag:s30], $0x4000  }
0xf6: {  	[sflag:s30] =	ssyncset.done $0x0  }
0xf7: {  	[sflag:s30] =	ssyncadd.s32 $0xFFFFC000  }
0xf8: {  	_ =	swait.ge [sflag:s30], $0x4000  }
0xf9: {  	[sflag:s30] =	ssyncset.done $0x0  }
0xfa: {  	[sflag:s30] =	ssyncadd.s32 $0xFFFFC000  }
0xfb: {  	_ =	swait.ge [sflag:s30], $0x4000  }
0xfc: {  	[sflag:s30] =	ssyncset.done $0x0  }
0xfd: {  	[sflag:s30] =	ssyncadd.s32 $0xFFFFC000  }
0xfe: {  	_ =	swait.ge [sflag:s30], $0x4000  }
0xff: {  	[sflag:s30] =	ssyncset.done $0x0  }
0x100: {  	[sflag:s30] =	ssyncadd.s32 $0xFFFFC000  }
0x101: {  	_ =	swait.ge [sflag:s30], $0x4000  }
0x102: {  	[sflag:s30] =	ssyncset.done $0x0  }
0x103: {  	[sflag:s30] =	ssyncadd.s32 $0xFFFFC000  }
0x104: {  	_ =	swait.ge [sflag:s30], $0x4000  }
0x105: {  	[sflag:s30] =	ssyncset.done $0x0  }
0x106: {  	[sflag:s30] =	ssyncadd.s32 $0xFFFFC000  }
0x107: {  	_ =	swait.ge [sflag:s30], $0x4000  }
0x108: {  	s31 =	sadd.s32 $0x1, s31;
	[sflag:s30] =	ssyncset.done $0x0  }
0x109: {  	p0 =	sne.s32 s31, s8;
	[sflag:s30] =	ssyncadd.s32 $0xFFFFC000  }
.Ltmp1:
0x10a: {  	[bflag:$0x0] =	sbarrier.arrive $0xFFFF;
	(pc) =	sbr.rel @p0 .LBB2_1-.Ltmp1, $4  }
0x10b: {  	[hbm:s24], [sflag:s6] =	dma.local [spmem:s9], $0x2800  }
0x10c: {  	_ =	swait.ge [sflag:s10], $0x2800  }
0x10d: {  	[sflag:s10] =	ssyncset.done $0x0  }
0x10e: {  	[sflag:s10] =	ssyncadd.s32 $0xFFFFD800  }
0x10f: {  	_ =	sfence.sel $0x180000  }
0x110: {  	[bflag:$0x0] =	sbarrier.arrive $0xFFFF  }
0x111: {  	_ =	strace $0x90000047  }
0x112: {  	s0 =	stileid.u32;
	[bflag:$0x2] =	sbarrier.arrive $0xFFFF  }
0x113: {  	p0 =	sne.s32 s0, $0x0;
	s0 =	rddreg [dreg:$0x3]  }
0x114: {  	s0 =	sadd.s32 @!p0 $0x100000, s0  }
0x115: {  	[sflag:s0] =	ssyncadd.tile.s32 @!p0 $0x1;
	_ =	shalt  }
.Lfunc_end2:
_tile_overlayer_lowered:
.L_overlay_start_2:
0x116: {  	(tag) =	ssettag $0x2  }
0x117: {  	s0 =	rddreg [dreg:$0x0];
	s2 =	stileid.u32  }
0x118: {  	s1 =	rddreg [dreg:$0x1];
	p0 =	sne.s32 s2, $0x0  }
0x119: {  	s3 =	rddreg [dreg:$0x2];
	[bflag:$0x3] =	sbarrier.arrive $0xFFFF;
	s2 =	simm.s32 @!p0 $0x1C03  }
0x11a: {  	[timem:s3], [sflag:s2] =	dma.local @!p0 [hbm:s0], s1  }
0x11b: {  	s0 =	simm.s32 @!p0 $0x3  }
0x11c: {  	_ =	swait.ge @!p0 [sflag:s0], s1  }
0x11d: {  	s1 =	ssub.s32 @!p0 $0x0, s1;
	[sflag:s0] =	ssyncset.done @!p0 $0x0  }
0x11e: {  	[sflag:s0] =	ssyncadd.s32 @!p0 s1  }
0x11f: {  	[bflag:$0x3] =	sbarrier.arrive $0xFFFF  }
0x120: {  	_ =	shalt  }

</sc_bundles>
